<compile_context>
chip_gen: v7x
topology: tpu7x:2x2x1
jax: 0.10.2.dev20260603
libtpu: 0.0.44.dev20260713+nightly
codegen_flags: <defaults>
</compile_context>

<pallas_src>
import functools
import math

import jax
import jax.numpy as jnp
from jax import lax
from jax.experimental import pallas as pl
from jax.experimental.pallas import tpu as pltpu
from jax.experimental.pallas import tpu_sc as plsc

BATCH = 16384
HIST = 200
EMB = 32
N = BATCH * HIST
SCALE = math.sqrt(EMB)

NUM_CORES = 2
NUM_SUBCORES = 16
NW = NUM_CORES * NUM_SUBCORES
PER_W = N // NW

IDX_MINOR = 128
GPC = 4
CHUNK = IDX_MINOR * GPC
NCHUNKS = PER_W // CHUNK
NBUF = 4
SUPERS = NCHUNKS // NBUF

B_PER_W = BATCH // NW
PLANE = EMB * HIST

_mesh = plsc.VectorSubcoreMesh(core_axis_name="c", subcore_axis_name="s")


@functools.partial(
    pl.kernel,
    mesh=_mesh,
    compiler_params=pltpu.CompilerParams(use_tc_tiling_on_sc=False),
    out_type=jax.ShapeDtypeStruct((N * EMB // 128, 128), jnp.float32),
    scratch_types=[
        pltpu.VMEM((NBUF, GPC, IDX_MINOR), jnp.int32),
        pltpu.VMEM((NBUF, CHUNK, EMB), jnp.float32),
        pltpu.SemaphoreType.DMA((NBUF,)),
        pltpu.SemaphoreType.DMA((NBUF,)),
        pltpu.SemaphoreType.DMA((NBUF,)),
    ],
)
def _embed_sc(tok_hbm, tab_hbm, out_hbm, idx_v, rows_v, gsem, osem, isem):
    wid = lax.axis_index("s") * NUM_CORES + lax.axis_index("c")
    idx_row_base = wid * (PER_W // IDX_MINOR)
    chunk_base = wid * NCHUNKS

    def out_slice(c):
        g = chunk_base + c
        return (g // 4) * 512, lax.rem(g, 4) * EMB

    def fire_gathers(slot):
        for j in range(GPC):
            pltpu.async_copy(
                tab_hbm.at[idx_v.at[slot].at[j]],
                rows_v.at[slot].at[pl.ds(j * IDX_MINOR, IDX_MINOR)],
                gsem.at[slot],
            )

    def fire_idx(slot, chunk):
        pltpu.async_copy(
            tok_hbm.at[pl.ds(idx_row_base + chunk * GPC, GPC)],
            idx_v.at[slot],
            isem.at[slot],
        )

    def wait_gather(slot):
        pltpu.make_async_copy(
            tab_hbm.at[pl.ds(0, CHUNK)], rows_v.at[slot], gsem.at[slot]
        ).wait()

    def wait_store(slot):
        pltpu.make_async_copy(
            rows_v.at[slot],
            out_hbm.at[pl.ds(0, CHUNK)].at[:, pl.ds(0, EMB)],
            osem.at[slot],
        ).wait()

    def wait_idx(slot):
        pltpu.make_async_copy(
            tok_hbm.at[pl.ds(0, GPC)], idx_v.at[slot], isem.at[slot]
        ).wait()

    def wrap(chunk):
        return lax.rem(chunk, NCHUNKS)

    for b in range(NBUF - 1):
        pltpu.sync_copy(
            tok_hbm.at[pl.ds(idx_row_base + b * GPC, GPC)], idx_v.at[b]
        )
        fire_gathers(b)
    fire_idx(NBUF - 1, jnp.int32(NBUF - 1))

    def super_body(k, carry):
        for b in range(NBUF):
            c = k * NBUF + b
            fb = (b + NBUF - 1) % NBUF
            wait_gather(b)

            @plsc.parallel_loop(0, CHUNK, unroll=8)
            def _scale(r):
                for h in range(EMB // 16):
                    sl = rows_v[b, r, pl.ds(h * 16, 16)]
                    rows_v[b, r, pl.ds(h * 16, 16)] = sl * SCALE

            r0, c0 = out_slice(c)
            pltpu.async_copy(
                rows_v.at[b],
                out_hbm.at[pl.ds(r0, CHUNK)].at[:, pl.ds(c0, EMB)],
                osem.at[b],
            )

            wait_idx(fb)
            if b == 0:
                @pl.when(k > 0)
                def _():
                    wait_store(fb)
            else:
                wait_store(fb)
            fire_gathers(fb)

            fire_idx(b, wrap(c + NBUF))
        return carry

    lax.fori_loop(0, SUPERS, super_body, 0)

    for b in range(NBUF - 1):
        wait_gather(b)
    wait_idx(NBUF - 1)
    wait_store(NBUF - 1)


def _retile_tc_body(x_ref, o_ref):
    xt = jnp.transpose(x_ref[...])
    o_ref[...] = jnp.concatenate(
        [xt[EMB * q:EMB * (q + 1), 512 * r:512 * (r + 1)]
         for r in range(8) for q in range(4)],
        axis=1,
    )[None]


_retile_tc = pl.pallas_call(
    _retile_tc_body,
    grid=(HIST,),
    in_specs=[
        pl.BlockSpec((4096, 128), lambda h: (h, 0)),
    ],
    out_specs=pl.BlockSpec((1, EMB, BATCH), lambda h: (h, 0, 0)),
    out_shape=jax.ShapeDtypeStruct((HIST, EMB, BATCH), jnp.float32),
)


def kernel(tokens, table):
    tok_hm = tokens.astype(jnp.int32).T.reshape(N // IDX_MINOR, IDX_MINOR)
    rows = _embed_sc(tok_hm, table)
    out = _retile_tc(rows)
    return out.transpose(2, 0, 1)

# --- scband reference (transcript-rebuilt; emitter-appended) ---
"""Pipeline reference for scband-token-embedding-24498493456712 (READ-ONLY COPY).

The authoritative reference and input builder live on the scoring server;
editing this copy changes nothing except your own understanding.
"""

import math
import jax, jax.numpy as jnp
import numpy as np

VOCAB_SIZE = 1000000
EMB_SIZE = 32
BATCH = 16384
HIST_LEN = 200


def setup_inputs(seed: int = 0) -> dict:
    key = jax.random.key(seed)
    k_tok, k_tab = jax.random.split(key)
    tokens = jax.random.randint(k_tok, (BATCH, HIST_LEN), 0, VOCAB_SIZE, dtype=jnp.int64 if jax.config.jax_enable_x64 else jnp.int32)
    table = jax.random.normal(k_tab, (VOCAB_SIZE, EMB_SIZE), dtype=jnp.float32)
    return {"tokens": tokens, "table": table}


def reference(tokens, table):
    # TokenEmbedding.forward: embedding(tokens.long()) * sqrt(emb_size)
    emb = jnp.take(table, tokens.astype(jnp.int32), axis=0)
    return emb * math.sqrt(EMB_SIZE)

if __name__ == "__main__":
    import jax
    _d = setup_inputs()
    print(jax.jit(kernel)(*tuple(_d.values())))

</pallas_src>

<mosaic_0001>
#map = affine_map<(d0, d1) -> (0, 0)>
module attributes {stable_mosaic.version = 14 : i64} {
  func.func @_embed_sc(%arg0: i32, %arg1: i32, %arg2: memref<25600x128xi32, #tpu.memory_space<hbm>>, %arg3: memref<1000000x32xf32, #tpu.memory_space<hbm>>, %arg4: memref<819200x128xf32, #tpu.memory_space<hbm>>, %arg5: memref<4x4x128xi32, #tpu.memory_space<vmem>>, %arg6: memref<4x512x32xf32, #tpu.memory_space<vmem>>, %arg7: memref<4x!tpu.dma_semaphore, #tpu.memory_space<semaphore_mem>>, %arg8: memref<4x!tpu.dma_semaphore, #tpu.memory_space<semaphore_mem>>, %arg9: memref<4x!tpu.dma_semaphore, #tpu.memory_space<semaphore_mem>>) attributes {dimension_semantics = [#tpu.dimension_semantics<core_parallel>, #tpu.dimension_semantics<subcore_parallel>], iteration_bounds = array<i64: 2, 16>, scalar_prefetch = 0 : i64, scratch_operands = 5 : i64, tpu.core_type = #tpu.core_type<sc_vector_subcore>, window_params = [{transform_indices = #map}, {transform_indices = #map}, {transform_indices = #map}]} {
    %mul3A = arith.constant 2 : i32
    %mul3A_0 = arith.muli %arg1, %mul3A : i32
    %add3A = arith.addi %mul3A_0, %arg0 : i32
    %mul3A_1 = arith.constant 800 : i32
    %mul3A_2 = arith.muli %add3A, %mul3A_1 : i32
    %mul3A_3 = arith.constant 200 : i32
    %mul3A_4 = arith.muli %add3A, %mul3A_3 : i32
    %add3A_5 = arith.constant 0 : i32
    %add3A_6 = arith.addi %mul3A_2, %add3A_5 : i32
    %run_scoped3A = arith.constant 0 : i32
    "tpu.region"() ({
      %run_scoped3A_408 = tpu.sem_alloc : memref<!tpu.dma_semaphore, #tpu.memory_space<semaphore_mem>>
      %dma_start3A_409 = arith.constant 0 : i32
      %dma_start3A_410 = arith.constant 0 : i32
      %dma_start3A_411 = tpu.memref_slice %arg5[%run_scoped3A, %dma_start3A_409, %dma_start3A_410] : memref<4x4x128xi32, #tpu.memory_space<vmem>> -> memref<1x4x128xi32, #tpu.memory_space<vmem>>
      %dma_start3A_412 = tpu.memref_squeeze %dma_start3A_411 : memref<1x4x128xi32, #tpu.memory_space<vmem>> -> memref<4x128xi32, #tpu.memory_space<vmem>>
      %dma_start3A_413 = arith.constant 0 : i32
      %dma_start3A_414 = tpu.memref_slice %arg2[%add3A_6, %dma_start3A_413] : memref<25600x128xi32, #tpu.memory_space<hbm>> -> memref<4x128xi32, #tpu.memory_space<hbm>>
      %dma_start3A_415 = arith.constant 0 : i32
      %dma_start3A_416 = arith.constant 0 : i32
      %dma_start3A_417 = tpu.memref_slice %arg5[%run_scoped3A, %dma_start3A_415, %dma_start3A_416] : memref<4x4x128xi32, #tpu.memory_space<vmem>> -> memref<1x4x128xi32, #tpu.memory_space<vmem>>
      %dma_start3A_418 = tpu.memref_squeeze %dma_start3A_417 : memref<1x4x128xi32, #tpu.memory_space<vmem>> -> memref<4x128xi32, #tpu.memory_space<vmem>>
      %dma_start3A_419 = arith.constant 0 : i32
      %dma_start3A_420 = tpu.memref_slice %arg2[%add3A_6, %dma_start3A_419] : memref<25600x128xi32, #tpu.memory_space<hbm>> -> memref<4x128xi32, #tpu.memory_space<hbm>>
      tpu.enqueue_dma source(%dma_start3A_420 : memref<4x128xi32, #tpu.memory_space<hbm>>) target(%dma_start3A_418 : memref<4x128xi32, #tpu.memory_space<vmem>>) target_semaphore(%run_scoped3A_408 : memref<!tpu.dma_semaphore, #tpu.memory_space<semaphore_mem>>)
      %dma_wait3A_421 = arith.constant 0 : i32
      %dma_wait3A_422 = arith.constant 0 : i32
      %dma_wait3A_423 = tpu.memref_slice %arg5[%run_scoped3A, %dma_wait3A_421, %dma_wait3A_422] : memref<4x4x128xi32, #tpu.memory_space<vmem>> -> memref<1x4x128xi32, #tpu.memory_space<vmem>>
      %dma_wait3A_424 = tpu.memref_squeeze %dma_wait3A_423 : memref<1x4x128xi32, #tpu.memory_space<vmem>> -> memref<4x128xi32, #tpu.memory_space<vmem>>
      %dma_wait3A_425 = arith.constant 0 : i32
      %dma_wait3A_426 = tpu.memref_slice %arg2[%add3A_6, %dma_wait3A_425] : memref<25600x128xi32, #tpu.memory_space<hbm>> -> memref<4x128xi32, #tpu.memory_space<hbm>>
      %dma_wait3A_427 = arith.constant 0 : i32
      %dma_wait3A_428 = arith.constant 0 : i32
      %dma_wait3A_429 = tpu.memref_slice %arg5[%run_scoped3A, %dma_wait3A_427, %dma_wait3A_428] : memref<4x4x128xi32, #tpu.memory_space<vmem>> -> memref<1x4x128xi32, #tpu.memory_space<vmem>>
      %dma_wait3A_430 = tpu.memref_squeeze %dma_wait3A_429 : memref<1x4x128xi32, #tpu.memory_space<vmem>> -> memref<4x128xi32, #tpu.memory_space<vmem>>
      %dma_wait3A_431 = arith.constant 0 : i32
      %dma_wait3A_432 = tpu.memref_slice %arg2[%add3A_6, %dma_wait3A_431] : memref<25600x128xi32, #tpu.memory_space<hbm>> -> memref<4x128xi32, #tpu.memory_space<hbm>>
      tpu.wait_dma2 semaphore(%run_scoped3A_408 : memref<!tpu.dma_semaphore, #tpu.memory_space<semaphore_mem>>) src(%dma_wait3A_432 : memref<4x128xi32, #tpu.memory_space<hbm>>) dst(%dma_wait3A_430 : memref<4x128xi32, #tpu.memory_space<vmem>>)
      tpu.yield
    }) : () -> ()
    %dma_start3A = arith.constant 0 : i32
    %dma_start3A_7 = arith.constant 0 : i32
    %dma_start3A_8 = arith.constant 0 : i32
    %dma_start3A_9 = arith.constant 0 : i32
    %dma_start3A_10 = arith.constant 0 : i32
    %dma_start3A_11 = arith.constant 0 : i32
    %dma_start3A_12 = tpu.memref_slice %arg6[%dma_start3A_8, %dma_start3A_10, %dma_start3A_11] : memref<4x512x32xf32, #tpu.memory_space<vmem>> -> memref<1x512x32xf32, #tpu.memory_space<vmem>>
    %dma_start3A_13 = tpu.memref_squeeze %dma_start3A_12 : memref<1x512x32xf32, #tpu.memory_space<vmem>> -> memref<512x32xf32, #tpu.memory_space<vmem>>
    %dma_start3A_14 = arith.constant 0 : i32
    %dma_start3A_15 = arith.constant 0 : i32
    %dma_start3A_16 = tpu.memref_slice %dma_start3A_13[%dma_start3A_14, %dma_start3A_15] : memref<512x32xf32, #tpu.memory_space<vmem>> -> memref<128x32xf32, #tpu.memory_space<vmem>>
    %dma_start3A_17 = arith.constant 0 : i32
    %dma_start3A_18 = arith.constant 0 : i32
    %dma_start3A_19 = tpu.memref_slice %arg5[%dma_start3A, %dma_start3A_17, %dma_start3A_18] : memref<4x4x128xi32, #tpu.memory_space<vmem>> -> memref<1x4x128xi32, #tpu.memory_space<vmem>>
    %dma_start3A_20 = tpu.memref_squeeze %dma_start3A_19 : memref<1x4x128xi32, #tpu.memory_space<vmem>> -> memref<4x128xi32, #tpu.memory_space<vmem>>
    %dma_start3A_21 = arith.constant 0 : i32
    %dma_start3A_22 = tpu.memref_slice %dma_start3A_20[%dma_start3A_7, %dma_start3A_21] : memref<4x128xi32, #tpu.memory_space<vmem>> -> memref<1x128xi32, #tpu.memory_space<vmem>>
    %dma_start3A_23 = tpu.memref_squeeze %dma_start3A_22 : memref<1x128xi32, #tpu.memory_space<vmem>> -> memref<128xi32, #tpu.memory_space<vmem>>
    %dma_start3A_24 = arith.constant 0 : i32
    %dma_start3A_25 = arith.constant 0 : i32
    %dma_start3A_26 = tpu.memref_slice %arg3[%dma_start3A_24, %dma_start3A_25] : memref<1000000x32xf32, #tpu.memory_space<hbm>> -> memref<1000000x32xf32, #tpu.memory_space<hbm>>
    %dma_start3A_27 = tpu.memref_slice %arg7[%dma_start3A_9] : memref<4x!tpu.dma_semaphore, #tpu.memory_space<semaphore_mem>> -> memref<1x!tpu.dma_semaphore, #tpu.memory_space<semaphore_mem>>
    %dma_start3A_28 = tpu.memref_squeeze %dma_start3A_27 : memref<1x!tpu.dma_semaphore, #tpu.memory_space<semaphore_mem>> -> memref<!tpu.dma_semaphore, #tpu.memory_space<semaphore_mem>>
    tpu.enqueue_indirect_dma source(%dma_start3A_26 : memref<1000000x32xf32, #tpu.memory_space<hbm>>) target(%dma_start3A_16 : memref<128x32xf32, #tpu.memory_space<vmem>>) offsets(%dma_start3A_23 : memref<128xi32, #tpu.memory_space<vmem>>) semaphore(%dma_start3A_28 : memref<!tpu.dma_semaphore, #tpu.memory_space<semaphore_mem>>)
    %dma_start3A_29 = arith.constant 0 : i32
    %dma_start3A_30 = arith.constant 1 : i32
    %dma_start3A_31 = arith.constant 0 : i32
    %dma_start3A_32 = arith.constant 0 : i32
    %dma_start3A_33 = arith.constant 0 : i32
    %dma_start3A_34 = arith.constant 0 : i32
    %dma_start3A_35 = tpu.memref_slice %arg6[%dma_start3A_31, %dma_start3A_33, %dma_start3A_34] : memref<4x512x32xf32, #tpu.memory_space<vmem>> -> memref<1x512x32xf32, #tpu.memory_space<vmem>>
    %dma_start3A_36 = tpu.memref_squeeze %dma_start3A_35 : memref<1x512x32xf32, #tpu.memory_space<vmem>> -> memref<512x32xf32, #tpu.memory_space<vmem>>
    %dma_start3A_37 = arith.constant 128 : i32
    %dma_start3A_38 = arith.constant 0 : i32
    %dma_start3A_39 = tpu.memref_slice %dma_start3A_36[%dma_start3A_37, %dma_start3A_38] : memref<512x32xf32, #tpu.memory_space<vmem>> -> memref<128x32xf32, #tpu.memory_space<vmem>>
    %dma_start3A_40 = arith.constant 0 : i32
    %dma_start3A_41 = arith.constant 0 : i32
    %dma_start3A_42 = tpu.memref_slice %arg5[%dma_start3A_29, %dma_start3A_40, %dma_start3A_41] : memref<4x4x128xi32, #tpu.memory_space<vmem>> -> memref<1x4x128xi32, #tpu.memory_space<vmem>>
    %dma_start3A_43 = tpu.memref_squeeze %dma_start3A_42 : memref<1x4x128xi32, #tpu.memory_space<vmem>> -> memref<4x128xi32, #tpu.memory_space<vmem>>
    %dma_start3A_44 = arith.constant 0 : i32
    %dma_start3A_45 = tpu.memref_slice %dma_start3A_43[%dma_start3A_30, %dma_start3A_44] : memref<4x128xi32, #tpu.memory_space<vmem>> -> memref<1x128xi32, #tpu.memory_space<vmem>>
    %dma_start3A_46 = tpu.memref_squeeze %dma_start3A_45 : memref<1x128xi32, #tpu.memory_space<vmem>> -> memref<128xi32, #tpu.memory_space<vmem>>
    %dma_start3A_47 = arith.constant 0 : i32
    %dma_start3A_48 = arith.constant 0 : i32
    %dma_start3A_49 = tpu.memref_slice %arg3[%dma_start3A_47, %dma_start3A_48] : memref<1000000x32xf32, #tpu.memory_space<hbm>> -> memref<1000000x32xf32, #tpu.memory_space<hbm>>
    %dma_start3A_50 = tpu.memref_slice %arg7[%dma_start3A_32] : memref<4x!tpu.dma_semaphore, #tpu.memory_space<semaphore_mem>> -> memref<1x!tpu.dma_semaphore, #tpu.memory_space<semaphore_mem>>
    %dma_start3A_51 = tpu.memref_squeeze %dma_start3A_50 : memref<1x!tpu.dma_semaphore, #tpu.memory_space<semaphore_mem>> -> memref<!tpu.dma_semaphore, #tpu.memory_space<semaphore_mem>>
    tpu.enqueue_indirect_dma source(%dma_start3A_49 : memref<1000000x32xf32, #tpu.memory_space<hbm>>) target(%dma_start3A_39 : memref<128x32xf32, #tpu.memory_space<vmem>>) offsets(%dma_start3A_46 : memref<128xi32, #tpu.memory_space<vmem>>) semaphore(%dma_start3A_51 : memref<!tpu.dma_semaphore, #tpu.memory_space<semaphore_mem>>)
    %dma_start3A_52 = arith.constant 0 : i32
    %dma_start3A_53 = arith.constant 2 : i32
    %dma_start3A_54 = arith.constant 0 : i32
    %dma_start3A_55 = arith.constant 0 : i32
    %dma_start3A_56 = arith.constant 0 : i32
    %dma_start3A_57 = arith.constant 0 : i32
    %dma_start3A_58 = tpu.memref_slice %arg6[%dma_start3A_54, %dma_start3A_56, %dma_start3A_57] : memref<4x512x32xf32, #tpu.memory_space<vmem>> -> memref<1x512x32xf32, #tpu.memory_space<vmem>>
    %dma_start3A_59 = tpu.memref_squeeze %dma_start3A_58 : memref<1x512x32xf32, #tpu.memory_space<vmem>> -> memref<512x32xf32, #tpu.memory_space<vmem>>
    %dma_start3A_60 = arith.constant 256 : i32
    %dma_start3A_61 = arith.constant 0 : i32
    %dma_start3A_62 = tpu.memref_slice %dma_start3A_59[%dma_start3A_60, %dma_start3A_61] : memref<512x32xf32, #tpu.memory_space<vmem>> -> memref<128x32xf32, #tpu.memory_space<vmem>>
    %dma_start3A_63 = arith.constant 0 : i32
    %dma_start3A_64 = arith.constant 0 : i32
    %dma_start3A_65 = tpu.memref_slice %arg5[%dma_start3A_52, %dma_start3A_63, %dma_start3A_64] : memref<4x4x128xi32, #tpu.memory_space<vmem>> -> memref<1x4x128xi32, #tpu.memory_space<vmem>>
    %dma_start3A_66 = tpu.memref_squeeze %dma_start3A_65 : memref<1x4x128xi32, #tpu.memory_space<vmem>> -> memref<4x128xi32, #tpu.memory_space<vmem>>
    %dma_start3A_67 = arith.constant 0 : i32
    %dma_start3A_68 = tpu.memref_slice %dma_start3A_66[%dma_start3A_53, %dma_start3A_67] : memref<4x128xi32, #tpu.memory_space<vmem>> -> memref<1x128xi32, #tpu.memory_space<vmem>>
    %dma_start3A_69 = tpu.memref_squeeze %dma_start3A_68 : memref<1x128xi32, #tpu.memory_space<vmem>> -> memref<128xi32, #tpu.memory_space<vmem>>
    %dma_start3A_70 = arith.constant 0 : i32
    %dma_start3A_71 = arith.constant 0 : i32
    %dma_start3A_72 = tpu.memref_slice %arg3[%dma_start3A_70, %dma_start3A_71] : memref<1000000x32xf32, #tpu.memory_space<hbm>> -> memref<1000000x32xf32, #tpu.memory_space<hbm>>
    %dma_start3A_73 = tpu.memref_slice %arg7[%dma_start3A_55] : memref<4x!tpu.dma_semaphore, #tpu.memory_space<semaphore_mem>> -> memref<1x!tpu.dma_semaphore, #tpu.memory_space<semaphore_mem>>
    %dma_start3A_74 = tpu.memref_squeeze %dma_start3A_73 : memref<1x!tpu.dma_semaphore, #tpu.memory_space<semaphore_mem>> -> memref<!tpu.dma_semaphore, #tpu.memory_space<semaphore_mem>>
    tpu.enqueue_indirect_dma source(%dma_start3A_72 : memref<1000000x32xf32, #tpu.memory_space<hbm>>) target(%dma_start3A_62 : memref<128x32xf32, #tpu.memory_space<vmem>>) offsets(%dma_start3A_69 : memref<128xi32, #tpu.memory_space<vmem>>) semaphore(%dma_start3A_74 : memref<!tpu.dma_semaphore, #tpu.memory_space<semaphore_mem>>)
    %dma_start3A_75 = arith.constant 0 : i32
    %dma_start3A_76 = arith.constant 3 : i32
    %dma_start3A_77 = arith.constant 0 : i32
    %dma_start3A_78 = arith.constant 0 : i32
    %dma_start3A_79 = arith.constant 0 : i32
    %dma_start3A_80 = arith.constant 0 : i32
    %dma_start3A_81 = tpu.memref_slice %arg6[%dma_start3A_77, %dma_start3A_79, %dma_start3A_80] : memref<4x512x32xf32, #tpu.memory_space<vmem>> -> memref<1x512x32xf32, #tpu.memory_space<vmem>>
    %dma_start3A_82 = tpu.memref_squeeze %dma_start3A_81 : memref<1x512x32xf32, #tpu.memory_space<vmem>> -> memref<512x32xf32, #tpu.memory_space<vmem>>
    %dma_start3A_83 = arith.constant 384 : i32
    %dma_start3A_84 = arith.constant 0 : i32
    %dma_start3A_85 = tpu.memref_slice %dma_start3A_82[%dma_start3A_83, %dma_start3A_84] : memref<512x32xf32, #tpu.memory_space<vmem>> -> memref<128x32xf32, #tpu.memory_space<vmem>>
    %dma_start3A_86 = arith.constant 0 : i32
    %dma_start3A_87 = arith.constant 0 : i32
    %dma_start3A_88 = tpu.memref_slice %arg5[%dma_start3A_75, %dma_start3A_86, %dma_start3A_87] : memref<4x4x128xi32, #tpu.memory_space<vmem>> -> memref<1x4x128xi32, #tpu.memory_space<vmem>>
    %dma_start3A_89 = tpu.memref_squeeze %dma_start3A_88 : memref<1x4x128xi32, #tpu.memory_space<vmem>> -> memref<4x128xi32, #tpu.memory_space<vmem>>
    %dma_start3A_90 = arith.constant 0 : i32
    %dma_start3A_91 = tpu.memref_slice %dma_start3A_89[%dma_start3A_76, %dma_start3A_90] : memref<4x128xi32, #tpu.memory_space<vmem>> -> memref<1x128xi32, #tpu.memory_space<vmem>>
    %dma_start3A_92 = tpu.memref_squeeze %dma_start3A_91 : memref<1x128xi32, #tpu.memory_space<vmem>> -> memref<128xi32, #tpu.memory_space<vmem>>
    %dma_start3A_93 = arith.constant 0 : i32
    %dma_start3A_94 = arith.constant 0 : i32
    %dma_start3A_95 = tpu.memref_slice %arg3[%dma_start3A_93, %dma_start3A_94] : memref<1000000x32xf32, #tpu.memory_space<hbm>> -> memref<1000000x32xf32, #tpu.memory_space<hbm>>
    %dma_start3A_96 = tpu.memref_slice %arg7[%dma_start3A_78] : memref<4x!tpu.dma_semaphore, #tpu.memory_space<semaphore_mem>> -> memref<1x!tpu.dma_semaphore, #tpu.memory_space<semaphore_mem>>
    %dma_start3A_97 = tpu.memref_squeeze %dma_start3A_96 : memref<1x!tpu.dma_semaphore, #tpu.memory_space<semaphore_mem>> -> memref<!tpu.dma_semaphore, #tpu.memory_space<semaphore_mem>>
    tpu.enqueue_indirect_dma source(%dma_start3A_95 : memref<1000000x32xf32, #tpu.memory_space<hbm>>) target(%dma_start3A_85 : memref<128x32xf32, #tpu.memory_space<vmem>>) offsets(%dma_start3A_92 : memref<128xi32, #tpu.memory_space<vmem>>) semaphore(%dma_start3A_97 : memref<!tpu.dma_semaphore, #tpu.memory_space<semaphore_mem>>)
    %add3A_98 = arith.constant 4 : i32
    %add3A_99 = arith.addi %mul3A_2, %add3A_98 : i32
    %run_scoped3A_100 = arith.constant 1 : i32
    "tpu.region"() ({
      %run_scoped3A_408 = tpu.sem_alloc : memref<!tpu.dma_semaphore, #tpu.memory_space<semaphore_mem>>
      %dma_start3A_409 = arith.constant 0 : i32
      %dma_start3A_410 = arith.constant 0 : i32
      %dma_start3A_411 = tpu.memref_slice %arg5[%run_scoped3A_100, %dma_start3A_409, %dma_start3A_410] : memref<4x4x128xi32, #tpu.memory_space<vmem>> -> memref<1x4x128xi32, #tpu.memory_space<vmem>>
      %dma_start3A_412 = tpu.memref_squeeze %dma_start3A_411 : memref<1x4x128xi32, #tpu.memory_space<vmem>> -> memref<4x128xi32, #tpu.memory_space<vmem>>
      %dma_start3A_413 = arith.constant 0 : i32
      %dma_start3A_414 = tpu.memref_slice %arg2[%add3A_99, %dma_start3A_413] : memref<25600x128xi32, #tpu.memory_space<hbm>> -> memref<4x128xi32, #tpu.memory_space<hbm>>
      %dma_start3A_415 = arith.constant 0 : i32
      %dma_start3A_416 = arith.constant 0 : i32
      %dma_start3A_417 = tpu.memref_slice %arg5[%run_scoped3A_100, %dma_start3A_415, %dma_start3A_416] : memref<4x4x128xi32, #tpu.memory_space<vmem>> -> memref<1x4x128xi32, #tpu.memory_space<vmem>>
      %dma_start3A_418 = tpu.memref_squeeze %dma_start3A_417 : memref<1x4x128xi32, #tpu.memory_space<vmem>> -> memref<4x128xi32, #tpu.memory_space<vmem>>
      %dma_start3A_419 = arith.constant 0 : i32
      %dma_start3A_420 = tpu.memref_slice %arg2[%add3A_99, %dma_start3A_419] : memref<25600x128xi32, #tpu.memory_space<hbm>> -> memref<4x128xi32, #tpu.memory_space<hbm>>
      tpu.enqueue_dma source(%dma_start3A_420 : memref<4x128xi32, #tpu.memory_space<hbm>>) target(%dma_start3A_418 : memref<4x128xi32, #tpu.memory_space<vmem>>) target_semaphore(%run_scoped3A_408 : memref<!tpu.dma_semaphore, #tpu.memory_space<semaphore_mem>>)
      %dma_wait3A_421 = arith.constant 0 : i32
      %dma_wait3A_422 = arith.constant 0 : i32
      %dma_wait3A_423 = tpu.memref_slice %arg5[%run_scoped3A_100, %dma_wait3A_421, %dma_wait3A_422] : memref<4x4x128xi32, #tpu.memory_space<vmem>> -> memref<1x4x128xi32, #tpu.memory_space<vmem>>
      %dma_wait3A_424 = tpu.memref_squeeze %dma_wait3A_423 : memref<1x4x128xi32, #tpu.memory_space<vmem>> -> memref<4x128xi32, #tpu.memory_space<vmem>>
      %dma_wait3A_425 = arith.constant 0 : i32
      %dma_wait3A_426 = tpu.memref_slice %arg2[%add3A_99, %dma_wait3A_425] : memref<25600x128xi32, #tpu.memory_space<hbm>> -> memref<4x128xi32, #tpu.memory_space<hbm>>
      %dma_wait3A_427 = arith.constant 0 : i32
      %dma_wait3A_428 = arith.constant 0 : i32
      %dma_wait3A_429 = tpu.memref_slice %arg5[%run_scoped3A_100, %dma_wait3A_427, %dma_wait3A_428] : memref<4x4x128xi32, #tpu.memory_space<vmem>> -> memref<1x4x128xi32, #tpu.memory_space<vmem>>
      %dma_wait3A_430 = tpu.memref_squeeze %dma_wait3A_429 : memref<1x4x128xi32, #tpu.memory_space<vmem>> -> memref<4x128xi32, #tpu.memory_space<vmem>>
      %dma_wait3A_431 = arith.constant 0 : i32
      %dma_wait3A_432 = tpu.memref_slice %arg2[%add3A_99, %dma_wait3A_431] : memref<25600x128xi32, #tpu.memory_space<hbm>> -> memref<4x128xi32, #tpu.memory_space<hbm>>
      tpu.wait_dma2 semaphore(%run_scoped3A_408 : memref<!tpu.dma_semaphore, #tpu.memory_space<semaphore_mem>>) src(%dma_wait3A_432 : memref<4x128xi32, #tpu.memory_space<hbm>>) dst(%dma_wait3A_430 : memref<4x128xi32, #tpu.memory_space<vmem>>)
      tpu.yield
    }) : () -> ()
    %dma_start3A_101 = arith.constant 1 : i32
    %dma_start3A_102 = arith.constant 0 : i32
    %dma_start3A_103 = arith.constant 1 : i32
    %dma_start3A_104 = arith.constant 1 : i32
    %dma_start3A_105 = arith.constant 0 : i32
    %dma_start3A_106 = arith.constant 0 : i32
    %dma_start3A_107 = tpu.memref_slice %arg6[%dma_start3A_103, %dma_start3A_105, %dma_start3A_106] : memref<4x512x32xf32, #tpu.memory_space<vmem>> -> memref<1x512x32xf32, #tpu.memory_space<vmem>>
    %dma_start3A_108 = tpu.memref_squeeze %dma_start3A_107 : memref<1x512x32xf32, #tpu.memory_space<vmem>> -> memref<512x32xf32, #tpu.memory_space<vmem>>
    %dma_start3A_109 = arith.constant 0 : i32
    %dma_start3A_110 = arith.constant 0 : i32
    %dma_start3A_111 = tpu.memref_slice %dma_start3A_108[%dma_start3A_109, %dma_start3A_110] : memref<512x32xf32, #tpu.memory_space<vmem>> -> memref<128x32xf32, #tpu.memory_space<vmem>>
    %dma_start3A_112 = arith.constant 0 : i32
    %dma_start3A_113 = arith.constant 0 : i32
    %dma_start3A_114 = tpu.memref_slice %arg5[%dma_start3A_101, %dma_start3A_112, %dma_start3A_113] : memref<4x4x128xi32, #tpu.memory_space<vmem>> -> memref<1x4x128xi32, #tpu.memory_space<vmem>>
    %dma_start3A_115 = tpu.memref_squeeze %dma_start3A_114 : memref<1x4x128xi32, #tpu.memory_space<vmem>> -> memref<4x128xi32, #tpu.memory_space<vmem>>
    %dma_start3A_116 = arith.constant 0 : i32
    %dma_start3A_117 = tpu.memref_slice %dma_start3A_115[%dma_start3A_102, %dma_start3A_116] : memref<4x128xi32, #tpu.memory_space<vmem>> -> memref<1x128xi32, #tpu.memory_space<vmem>>
    %dma_start3A_118 = tpu.memref_squeeze %dma_start3A_117 : memref<1x128xi32, #tpu.memory_space<vmem>> -> memref<128xi32, #tpu.memory_space<vmem>>
    %dma_start3A_119 = arith.constant 0 : i32
    %dma_start3A_120 = arith.constant 0 : i32
    %dma_start3A_121 = tpu.memref_slice %arg3[%dma_start3A_119, %dma_start3A_120] : memref<1000000x32xf32, #tpu.memory_space<hbm>> -> memref<1000000x32xf32, #tpu.memory_space<hbm>>
    %dma_start3A_122 = tpu.memref_slice %arg7[%dma_start3A_104] : memref<4x!tpu.dma_semaphore, #tpu.memory_space<semaphore_mem>> -> memref<1x!tpu.dma_semaphore, #tpu.memory_space<semaphore_mem>>
    %dma_start3A_123 = tpu.memref_squeeze %dma_start3A_122 : memref<1x!tpu.dma_semaphore, #tpu.memory_space<semaphore_mem>> -> memref<!tpu.dma_semaphore, #tpu.memory_space<semaphore_mem>>
    tpu.enqueue_indirect_dma source(%dma_start3A_121 : memref<1000000x32xf32, #tpu.memory_space<hbm>>) target(%dma_start3A_111 : memref<128x32xf32, #tpu.memory_space<vmem>>) offsets(%dma_start3A_118 : memref<128xi32, #tpu.memory_space<vmem>>) semaphore(%dma_start3A_123 : memref<!tpu.dma_semaphore, #tpu.memory_space<semaphore_mem>>)
    %dma_start3A_124 = arith.constant 1 : i32
    %dma_start3A_125 = arith.constant 1 : i32
    %dma_start3A_126 = arith.constant 1 : i32
    %dma_start3A_127 = arith.constant 1 : i32
    %dma_start3A_128 = arith.constant 0 : i32
    %dma_start3A_129 = arith.constant 0 : i32
    %dma_start3A_130 = tpu.memref_slice %arg6[%dma_start3A_126, %dma_start3A_128, %dma_start3A_129] : memref<4x512x32xf32, #tpu.memory_space<vmem>> -> memref<1x512x32xf32, #tpu.memory_space<vmem>>
    %dma_start3A_131 = tpu.memref_squeeze %dma_start3A_130 : memref<1x512x32xf32, #tpu.memory_space<vmem>> -> memref<512x32xf32, #tpu.memory_space<vmem>>
    %dma_start3A_132 = arith.constant 128 : i32
    %dma_start3A_133 = arith.constant 0 : i32
    %dma_start3A_134 = tpu.memref_slice %dma_start3A_131[%dma_start3A_132, %dma_start3A_133] : memref<512x32xf32, #tpu.memory_space<vmem>> -> memref<128x32xf32, #tpu.memory_space<vmem>>
    %dma_start3A_135 = arith.constant 0 : i32
    %dma_start3A_136 = arith.constant 0 : i32
    %dma_start3A_137 = tpu.memref_slice %arg5[%dma_start3A_124, %dma_start3A_135, %dma_start3A_136] : memref<4x4x128xi32, #tpu.memory_space<vmem>> -> memref<1x4x128xi32, #tpu.memory_space<vmem>>
    %dma_start3A_138 = tpu.memref_squeeze %dma_start3A_137 : memref<1x4x128xi32, #tpu.memory_space<vmem>> -> memref<4x128xi32, #tpu.memory_space<vmem>>
    %dma_start3A_139 = arith.constant 0 : i32
    %dma_start3A_140 = tpu.memref_slice %dma_start3A_138[%dma_start3A_125, %dma_start3A_139] : memref<4x128xi32, #tpu.memory_space<vmem>> -> memref<1x128xi32, #tpu.memory_space<vmem>>
    %dma_start3A_141 = tpu.memref_squeeze %dma_start3A_140 : memref<1x128xi32, #tpu.memory_space<vmem>> -> memref<128xi32, #tpu.memory_space<vmem>>
    %dma_start3A_142 = arith.constant 0 : i32
    %dma_start3A_143 = arith.constant 0 : i32
    %dma_start3A_144 = tpu.memref_slice %arg3[%dma_start3A_142, %dma_start3A_143] : memref<1000000x32xf32, #tpu.memory_space<hbm>> -> memref<1000000x32xf32, #tpu.memory_space<hbm>>
    %dma_start3A_145 = tpu.memref_slice %arg7[%dma_start3A_127] : memref<4x!tpu.dma_semaphore, #tpu.memory_space<semaphore_mem>> -> memref<1x!tpu.dma_semaphore, #tpu.memory_space<semaphore_mem>>
    %dma_start3A_146 = tpu.memref_squeeze %dma_start3A_145 : memref<1x!tpu.dma_semaphore, #tpu.memory_space<semaphore_mem>> -> memref<!tpu.dma_semaphore, #tpu.memory_space<semaphore_mem>>
    tpu.enqueue_indirect_dma source(%dma_start3A_144 : memref<1000000x32xf32, #tpu.memory_space<hbm>>) target(%dma_start3A_134 : memref<128x32xf32, #tpu.memory_space<vmem>>) offsets(%dma_start3A_141 : memref<128xi32, #tpu.memory_space<vmem>>) semaphore(%dma_start3A_146 : memref<!tpu.dma_semaphore, #tpu.memory_space<semaphore_mem>>)
    %dma_start3A_147 = arith.constant 1 : i32
    %dma_start3A_148 = arith.constant 2 : i32
    %dma_start3A_149 = arith.constant 1 : i32
    %dma_start3A_150 = arith.constant 1 : i32
    %dma_start3A_151 = arith.constant 0 : i32
    %dma_start3A_152 = arith.constant 0 : i32
    %dma_start3A_153 = tpu.memref_slice %arg6[%dma_start3A_149, %dma_start3A_151, %dma_start3A_152] : memref<4x512x32xf32, #tpu.memory_space<vmem>> -> memref<1x512x32xf32, #tpu.memory_space<vmem>>
    %dma_start3A_154 = tpu.memref_squeeze %dma_start3A_153 : memref<1x512x32xf32, #tpu.memory_space<vmem>> -> memref<512x32xf32, #tpu.memory_space<vmem>>
    %dma_start3A_155 = arith.constant 256 : i32
    %dma_start3A_156 = arith.constant 0 : i32
    %dma_start3A_157 = tpu.memref_slice %dma_start3A_154[%dma_start3A_155, %dma_start3A_156] : memref<512x32xf32, #tpu.memory_space<vmem>> -> memref<128x32xf32, #tpu.memory_space<vmem>>
    %dma_start3A_158 = arith.constant 0 : i32
    %dma_start3A_159 = arith.constant 0 : i32
    %dma_start3A_160 = tpu.memref_slice %arg5[%dma_start3A_147, %dma_start3A_158, %dma_start3A_159] : memref<4x4x128xi32, #tpu.memory_space<vmem>> -> memref<1x4x128xi32, #tpu.memory_space<vmem>>
    %dma_start3A_161 = tpu.memref_squeeze %dma_start3A_160 : memref<1x4x128xi32, #tpu.memory_space<vmem>> -> memref<4x128xi32, #tpu.memory_space<vmem>>
    %dma_start3A_162 = arith.constant 0 : i32
    %dma_start3A_163 = tpu.memref_slice %dma_start3A_161[%dma_start3A_148, %dma_start3A_162] : memref<4x128xi32, #tpu.memory_space<vmem>> -> memref<1x128xi32, #tpu.memory_space<vmem>>
    %dma_start3A_164 = tpu.memref_squeeze %dma_start3A_163 : memref<1x128xi32, #tpu.memory_space<vmem>> -> memref<128xi32, #tpu.memory_space<vmem>>
    %dma_start3A_165 = arith.constant 0 : i32
    %dma_start3A_166 = arith.constant 0 : i32
    %dma_start3A_167 = tpu.memref_slice %arg3[%dma_start3A_165, %dma_start3A_166] : memref<1000000x32xf32, #tpu.memory_space<hbm>> -> memref<1000000x32xf32, #tpu.memory_space<hbm>>
    %dma_start3A_168 = tpu.memref_slice %arg7[%dma_start3A_150] : memref<4x!tpu.dma_semaphore, #tpu.memory_space<semaphore_mem>> -> memref<1x!tpu.dma_semaphore, #tpu.memory_space<semaphore_mem>>
    %dma_start3A_169 = tpu.memref_squeeze %dma_start3A_168 : memref<1x!tpu.dma_semaphore, #tpu.memory_space<semaphore_mem>> -> memref<!tpu.dma_semaphore, #tpu.memory_space<semaphore_mem>>
    tpu.enqueue_indirect_dma source(%dma_start3A_167 : memref<1000000x32xf32, #tpu.memory_space<hbm>>) target(%dma_start3A_157 : memref<128x32xf32, #tpu.memory_space<vmem>>) offsets(%dma_start3A_164 : memref<128xi32, #tpu.memory_space<vmem>>) semaphore(%dma_start3A_169 : memref<!tpu.dma_semaphore, #tpu.memory_space<semaphore_mem>>)
    %dma_start3A_170 = arith.constant 1 : i32
    %dma_start3A_171 = arith.constant 3 : i32
    %dma_start3A_172 = arith.constant 1 : i32
    %dma_start3A_173 = arith.constant 1 : i32
    %dma_start3A_174 = arith.constant 0 : i32
    %dma_start3A_175 = arith.constant 0 : i32
    %dma_start3A_176 = tpu.memref_slice %arg6[%dma_start3A_172, %dma_start3A_174, %dma_start3A_175] : memref<4x512x32xf32, #tpu.memory_space<vmem>> -> memref<1x512x32xf32, #tpu.memory_space<vmem>>
    %dma_start3A_177 = tpu.memref_squeeze %dma_start3A_176 : memref<1x512x32xf32, #tpu.memory_space<vmem>> -> memref<512x32xf32, #tpu.memory_space<vmem>>
    %dma_start3A_178 = arith.constant 384 : i32
    %dma_start3A_179 = arith.constant 0 : i32
    %dma_start3A_180 = tpu.memref_slice %dma_start3A_177[%dma_start3A_178, %dma_start3A_179] : memref<512x32xf32, #tpu.memory_space<vmem>> -> memref<128x32xf32, #tpu.memory_space<vmem>>
    %dma_start3A_181 = arith.constant 0 : i32
    %dma_start3A_182 = arith.constant 0 : i32
    %dma_start3A_183 = tpu.memref_slice %arg5[%dma_start3A_170, %dma_start3A_181, %dma_start3A_182] : memref<4x4x128xi32, #tpu.memory_space<vmem>> -> memref<1x4x128xi32, #tpu.memory_space<vmem>>
    %dma_start3A_184 = tpu.memref_squeeze %dma_start3A_183 : memref<1x4x128xi32, #tpu.memory_space<vmem>> -> memref<4x128xi32, #tpu.memory_space<vmem>>
    %dma_start3A_185 = arith.constant 0 : i32
    %dma_start3A_186 = tpu.memref_slice %dma_start3A_184[%dma_start3A_171, %dma_start3A_185] : memref<4x128xi32, #tpu.memory_space<vmem>> -> memref<1x128xi32, #tpu.memory_space<vmem>>
    %dma_start3A_187 = tpu.memref_squeeze %dma_start3A_186 : memref<1x128xi32, #tpu.memory_space<vmem>> -> memref<128xi32, #tpu.memory_space<vmem>>
    %dma_start3A_188 = arith.constant 0 : i32
    %dma_start3A_189 = arith.constant 0 : i32
    %dma_start3A_190 = tpu.memref_slice %arg3[%dma_start3A_188, %dma_start3A_189] : memref<1000000x32xf32, #tpu.memory_space<hbm>> -> memref<1000000x32xf32, #tpu.memory_space<hbm>>
    %dma_start3A_191 = tpu.memref_slice %arg7[%dma_start3A_173] : memref<4x!tpu.dma_semaphore, #tpu.memory_space<semaphore_mem>> -> memref<1x!tpu.dma_semaphore, #tpu.memory_space<semaphore_mem>>
    %dma_start3A_192 = tpu.memref_squeeze %dma_start3A_191 : memref<1x!tpu.dma_semaphore, #tpu.memory_space<semaphore_mem>> -> memref<!tpu.dma_semaphore, #tpu.memory_space<semaphore_mem>>
    tpu.enqueue_indirect_dma source(%dma_start3A_190 : memref<1000000x32xf32, #tpu.memory_space<hbm>>) target(%dma_start3A_180 : memref<128x32xf32, #tpu.memory_space<vmem>>) offsets(%dma_start3A_187 : memref<128xi32, #tpu.memory_space<vmem>>) semaphore(%dma_start3A_192 : memref<!tpu.dma_semaphore, #tpu.memory_space<semaphore_mem>>)
    %add3A_193 = arith.constant 8 : i32
    %add3A_194 = arith.addi %mul3A_2, %add3A_193 : i32
    %run_scoped3A_195 = arith.constant 2 : i32
    "tpu.region"() ({
      %run_scoped3A_408 = tpu.sem_alloc : memref<!tpu.dma_semaphore, #tpu.memory_space<semaphore_mem>>
      %dma_start3A_409 = arith.constant 0 : i32
      %dma_start3A_410 = arith.constant 0 : i32
      %dma_start3A_411 = tpu.memref_slice %arg5[%run_scoped3A_195, %dma_start3A_409, %dma_start3A_410] : memref<4x4x128xi32, #tpu.memory_space<vmem>> -> memref<1x4x128xi32, #tpu.memory_space<vmem>>
      %dma_start3A_412 = tpu.memref_squeeze %dma_start3A_411 : memref<1x4x128xi32, #tpu.memory_space<vmem>> -> memref<4x128xi32, #tpu.memory_space<vmem>>
      %dma_start3A_413 = arith.constant 0 : i32
      %dma_start3A_414 = tpu.memref_slice %arg2[%add3A_194, %dma_start3A_413] : memref<25600x128xi32, #tpu.memory_space<hbm>> -> memref<4x128xi32, #tpu.memory_space<hbm>>
      %dma_start3A_415 = arith.constant 0 : i32
      %dma_start3A_416 = arith.constant 0 : i32
      %dma_start3A_417 = tpu.memref_slice %arg5[%run_scoped3A_195, %dma_start3A_415, %dma_start3A_416] : memref<4x4x128xi32, #tpu.memory_space<vmem>> -> memref<1x4x128xi32, #tpu.memory_space<vmem>>
      %dma_start3A_418 = tpu.memref_squeeze %dma_start3A_417 : memref<1x4x128xi32, #tpu.memory_space<vmem>> -> memref<4x128xi32, #tpu.memory_space<vmem>>
      %dma_start3A_419 = arith.constant 0 : i32
      %dma_start3A_420 = tpu.memref_slice %arg2[%add3A_194, %dma_start3A_419] : memref<25600x128xi32, #tpu.memory_space<hbm>> -> memref<4x128xi32, #tpu.memory_space<hbm>>
      tpu.enqueue_dma source(%dma_start3A_420 : memref<4x128xi32, #tpu.memory_space<hbm>>) target(%dma_start3A_418 : memref<4x128xi32, #tpu.memory_space<vmem>>) target_semaphore(%run_scoped3A_408 : memref<!tpu.dma_semaphore, #tpu.memory_space<semaphore_mem>>)
      %dma_wait3A_421 = arith.constant 0 : i32
      %dma_wait3A_422 = arith.constant 0 : i32
      %dma_wait3A_423 = tpu.memref_slice %arg5[%run_scoped3A_195, %dma_wait3A_421, %dma_wait3A_422] : memref<4x4x128xi32, #tpu.memory_space<vmem>> -> memref<1x4x128xi32, #tpu.memory_space<vmem>>
      %dma_wait3A_424 = tpu.memref_squeeze %dma_wait3A_423 : memref<1x4x128xi32, #tpu.memory_space<vmem>> -> memref<4x128xi32, #tpu.memory_space<vmem>>
      %dma_wait3A_425 = arith.constant 0 : i32
      %dma_wait3A_426 = tpu.memref_slice %arg2[%add3A_194, %dma_wait3A_425] : memref<25600x128xi32, #tpu.memory_space<hbm>> -> memref<4x128xi32, #tpu.memory_space<hbm>>
      %dma_wait3A_427 = arith.constant 0 : i32
      %dma_wait3A_428 = arith.constant 0 : i32
      %dma_wait3A_429 = tpu.memref_slice %arg5[%run_scoped3A_195, %dma_wait3A_427, %dma_wait3A_428] : memref<4x4x128xi32, #tpu.memory_space<vmem>> -> memref<1x4x128xi32, #tpu.memory_space<vmem>>
      %dma_wait3A_430 = tpu.memref_squeeze %dma_wait3A_429 : memref<1x4x128xi32, #tpu.memory_space<vmem>> -> memref<4x128xi32, #tpu.memory_space<vmem>>
      %dma_wait3A_431 = arith.constant 0 : i32
      %dma_wait3A_432 = tpu.memref_slice %arg2[%add3A_194, %dma_wait3A_431] : memref<25600x128xi32, #tpu.memory_space<hbm>> -> memref<4x128xi32, #tpu.memory_space<hbm>>
      tpu.wait_dma2 semaphore(%run_scoped3A_408 : memref<!tpu.dma_semaphore, #tpu.memory_space<semaphore_mem>>) src(%dma_wait3A_432 : memref<4x128xi32, #tpu.memory_space<hbm>>) dst(%dma_wait3A_430 : memref<4x128xi32, #tpu.memory_space<vmem>>)
      tpu.yield
    }) : () -> ()
    %dma_start3A_196 = arith.constant 2 : i32
    %dma_start3A_197 = arith.constant 0 : i32
    %dma_start3A_198 = arith.constant 2 : i32
    %dma_start3A_199 = arith.constant 2 : i32
    %dma_start3A_200 = arith.constant 0 : i32
    %dma_start3A_201 = arith.constant 0 : i32
    %dma_start3A_202 = tpu.memref_slice %arg6[%dma_start3A_198, %dma_start3A_200, %dma_start3A_201] : memref<4x512x32xf32, #tpu.memory_space<vmem>> -> memref<1x512x32xf32, #tpu.memory_space<vmem>>
    %dma_start3A_203 = tpu.memref_squeeze %dma_start3A_202 : memref<1x512x32xf32, #tpu.memory_space<vmem>> -> memref<512x32xf32, #tpu.memory_space<vmem>>
    %dma_start3A_204 = arith.constant 0 : i32
    %dma_start3A_205 = arith.constant 0 : i32
    %dma_start3A_206 = tpu.memref_slice %dma_start3A_203[%dma_start3A_204, %dma_start3A_205] : memref<512x32xf32, #tpu.memory_space<vmem>> -> memref<128x32xf32, #tpu.memory_space<vmem>>
    %dma_start3A_207 = arith.constant 0 : i32
    %dma_start3A_208 = arith.constant 0 : i32
    %dma_start3A_209 = tpu.memref_slice %arg5[%dma_start3A_196, %dma_start3A_207, %dma_start3A_208] : memref<4x4x128xi32, #tpu.memory_space<vmem>> -> memref<1x4x128xi32, #tpu.memory_space<vmem>>
    %dma_start3A_210 = tpu.memref_squeeze %dma_start3A_209 : memref<1x4x128xi32, #tpu.memory_space<vmem>> -> memref<4x128xi32, #tpu.memory_space<vmem>>
    %dma_start3A_211 = arith.constant 0 : i32
    %dma_start3A_212 = tpu.memref_slice %dma_start3A_210[%dma_start3A_197, %dma_start3A_211] : memref<4x128xi32, #tpu.memory_space<vmem>> -> memref<1x128xi32, #tpu.memory_space<vmem>>
    %dma_start3A_213 = tpu.memref_squeeze %dma_start3A_212 : memref<1x128xi32, #tpu.memory_space<vmem>> -> memref<128xi32, #tpu.memory_space<vmem>>
    %dma_start3A_214 = arith.constant 0 : i32
    %dma_start3A_215 = arith.constant 0 : i32
    %dma_start3A_216 = tpu.memref_slice %arg3[%dma_start3A_214, %dma_start3A_215] : memref<1000000x32xf32, #tpu.memory_space<hbm>> -> memref<1000000x32xf32, #tpu.memory_space<hbm>>
    %dma_start3A_217 = tpu.memref_slice %arg7[%dma_start3A_199] : memref<4x!tpu.dma_semaphore, #tpu.memory_space<semaphore_mem>> -> memref<1x!tpu.dma_semaphore, #tpu.memory_space<semaphore_mem>>
    %dma_start3A_218 = tpu.memref_squeeze %dma_start3A_217 : memref<1x!tpu.dma_semaphore, #tpu.memory_space<semaphore_mem>> -> memref<!tpu.dma_semaphore, #tpu.memory_space<semaphore_mem>>
    tpu.enqueue_indirect_dma source(%dma_start3A_216 : memref<1000000x32xf32, #tpu.memory_space<hbm>>) target(%dma_start3A_206 : memref<128x32xf32, #tpu.memory_space<vmem>>) offsets(%dma_start3A_213 : memref<128xi32, #tpu.memory_space<vmem>>) semaphore(%dma_start3A_218 : memref<!tpu.dma_semaphore, #tpu.memory_space<semaphore_mem>>)
    %dma_start3A_219 = arith.constant 2 : i32
    %dma_start3A_220 = arith.constant 1 : i32
    %dma_start3A_221 = arith.constant 2 : i32
    %dma_start3A_222 = arith.constant 2 : i32
    %dma_start3A_223 = arith.constant 0 : i32
    %dma_start3A_224 = arith.constant 0 : i32
    %dma_start3A_225 = tpu.memref_slice %arg6[%dma_start3A_221, %dma_start3A_223, %dma_start3A_224] : memref<4x512x32xf32, #tpu.memory_space<vmem>> -> memref<1x512x32xf32, #tpu.memory_space<vmem>>
    %dma_start3A_226 = tpu.memref_squeeze %dma_start3A_225 : memref<1x512x32xf32, #tpu.memory_space<vmem>> -> memref<512x32xf32, #tpu.memory_space<vmem>>
    %dma_start3A_227 = arith.constant 128 : i32
    %dma_start3A_228 = arith.constant 0 : i32
    %dma_start3A_229 = tpu.memref_slice %dma_start3A_226[%dma_start3A_227, %dma_start3A_228] : memref<512x32xf32, #tpu.memory_space<vmem>> -> memref<128x32xf32, #tpu.memory_space<vmem>>
    %dma_start3A_230 = arith.constant 0 : i32
    %dma_start3A_231 = arith.constant 0 : i32
    %dma_start3A_232 = tpu.memref_slice %arg5[%dma_start3A_219, %dma_start3A_230, %dma_start3A_231] : memref<4x4x128xi32, #tpu.memory_space<vmem>> -> memref<1x4x128xi32, #tpu.memory_space<vmem>>
    %dma_start3A_233 = tpu.memref_squeeze %dma_start3A_232 : memref<1x4x128xi32, #tpu.memory_space<vmem>> -> memref<4x128xi32, #tpu.memory_space<vmem>>
    %dma_start3A_234 = arith.constant 0 : i32
    %dma_start3A_235 = tpu.memref_slice %dma_start3A_233[%dma_start3A_220, %dma_start3A_234] : memref<4x128xi32, #tpu.memory_space<vmem>> -> memref<1x128xi32, #tpu.memory_space<vmem>>
    %dma_start3A_236 = tpu.memref_squeeze %dma_start3A_235 : memref<1x128xi32, #tpu.memory_space<vmem>> -> memref<128xi32, #tpu.memory_space<vmem>>
    %dma_start3A_237 = arith.constant 0 : i32
    %dma_start3A_238 = arith.constant 0 : i32
    %dma_start3A_239 = tpu.memref_slice %arg3[%dma_start3A_237, %dma_start3A_238] : memref<1000000x32xf32, #tpu.memory_space<hbm>> -> memref<1000000x32xf32, #tpu.memory_space<hbm>>
    %dma_start3A_240 = tpu.memref_slice %arg7[%dma_start3A_222] : memref<4x!tpu.dma_semaphore, #tpu.memory_space<semaphore_mem>> -> memref<1x!tpu.dma_semaphore, #tpu.memory_space<semaphore_mem>>
    %dma_start3A_241 = tpu.memref_squeeze %dma_start3A_240 : memref<1x!tpu.dma_semaphore, #tpu.memory_space<semaphore_mem>> -> memref<!tpu.dma_semaphore, #tpu.memory_space<semaphore_mem>>
    tpu.enqueue_indirect_dma source(%dma_start3A_239 : memref<1000000x32xf32, #tpu.memory_space<hbm>>) target(%dma_start3A_229 : memref<128x32xf32, #tpu.memory_space<vmem>>) offsets(%dma_start3A_236 : memref<128xi32, #tpu.memory_space<vmem>>) semaphore(%dma_start3A_241 : memref<!tpu.dma_semaphore, #tpu.memory_space<semaphore_mem>>)
    %dma_start3A_242 = arith.constant 2 : i32
    %dma_start3A_243 = arith.constant 2 : i32
    %dma_start3A_244 = arith.constant 2 : i32
    %dma_start3A_245 = arith.constant 2 : i32
    %dma_start3A_246 = arith.constant 0 : i32
    %dma_start3A_247 = arith.constant 0 : i32
    %dma_start3A_248 = tpu.memref_slice %arg6[%dma_start3A_244, %dma_start3A_246, %dma_start3A_247] : memref<4x512x32xf32, #tpu.memory_space<vmem>> -> memref<1x512x32xf32, #tpu.memory_space<vmem>>
    %dma_start3A_249 = tpu.memref_squeeze %dma_start3A_248 : memref<1x512x32xf32, #tpu.memory_space<vmem>> -> memref<512x32xf32, #tpu.memory_space<vmem>>
    %dma_start3A_250 = arith.constant 256 : i32
    %dma_start3A_251 = arith.constant 0 : i32
    %dma_start3A_252 = tpu.memref_slice %dma_start3A_249[%dma_start3A_250, %dma_start3A_251] : memref<512x32xf32, #tpu.memory_space<vmem>> -> memref<128x32xf32, #tpu.memory_space<vmem>>
    %dma_start3A_253 = arith.constant 0 : i32
    %dma_start3A_254 = arith.constant 0 : i32
    %dma_start3A_255 = tpu.memref_slice %arg5[%dma_start3A_242, %dma_start3A_253, %dma_start3A_254] : memref<4x4x128xi32, #tpu.memory_space<vmem>> -> memref<1x4x128xi32, #tpu.memory_space<vmem>>
    %dma_start3A_256 = tpu.memref_squeeze %dma_start3A_255 : memref<1x4x128xi32, #tpu.memory_space<vmem>> -> memref<4x128xi32, #tpu.memory_space<vmem>>
    %dma_start3A_257 = arith.constant 0 : i32
    %dma_start3A_258 = tpu.memref_slice %dma_start3A_256[%dma_start3A_243, %dma_start3A_257] : memref<4x128xi32, #tpu.memory_space<vmem>> -> memref<1x128xi32, #tpu.memory_space<vmem>>
    %dma_start3A_259 = tpu.memref_squeeze %dma_start3A_258 : memref<1x128xi32, #tpu.memory_space<vmem>> -> memref<128xi32, #tpu.memory_space<vmem>>
    %dma_start3A_260 = arith.constant 0 : i32
    %dma_start3A_261 = arith.constant 0 : i32
    %dma_start3A_262 = tpu.memref_slice %arg3[%dma_start3A_260, %dma_start3A_261] : memref<1000000x32xf32, #tpu.memory_space<hbm>> -> memref<1000000x32xf32, #tpu.memory_space<hbm>>
    %dma_start3A_263 = tpu.memref_slice %arg7[%dma_start3A_245] : memref<4x!tpu.dma_semaphore, #tpu.memory_space<semaphore_mem>> -> memref<1x!tpu.dma_semaphore, #tpu.memory_space<semaphore_mem>>
    %dma_start3A_264 = tpu.memref_squeeze %dma_start3A_263 : memref<1x!tpu.dma_semaphore, #tpu.memory_space<semaphore_mem>> -> memref<!tpu.dma_semaphore, #tpu.memory_space<semaphore_mem>>
    tpu.enqueue_indirect_dma source(%dma_start3A_262 : memref<1000000x32xf32, #tpu.memory_space<hbm>>) target(%dma_start3A_252 : memref<128x32xf32, #tpu.memory_space<vmem>>) offsets(%dma_start3A_259 : memref<128xi32, #tpu.memory_space<vmem>>) semaphore(%dma_start3A_264 : memref<!tpu.dma_semaphore, #tpu.memory_space<semaphore_mem>>)
    %dma_start3A_265 = arith.constant 2 : i32
    %dma_start3A_266 = arith.constant 3 : i32
    %dma_start3A_267 = arith.constant 2 : i32
    %dma_start3A_268 = arith.constant 2 : i32
    %dma_start3A_269 = arith.constant 0 : i32
    %dma_start3A_270 = arith.constant 0 : i32
    %dma_start3A_271 = tpu.memref_slice %arg6[%dma_start3A_267, %dma_start3A_269, %dma_start3A_270] : memref<4x512x32xf32, #tpu.memory_space<vmem>> -> memref<1x512x32xf32, #tpu.memory_space<vmem>>
    %dma_start3A_272 = tpu.memref_squeeze %dma_start3A_271 : memref<1x512x32xf32, #tpu.memory_space<vmem>> -> memref<512x32xf32, #tpu.memory_space<vmem>>
    %dma_start3A_273 = arith.constant 384 : i32
    %dma_start3A_274 = arith.constant 0 : i32
    %dma_start3A_275 = tpu.memref_slice %dma_start3A_272[%dma_start3A_273, %dma_start3A_274] : memref<512x32xf32, #tpu.memory_space<vmem>> -> memref<128x32xf32, #tpu.memory_space<vmem>>
    %dma_start3A_276 = arith.constant 0 : i32
    %dma_start3A_277 = arith.constant 0 : i32
    %dma_start3A_278 = tpu.memref_slice %arg5[%dma_start3A_265, %dma_start3A_276, %dma_start3A_277] : memref<4x4x128xi32, #tpu.memory_space<vmem>> -> memref<1x4x128xi32, #tpu.memory_space<vmem>>
    %dma_start3A_279 = tpu.memref_squeeze %dma_start3A_278 : memref<1x4x128xi32, #tpu.memory_space<vmem>> -> memref<4x128xi32, #tpu.memory_space<vmem>>
    %dma_start3A_280 = arith.constant 0 : i32
    %dma_start3A_281 = tpu.memref_slice %dma_start3A_279[%dma_start3A_266, %dma_start3A_280] : memref<4x128xi32, #tpu.memory_space<vmem>> -> memref<1x128xi32, #tpu.memory_space<vmem>>
    %dma_start3A_282 = tpu.memref_squeeze %dma_start3A_281 : memref<1x128xi32, #tpu.memory_space<vmem>> -> memref<128xi32, #tpu.memory_space<vmem>>
    %dma_start3A_283 = arith.constant 0 : i32
    %dma_start3A_284 = arith.constant 0 : i32
    %dma_start3A_285 = tpu.memref_slice %arg3[%dma_start3A_283, %dma_start3A_284] : memref<1000000x32xf32, #tpu.memory_space<hbm>> -> memref<1000000x32xf32, #tpu.memory_space<hbm>>
    %dma_start3A_286 = tpu.memref_slice %arg7[%dma_start3A_268] : memref<4x!tpu.dma_semaphore, #tpu.memory_space<semaphore_mem>> -> memref<1x!tpu.dma_semaphore, #tpu.memory_space<semaphore_mem>>
    %dma_start3A_287 = tpu.memref_squeeze %dma_start3A_286 : memref<1x!tpu.dma_semaphore, #tpu.memory_space<semaphore_mem>> -> memref<!tpu.dma_semaphore, #tpu.memory_space<semaphore_mem>>
    tpu.enqueue_indirect_dma source(%dma_start3A_285 : memref<1000000x32xf32, #tpu.memory_space<hbm>>) target(%dma_start3A_275 : memref<128x32xf32, #tpu.memory_space<vmem>>) offsets(%dma_start3A_282 : memref<128xi32, #tpu.memory_space<vmem>>) semaphore(%dma_start3A_287 : memref<!tpu.dma_semaphore, #tpu.memory_space<semaphore_mem>>)
    %mul3A_288 = arith.constant 3 : i32
    %mul3A_289 = arith.constant 4 : i32
    %mul3A_290 = arith.muli %mul3A_288, %mul3A_289 : i32
    %add3A_291 = arith.addi %mul3A_2, %mul3A_290 : i32
    %dma_start3A_292 = arith.constant 3 : i32
    %dma_start3A_293 = arith.constant 3 : i32
    %dma_start3A_294 = arith.constant 0 : i32
    %dma_start3A_295 = arith.constant 0 : i32
    %dma_start3A_296 = tpu.memref_slice %arg5[%dma_start3A_292, %dma_start3A_294, %dma_start3A_295] : memref<4x4x128xi32, #tpu.memory_space<vmem>> -> memref<1x4x128xi32, #tpu.memory_space<vmem>>
    %dma_start3A_297 = tpu.memref_squeeze %dma_start3A_296 : memref<1x4x128xi32, #tpu.memory_space<vmem>> -> memref<4x128xi32, #tpu.memory_space<vmem>>
    %dma_start3A_298 = arith.constant 0 : i32
    %dma_start3A_299 = tpu.memref_slice %arg2[%add3A_291, %dma_start3A_298] : memref<25600x128xi32, #tpu.memory_space<hbm>> -> memref<4x128xi32, #tpu.memory_space<hbm>>
    %dma_start3A_300 = tpu.memref_slice %arg9[%dma_start3A_293] : memref<4x!tpu.dma_semaphore, #tpu.memory_space<semaphore_mem>> -> memref<1x!tpu.dma_semaphore, #tpu.memory_space<semaphore_mem>>
    %dma_start3A_301 = tpu.memref_squeeze %dma_start3A_300 : memref<1x!tpu.dma_semaphore, #tpu.memory_space<semaphore_mem>> -> memref<!tpu.dma_semaphore, #tpu.memory_space<semaphore_mem>>
    %dma_start3A_302 = arith.constant 0 : i32
    %dma_start3A_303 = arith.constant 0 : i32
    %dma_start3A_304 = tpu.memref_slice %arg5[%dma_start3A_292, %dma_start3A_302, %dma_start3A_303] : memref<4x4x128xi32, #tpu.memory_space<vmem>> -> memref<1x4x128xi32, #tpu.memory_space<vmem>>
    %dma_start3A_305 = tpu.memref_squeeze %dma_start3A_304 : memref<1x4x128xi32, #tpu.memory_space<vmem>> -> memref<4x128xi32, #tpu.memory_space<vmem>>
    %dma_start3A_306 = arith.constant 0 : i32
    %dma_start3A_307 = tpu.memref_slice %arg2[%add3A_291, %dma_start3A_306] : memref<25600x128xi32, #tpu.memory_space<hbm>> -> memref<4x128xi32, #tpu.memory_space<hbm>>
    tpu.enqueue_dma source(%dma_start3A_307 : memref<4x128xi32, #tpu.memory_space<hbm>>) target(%dma_start3A_305 : memref<4x128xi32, #tpu.memory_space<vmem>>) target_semaphore(%dma_start3A_301 : memref<!tpu.dma_semaphore, #tpu.memory_space<semaphore_mem>>)
    %scan3A = arith.constant 0 : i32
    %scan3A_308 = arith.constant 0 : i32
    %scan3A_309 = arith.constant 50 : i32
    %scan3A_310 = arith.addi %scan3A_308, %scan3A_309 : i32
    %scan3A_311 = arith.constant 1 : i32
    scf.for %scan3A_408 = %scan3A_308 to %scan3A_310 step %scan3A_311  : i32 {
      %mul3A_409 = arith.constant 4 : i32
      %mul3A_410 = arith.muli %scan3A_408, %mul3A_409 : i32
      %add3A_411 = arith.constant 0 : i32
      %add3A_412 = arith.addi %mul3A_410, %add3A_411 : i32
      %dma_wait3A_413 = arith.constant 0 : i32
      %dma_wait3A_414 = arith.constant 0 : i32
      %dma_wait3A_415 = arith.constant 0 : i32
      %dma_wait3A_416 = arith.constant 0 : i32
      %dma_wait3A_417 = tpu.memref_slice %arg6[%dma_wait3A_413, %dma_wait3A_415, %dma_wait3A_416] : memref<4x512x32xf32, #tpu.memory_space<vmem>> -> memref<1x512x32xf32, #tpu.memory_space<vmem>>
      %dma_wait3A_418 = tpu.memref_squeeze %dma_wait3A_417 : memref<1x512x32xf32, #tpu.memory_space<vmem>> -> memref<512x32xf32, #tpu.memory_space<vmem>>
      %dma_wait3A_419 = arith.constant 0 : i32
      %dma_wait3A_420 = arith.constant 0 : i32
      %dma_wait3A_421 = tpu.memref_slice %arg3[%dma_wait3A_419, %dma_wait3A_420] : memref<1000000x32xf32, #tpu.memory_space<hbm>> -> memref<512x32xf32, #tpu.memory_space<hbm>>
      %dma_wait3A_422 = tpu.memref_slice %arg7[%dma_wait3A_414] : memref<4x!tpu.dma_semaphore, #tpu.memory_space<semaphore_mem>> -> memref<1x!tpu.dma_semaphore, #tpu.memory_space<semaphore_mem>>
      %dma_wait3A_423 = tpu.memref_squeeze %dma_wait3A_422 : memref<1x!tpu.dma_semaphore, #tpu.memory_space<semaphore_mem>> -> memref<!tpu.dma_semaphore, #tpu.memory_space<semaphore_mem>>
      %dma_wait3A_424 = arith.constant 0 : i32
      %dma_wait3A_425 = arith.constant 0 : i32
      %dma_wait3A_426 = tpu.memref_slice %arg6[%dma_wait3A_413, %dma_wait3A_424, %dma_wait3A_425] : memref<4x512x32xf32, #tpu.memory_space<vmem>> -> memref<1x512x32xf32, #tpu.memory_space<vmem>>
      %dma_wait3A_427 = tpu.memref_squeeze %dma_wait3A_426 : memref<1x512x32xf32, #tpu.memory_space<vmem>> -> memref<512x32xf32, #tpu.memory_space<vmem>>
      %dma_wait3A_428 = arith.constant 0 : i32
      %dma_wait3A_429 = arith.constant 0 : i32
      %dma_wait3A_430 = tpu.memref_slice %arg3[%dma_wait3A_428, %dma_wait3A_429] : memref<1000000x32xf32, #tpu.memory_space<hbm>> -> memref<512x32xf32, #tpu.memory_space<hbm>>
      tpu.wait_dma2 semaphore(%dma_wait3A_423 : memref<!tpu.dma_semaphore, #tpu.memory_space<semaphore_mem>>) src(%dma_wait3A_430 : memref<512x32xf32, #tpu.memory_space<hbm>>) dst(%dma_wait3A_427 : memref<512x32xf32, #tpu.memory_space<vmem>>)
      %parallel_loop3A = arith.constant 0 : i32
      %parallel_loop3A_431 = arith.constant 512 : i32
      %parallel_loop3A_432 = arith.constant 1 : i32
      scf.for %parallel_loop3A_1310 = %parallel_loop3A to %parallel_loop3A_431 step %parallel_loop3A_432  : i32 {
        %parallel_loop3A_1311 = arith.constant 0 : i32
        %parallel_loop3A_1312 = arith.index_cast %parallel_loop3A_1311 : i32 to index
        %parallel_loop3A_1313 = arith.index_cast %parallel_loop3A_1310 : i32 to index
        %parallel_loop3A_1314 = arith.constant 0 : index
        %parallel_loop3A_1315 = tpu.vector_load %arg6[%parallel_loop3A_1312, %parallel_loop3A_1313, %parallel_loop3A_1314] {strides = array<i32>} : memref<4x512x32xf32, #tpu.memory_space<vmem>>, vector<1x1x16xf32>,
        %parallel_loop3A_1316 = vector.shape_cast %parallel_loop3A_1315 : vector<1x1x16xf32> to vector<16xf32>
        %parallel_loop3A_1317 = arith.constant 5.65685415 : f32
        %parallel_loop3A_1318 = vector.broadcast %parallel_loop3A_1317 : f32 to vector<16xf32>
        %parallel_loop3A_1319 = arith.mulf %parallel_loop3A_1316, %parallel_loop3A_1318 : vector<16xf32>
        %parallel_loop3A_1320 = arith.constant 0 : i32
        %parallel_loop3A_1321 = arith.index_cast %parallel_loop3A_1320 : i32 to index
        %parallel_loop3A_1322 = arith.index_cast %parallel_loop3A_1310 : i32 to index
        %parallel_loop3A_1323 = arith.constant 0 : index
        %parallel_loop3A_1324 = tpu.vector_load %arg6[%parallel_loop3A_1321, %parallel_loop3A_1322, %parallel_loop3A_1323] {strides = array<i32>} : memref<4x512x32xf32, #tpu.memory_space<vmem>>, vector<1x1x16xf32>,
        %parallel_loop3A_1325 = vector.shape_cast %parallel_loop3A_1324 : vector<1x1x16xf32> to vector<16xf32>
        %parallel_loop3A_1326 = vector.shape_cast %parallel_loop3A_1319 : vector<16xf32> to vector<1x1x16xf32>
        tpu.vector_store %arg6[%parallel_loop3A_1321, %parallel_loop3A_1322, %parallel_loop3A_1323], %parallel_loop3A_1326 {strides = array<i32>} : memref<4x512x32xf32, #tpu.memory_space<vmem>>, vector<1x1x16xf32>,
        %parallel_loop3A_1327 = arith.constant 0 : i32
        %parallel_loop3A_1328 = arith.index_cast %parallel_loop3A_1327 : i32 to index
        %parallel_loop3A_1329 = arith.index_cast %parallel_loop3A_1310 : i32 to index
        %parallel_loop3A_1330 = arith.constant 16 : index
        %parallel_loop3A_1331 = tpu.vector_load %arg6[%parallel_loop3A_1328, %parallel_loop3A_1329, %parallel_loop3A_1330] {strides = array<i32>} : memref<4x512x32xf32, #tpu.memory_space<vmem>>, vector<1x1x16xf32>,
        %parallel_loop3A_1332 = vector.shape_cast %parallel_loop3A_1331 : vector<1x1x16xf32> to vector<16xf32>
        %parallel_loop3A_1333 = arith.constant 5.65685415 : f32
        %parallel_loop3A_1334 = vector.broadcast %parallel_loop3A_1333 : f32 to vector<16xf32>
        %parallel_loop3A_1335 = arith.mulf %parallel_loop3A_1332, %parallel_loop3A_1334 : vector<16xf32>
        %parallel_loop3A_1336 = arith.constant 0 : i32
        %parallel_loop3A_1337 = arith.index_cast %parallel_loop3A_1336 : i32 to index
        %parallel_loop3A_1338 = arith.index_cast %parallel_loop3A_1310 : i32 to index
        %parallel_loop3A_1339 = arith.constant 16 : index
        %parallel_loop3A_1340 = tpu.vector_load %arg6[%parallel_loop3A_1337, %parallel_loop3A_1338, %parallel_loop3A_1339] {strides = array<i32>} : memref<4x512x32xf32, #tpu.memory_space<vmem>>, vector<1x1x16xf32>,
        %parallel_loop3A_1341 = vector.shape_cast %parallel_loop3A_1340 : vector<1x1x16xf32> to vector<16xf32>
        %parallel_loop3A_1342 = vector.shape_cast %parallel_loop3A_1335 : vector<16xf32> to vector<1x1x16xf32>
        tpu.vector_store %arg6[%parallel_loop3A_1337, %parallel_loop3A_1338, %parallel_loop3A_1339], %parallel_loop3A_1342 {strides = array<i32>} : memref<4x512x32xf32, #tpu.memory_space<vmem>>, vector<1x1x16xf32>,
      } {sc.loop_unroll_factor = 8 : i64, sc.parallel_access}
      %add3A_433 = arith.addi %mul3A_4, %add3A_412 : i32
      %jit3A = arith.constant 4 : i32
      %div3A = arith.divsi %add3A_433, %jit3A : i32
      %sign3A = arith.constant 0 : i32
      %sign3A_434 = arith.cmpi sgt, %add3A_433, %sign3A : i32
      %sign3A_435 = arith.extui %sign3A_434 : i1 to i32
      %sign3A_436 = arith.constant 0 : i32
      %sign3A_437 = arith.cmpi slt, %add3A_433, %sign3A_436 : i32
      %sign3A_438 = arith.extui %sign3A_437 : i1 to i32
      %sign3A_439 = arith.subi %sign3A_435, %sign3A_438 : i32
      %sign3A_440 = arith.constant 0 : i32
      %sign3A_441 = arith.cmpi sgt, %jit3A, %sign3A_440 : i32
      %sign3A_442 = arith.extui %sign3A_441 : i1 to i32
      %sign3A_443 = arith.constant 0 : i32
      %sign3A_444 = arith.cmpi slt, %jit3A, %sign3A_443 : i32
      %sign3A_445 = arith.extui %sign3A_444 : i1 to i32
      %sign3A_446 = arith.subi %sign3A_442, %sign3A_445 : i32
      %ne3A = arith.cmpi ne, %sign3A_439, %sign3A_446 : i32
      %rem3A = arith.remsi %add3A_433, %jit3A : i32
      %ne3A_447 = arith.constant 0 : i32
      %ne3A_448 = arith.cmpi ne, %rem3A, %ne3A_447 : i32
      %and3A = arith.andi %ne3A, %ne3A_448 : i1
      %sub3A = arith.constant 1 : i32
      %sub3A_449 = arith.subi %div3A, %sub3A : i32
      %select_n3A = arith.select %and3A, %sub3A_449, %div3A : i32
      %mul3A_450 = arith.constant 512 : i32
      %mul3A_451 = arith.muli %select_n3A, %mul3A_450 : i32
      %rem3A_452 = arith.constant 4 : i32
      %rem3A_453 = arith.remsi %add3A_433, %rem3A_452 : i32
      %mul3A_454 = arith.constant 32 : i32
      %mul3A_455 = arith.muli %rem3A_453, %mul3A_454 : i32
      %dma_start3A_456 = arith.constant 0 : i32
      %dma_start3A_457 = arith.constant 0 : i32
      %dma_start3A_458 = arith.constant 0 : i32
      %dma_start3A_459 = arith.constant 0 : i32
      %dma_start3A_460 = tpu.memref_slice %arg6[%dma_start3A_456, %dma_start3A_458, %dma_start3A_459] : memref<4x512x32xf32, #tpu.memory_space<vmem>> -> memref<1x512x32xf32, #tpu.memory_space<vmem>>
      %dma_start3A_461 = tpu.memref_squeeze %dma_start3A_460 : memref<1x512x32xf32, #tpu.memory_space<vmem>> -> memref<512x32xf32, #tpu.memory_space<vmem>>
      %dma_start3A_462 = arith.constant 0 : i32
      %dma_start3A_463 = tpu.memref_slice %arg4[%mul3A_451, %dma_start3A_462] : memref<819200x128xf32, #tpu.memory_space<hbm>> -> memref<512x128xf32, #tpu.memory_space<hbm>>
      %dma_start3A_464 = arith.constant 0 : i32
      %dma_start3A_465 = tpu.memref_slice %dma_start3A_463[%dma_start3A_464, %mul3A_455] : memref<512x128xf32, #tpu.memory_space<hbm>> -> memref<512x32xf32, #tpu.memory_space<hbm>>
      %dma_start3A_466 = tpu.memref_slice %arg8[%dma_start3A_457] : memref<4x!tpu.dma_semaphore, #tpu.memory_space<semaphore_mem>> -> memref<1x!tpu.dma_semaphore, #tpu.memory_space<semaphore_mem>>
      %dma_start3A_467 = tpu.memref_squeeze %dma_start3A_466 : memref<1x!tpu.dma_semaphore, #tpu.memory_space<semaphore_mem>> -> memref<!tpu.dma_semaphore, #tpu.memory_space<semaphore_mem>>
      %dma_start3A_468 = arith.constant 0 : i32
      %dma_start3A_469 = tpu.memref_slice %arg4[%mul3A_451, %dma_start3A_468] : memref<819200x128xf32, #tpu.memory_space<hbm>> -> memref<512x128xf32, #tpu.memory_space<hbm>>
      %dma_start3A_470 = arith.constant 0 : i32
      %dma_start3A_471 = tpu.memref_slice %dma_start3A_469[%dma_start3A_470, %mul3A_455] : memref<512x128xf32, #tpu.memory_space<hbm>> -> memref<512x32xf32, #tpu.memory_space<hbm>>
      %dma_start3A_472 = arith.constant 0 : i32
      %dma_start3A_473 = arith.constant 0 : i32
      %dma_start3A_474 = tpu.memref_slice %arg6[%dma_start3A_456, %dma_start3A_472, %dma_start3A_473] : memref<4x512x32xf32, #tpu.memory_space<vmem>> -> memref<1x512x32xf32, #tpu.memory_space<vmem>>
      %dma_start3A_475 = tpu.memref_squeeze %dma_start3A_474 : memref<1x512x32xf32, #tpu.memory_space<vmem>> -> memref<512x32xf32, #tpu.memory_space<vmem>>
      tpu.enqueue_dma source(%dma_start3A_475 : memref<512x32xf32, #tpu.memory_space<vmem>>) target(%dma_start3A_471 : memref<512x32xf32, #tpu.memory_space<hbm>>) target_semaphore(%dma_start3A_467 : memref<!tpu.dma_semaphore, #tpu.memory_space<semaphore_mem>>)
      %dma_wait3A_476 = arith.constant 3 : i32
      %dma_wait3A_477 = arith.constant 3 : i32
      %dma_wait3A_478 = arith.constant 0 : i32
      %dma_wait3A_479 = arith.constant 0 : i32
      %dma_wait3A_480 = tpu.memref_slice %arg5[%dma_wait3A_476, %dma_wait3A_478, %dma_wait3A_479] : memref<4x4x128xi32, #tpu.memory_space<vmem>> -> memref<1x4x128xi32, #tpu.memory_space<vmem>>
      %dma_wait3A_481 = tpu.memref_squeeze %dma_wait3A_480 : memref<1x4x128xi32, #tpu.memory_space<vmem>> -> memref<4x128xi32, #tpu.memory_space<vmem>>
      %dma_wait3A_482 = arith.constant 0 : i32
      %dma_wait3A_483 = arith.constant 0 : i32
      %dma_wait3A_484 = tpu.memref_slice %arg2[%dma_wait3A_482, %dma_wait3A_483] : memref<25600x128xi32, #tpu.memory_space<hbm>> -> memref<4x128xi32, #tpu.memory_space<hbm>>
      %dma_wait3A_485 = tpu.memref_slice %arg9[%dma_wait3A_477] : memref<4x!tpu.dma_semaphore, #tpu.memory_space<semaphore_mem>> -> memref<1x!tpu.dma_semaphore, #tpu.memory_space<semaphore_mem>>
      %dma_wait3A_486 = tpu.memref_squeeze %dma_wait3A_485 : memref<1x!tpu.dma_semaphore, #tpu.memory_space<semaphore_mem>> -> memref<!tpu.dma_semaphore, #tpu.memory_space<semaphore_mem>>
      %dma_wait3A_487 = arith.constant 0 : i32
      %dma_wait3A_488 = arith.constant 0 : i32
      %dma_wait3A_489 = tpu.memref_slice %arg5[%dma_wait3A_476, %dma_wait3A_487, %dma_wait3A_488] : memref<4x4x128xi32, #tpu.memory_space<vmem>> -> memref<1x4x128xi32, #tpu.memory_space<vmem>>
      %dma_wait3A_490 = tpu.memref_squeeze %dma_wait3A_489 : memref<1x4x128xi32, #tpu.memory_space<vmem>> -> memref<4x128xi32, #tpu.memory_space<vmem>>
      %dma_wait3A_491 = arith.constant 0 : i32
      %dma_wait3A_492 = arith.constant 0 : i32
      %dma_wait3A_493 = tpu.memref_slice %arg2[%dma_wait3A_491, %dma_wait3A_492] : memref<25600x128xi32, #tpu.memory_space<hbm>> -> memref<4x128xi32, #tpu.memory_space<hbm>>
      tpu.wait_dma2 semaphore(%dma_wait3A_486 : memref<!tpu.dma_semaphore, #tpu.memory_space<semaphore_mem>>) src(%dma_wait3A_493 : memref<4x128xi32, #tpu.memory_space<hbm>>) dst(%dma_wait3A_490 : memref<4x128xi32, #tpu.memory_space<vmem>>)
      %gt3A = arith.constant 0 : i32
      %gt3A_494 = arith.cmpi sgt, %scan3A_408, %gt3A : i32
      %convert_element_type3A = arith.extui %gt3A_494 : i1 to i32
      %cond3A = arith.constant 0 : i32
      %cond3A_495 = arith.cmpi ne, %convert_element_type3A, %cond3A : i32
      scf.if %cond3A_495 {
        %dma_wait3A_1310 = arith.constant 3 : i32
        %dma_wait3A_1311 = arith.constant 3 : i32
        %dma_wait3A_1312 = arith.constant 0 : i32
        %dma_wait3A_1313 = arith.constant 0 : i32
        %dma_wait3A_1314 = tpu.memref_slice %arg6[%dma_wait3A_1310, %dma_wait3A_1312, %dma_wait3A_1313] : memref<4x512x32xf32, #tpu.memory_space<vmem>> -> memref<1x512x32xf32, #tpu.memory_space<vmem>>
        %dma_wait3A_1315 = tpu.memref_squeeze %dma_wait3A_1314 : memref<1x512x32xf32, #tpu.memory_space<vmem>> -> memref<512x32xf32, #tpu.memory_space<vmem>>
        %dma_wait3A_1316 = arith.constant 0 : i32
        %dma_wait3A_1317 = arith.constant 0 : i32
        %dma_wait3A_1318 = tpu.memref_slice %arg4[%dma_wait3A_1316, %dma_wait3A_1317] : memref<819200x128xf32, #tpu.memory_space<hbm>> -> memref<512x128xf32, #tpu.memory_space<hbm>>
        %dma_wait3A_1319 = arith.constant 0 : i32
        %dma_wait3A_1320 = arith.constant 0 : i32
        %dma_wait3A_1321 = tpu.memref_slice %dma_wait3A_1318[%dma_wait3A_1319, %dma_wait3A_1320] : memref<512x128xf32, #tpu.memory_space<hbm>> -> memref<512x32xf32, #tpu.memory_space<hbm>>
        %dma_wait3A_1322 = tpu.memref_slice %arg8[%dma_wait3A_1311] : memref<4x!tpu.dma_semaphore, #tpu.memory_space<semaphore_mem>> -> memref<1x!tpu.dma_semaphore, #tpu.memory_space<semaphore_mem>>
        %dma_wait3A_1323 = tpu.memref_squeeze %dma_wait3A_1322 : memref<1x!tpu.dma_semaphore, #tpu.memory_space<semaphore_mem>> -> memref<!tpu.dma_semaphore, #tpu.memory_space<semaphore_mem>>
        %dma_wait3A_1324 = arith.constant 0 : i32
        %dma_wait3A_1325 = arith.constant 0 : i32
        %dma_wait3A_1326 = tpu.memref_slice %arg4[%dma_wait3A_1324, %dma_wait3A_1325] : memref<819200x128xf32, #tpu.memory_space<hbm>> -> memref<512x128xf32, #tpu.memory_space<hbm>>
        %dma_wait3A_1327 = arith.constant 0 : i32
        %dma_wait3A_1328 = arith.constant 0 : i32
        %dma_wait3A_1329 = tpu.memref_slice %dma_wait3A_1326[%dma_wait3A_1327, %dma_wait3A_1328] : memref<512x128xf32, #tpu.memory_space<hbm>> -> memref<512x32xf32, #tpu.memory_space<hbm>>
        %dma_wait3A_1330 = arith.constant 0 : i32
        %dma_wait3A_1331 = arith.constant 0 : i32
        %dma_wait3A_1332 = tpu.memref_slice %arg6[%dma_wait3A_1310, %dma_wait3A_1330, %dma_wait3A_1331] : memref<4x512x32xf32, #tpu.memory_space<vmem>> -> memref<1x512x32xf32, #tpu.memory_space<vmem>>
        %dma_wait3A_1333 = tpu.memref_squeeze %dma_wait3A_1332 : memref<1x512x32xf32, #tpu.memory_space<vmem>> -> memref<512x32xf32, #tpu.memory_space<vmem>>
        tpu.wait_dma2 semaphore(%dma_wait3A_1323 : memref<!tpu.dma_semaphore, #tpu.memory_space<semaphore_mem>>) src(%dma_wait3A_1333 : memref<512x32xf32, #tpu.memory_space<vmem>>) dst(%dma_wait3A_1329 : memref<512x32xf32, #tpu.memory_space<hbm>>)
      } else {
      }
      %dma_start3A_496 = arith.constant 3 : i32
      %dma_start3A_497 = arith.constant 0 : i32
      %dma_start3A_498 = arith.constant 3 : i32
      %dma_start3A_499 = arith.constant 3 : i32
      %dma_start3A_500 = arith.constant 0 : i32
      %dma_start3A_501 = arith.constant 0 : i32
      %dma_start3A_502 = tpu.memref_slice %arg6[%dma_start3A_498, %dma_start3A_500, %dma_start3A_501] : memref<4x512x32xf32, #tpu.memory_space<vmem>> -> memref<1x512x32xf32, #tpu.memory_space<vmem>>
      %dma_start3A_503 = tpu.memref_squeeze %dma_start3A_502 : memref<1x512x32xf32, #tpu.memory_space<vmem>> -> memref<512x32xf32, #tpu.memory_space<vmem>>
      %dma_start3A_504 = arith.constant 0 : i32
      %dma_start3A_505 = arith.constant 0 : i32
      %dma_start3A_506 = tpu.memref_slice %dma_start3A_503[%dma_start3A_504, %dma_start3A_505] : memref<512x32xf32, #tpu.memory_space<vmem>> -> memref<128x32xf32, #tpu.memory_space<vmem>>
      %dma_start3A_507 = arith.constant 0 : i32
      %dma_start3A_508 = arith.constant 0 : i32
      %dma_start3A_509 = tpu.memref_slice %arg5[%dma_start3A_496, %dma_start3A_507, %dma_start3A_508] : memref<4x4x128xi32, #tpu.memory_space<vmem>> -> memref<1x4x128xi32, #tpu.memory_space<vmem>>
      %dma_start3A_510 = tpu.memref_squeeze %dma_start3A_509 : memref<1x4x128xi32, #tpu.memory_space<vmem>> -> memref<4x128xi32, #tpu.memory_space<vmem>>
      %dma_start3A_511 = arith.constant 0 : i32
      %dma_start3A_512 = tpu.memref_slice %dma_start3A_510[%dma_start3A_497, %dma_start3A_511] : memref<4x128xi32, #tpu.memory_space<vmem>> -> memref<1x128xi32, #tpu.memory_space<vmem>>
      %dma_start3A_513 = tpu.memref_squeeze %dma_start3A_512 : memref<1x128xi32, #tpu.memory_space<vmem>> -> memref<128xi32, #tpu.memory_space<vmem>>
      %dma_start3A_514 = arith.constant 0 : i32
      %dma_start3A_515 = arith.constant 0 : i32
      %dma_start3A_516 = tpu.memref_slice %arg3[%dma_start3A_514, %dma_start3A_515] : memref<1000000x32xf32, #tpu.memory_space<hbm>> -> memref<1000000x32xf32, #tpu.memory_space<hbm>>
      %dma_start3A_517 = tpu.memref_slice %arg7[%dma_start3A_499] : memref<4x!tpu.dma_semaphore, #tpu.memory_space<semaphore_mem>> -> memref<1x!tpu.dma_semaphore, #tpu.memory_space<semaphore_mem>>
      %dma_start3A_518 = tpu.memref_squeeze %dma_start3A_517 : memref<1x!tpu.dma_semaphore, #tpu.memory_space<semaphore_mem>> -> memref<!tpu.dma_semaphore, #tpu.memory_space<semaphore_mem>>
      tpu.enqueue_indirect_dma source(%dma_start3A_516 : memref<1000000x32xf32, #tpu.memory_space<hbm>>) target(%dma_start3A_506 : memref<128x32xf32, #tpu.memory_space<vmem>>) offsets(%dma_start3A_513 : memref<128xi32, #tpu.memory_space<vmem>>) semaphore(%dma_start3A_518 : memref<!tpu.dma_semaphore, #tpu.memory_space<semaphore_mem>>)
      %dma_start3A_519 = arith.constant 3 : i32
      %dma_start3A_520 = arith.constant 1 : i32
      %dma_start3A_521 = arith.constant 3 : i32
      %dma_start3A_522 = arith.constant 3 : i32
      %dma_start3A_523 = arith.constant 0 : i32
      %dma_start3A_524 = arith.constant 0 : i32
      %dma_start3A_525 = tpu.memref_slice %arg6[%dma_start3A_521, %dma_start3A_523, %dma_start3A_524] : memref<4x512x32xf32, #tpu.memory_space<vmem>> -> memref<1x512x32xf32, #tpu.memory_space<vmem>>
      %dma_start3A_526 = tpu.memref_squeeze %dma_start3A_525 : memref<1x512x32xf32, #tpu.memory_space<vmem>> -> memref<512x32xf32, #tpu.memory_space<vmem>>
      %dma_start3A_527 = arith.constant 128 : i32
      %dma_start3A_528 = arith.constant 0 : i32
      %dma_start3A_529 = tpu.memref_slice %dma_start3A_526[%dma_start3A_527, %dma_start3A_528] : memref<512x32xf32, #tpu.memory_space<vmem>> -> memref<128x32xf32, #tpu.memory_space<vmem>>
      %dma_start3A_530 = arith.constant 0 : i32
      %dma_start3A_531 = arith.constant 0 : i32
      %dma_start3A_532 = tpu.memref_slice %arg5[%dma_start3A_519, %dma_start3A_530, %dma_start3A_531] : memref<4x4x128xi32, #tpu.memory_space<vmem>> -> memref<1x4x128xi32, #tpu.memory_space<vmem>>
      %dma_start3A_533 = tpu.memref_squeeze %dma_start3A_532 : memref<1x4x128xi32, #tpu.memory_space<vmem>> -> memref<4x128xi32, #tpu.memory_space<vmem>>
      %dma_start3A_534 = arith.constant 0 : i32
      %dma_start3A_535 = tpu.memref_slice %dma_start3A_533[%dma_start3A_520, %dma_start3A_534] : memref<4x128xi32, #tpu.memory_space<vmem>> -> memref<1x128xi32, #tpu.memory_space<vmem>>
      %dma_start3A_536 = tpu.memref_squeeze %dma_start3A_535 : memref<1x128xi32, #tpu.memory_space<vmem>> -> memref<128xi32, #tpu.memory_space<vmem>>
      %dma_start3A_537 = arith.constant 0 : i32
      %dma_start3A_538 = arith.constant 0 : i32
      %dma_start3A_539 = tpu.memref_slice %arg3[%dma_start3A_537, %dma_start3A_538] : memref<1000000x32xf32, #tpu.memory_space<hbm>> -> memref<1000000x32xf32, #tpu.memory_space<hbm>>
      %dma_start3A_540 = tpu.memref_slice %arg7[%dma_start3A_522] : memref<4x!tpu.dma_semaphore, #tpu.memory_space<semaphore_mem>> -> memref<1x!tpu.dma_semaphore, #tpu.memory_space<semaphore_mem>>
      %dma_start3A_541 = tpu.memref_squeeze %dma_start3A_540 : memref<1x!tpu.dma_semaphore, #tpu.memory_space<semaphore_mem>> -> memref<!tpu.dma_semaphore, #tpu.memory_space<semaphore_mem>>
      tpu.enqueue_indirect_dma source(%dma_start3A_539 : memref<1000000x32xf32, #tpu.memory_space<hbm>>) target(%dma_start3A_529 : memref<128x32xf32, #tpu.memory_space<vmem>>) offsets(%dma_start3A_536 : memref<128xi32, #tpu.memory_space<vmem>>) semaphore(%dma_start3A_541 : memref<!tpu.dma_semaphore, #tpu.memory_space<semaphore_mem>>)
      %dma_start3A_542 = arith.constant 3 : i32
      %dma_start3A_543 = arith.constant 2 : i32
      %dma_start3A_544 = arith.constant 3 : i32
      %dma_start3A_545 = arith.constant 3 : i32
      %dma_start3A_546 = arith.constant 0 : i32
      %dma_start3A_547 = arith.constant 0 : i32
      %dma_start3A_548 = tpu.memref_slice %arg6[%dma_start3A_544, %dma_start3A_546, %dma_start3A_547] : memref<4x512x32xf32, #tpu.memory_space<vmem>> -> memref<1x512x32xf32, #tpu.memory_space<vmem>>
      %dma_start3A_549 = tpu.memref_squeeze %dma_start3A_548 : memref<1x512x32xf32, #tpu.memory_space<vmem>> -> memref<512x32xf32, #tpu.memory_space<vmem>>
      %dma_start3A_550 = arith.constant 256 : i32
      %dma_start3A_551 = arith.constant 0 : i32
      %dma_start3A_552 = tpu.memref_slice %dma_start3A_549[%dma_start3A_550, %dma_start3A_551] : memref<512x32xf32, #tpu.memory_space<vmem>> -> memref<128x32xf32, #tpu.memory_space<vmem>>
      %dma_start3A_553 = arith.constant 0 : i32
      %dma_start3A_554 = arith.constant 0 : i32
      %dma_start3A_555 = tpu.memref_slice %arg5[%dma_start3A_542, %dma_start3A_553, %dma_start3A_554] : memref<4x4x128xi32, #tpu.memory_space<vmem>> -> memref<1x4x128xi32, #tpu.memory_space<vmem>>
      %dma_start3A_556 = tpu.memref_squeeze %dma_start3A_555 : memref<1x4x128xi32, #tpu.memory_space<vmem>> -> memref<4x128xi32, #tpu.memory_space<vmem>>
      %dma_start3A_557 = arith.constant 0 : i32
      %dma_start3A_558 = tpu.memref_slice %dma_start3A_556[%dma_start3A_543, %dma_start3A_557] : memref<4x128xi32, #tpu.memory_space<vmem>> -> memref<1x128xi32, #tpu.memory_space<vmem>>
      %dma_start3A_559 = tpu.memref_squeeze %dma_start3A_558 : memref<1x128xi32, #tpu.memory_space<vmem>> -> memref<128xi32, #tpu.memory_space<vmem>>
      %dma_start3A_560 = arith.constant 0 : i32
      %dma_start3A_561 = arith.constant 0 : i32
      %dma_start3A_562 = tpu.memref_slice %arg3[%dma_start3A_560, %dma_start3A_561] : memref<1000000x32xf32, #tpu.memory_space<hbm>> -> memref<1000000x32xf32, #tpu.memory_space<hbm>>
      %dma_start3A_563 = tpu.memref_slice %arg7[%dma_start3A_545] : memref<4x!tpu.dma_semaphore, #tpu.memory_space<semaphore_mem>> -> memref<1x!tpu.dma_semaphore, #tpu.memory_space<semaphore_mem>>
      %dma_start3A_564 = tpu.memref_squeeze %dma_start3A_563 : memref<1x!tpu.dma_semaphore, #tpu.memory_space<semaphore_mem>> -> memref<!tpu.dma_semaphore, #tpu.memory_space<semaphore_mem>>
      tpu.enqueue_indirect_dma source(%dma_start3A_562 : memref<1000000x32xf32, #tpu.memory_space<hbm>>) target(%dma_start3A_552 : memref<128x32xf32, #tpu.memory_space<vmem>>) offsets(%dma_start3A_559 : memref<128xi32, #tpu.memory_space<vmem>>) semaphore(%dma_start3A_564 : memref<!tpu.dma_semaphore, #tpu.memory_space<semaphore_mem>>)
      %dma_start3A_565 = arith.constant 3 : i32
      %dma_start3A_566 = arith.constant 3 : i32
      %dma_start3A_567 = arith.constant 3 : i32
      %dma_start3A_568 = arith.constant 3 : i32
      %dma_start3A_569 = arith.constant 0 : i32
      %dma_start3A_570 = arith.constant 0 : i32
      %dma_start3A_571 = tpu.memref_slice %arg6[%dma_start3A_567, %dma_start3A_569, %dma_start3A_570] : memref<4x512x32xf32, #tpu.memory_space<vmem>> -> memref<1x512x32xf32, #tpu.memory_space<vmem>>
      %dma_start3A_572 = tpu.memref_squeeze %dma_start3A_571 : memref<1x512x32xf32, #tpu.memory_space<vmem>> -> memref<512x32xf32, #tpu.memory_space<vmem>>
      %dma_start3A_573 = arith.constant 384 : i32
      %dma_start3A_574 = arith.constant 0 : i32
      %dma_start3A_575 = tpu.memref_slice %dma_start3A_572[%dma_start3A_573, %dma_start3A_574] : memref<512x32xf32, #tpu.memory_space<vmem>> -> memref<128x32xf32, #tpu.memory_space<vmem>>
      %dma_start3A_576 = arith.constant 0 : i32
      %dma_start3A_577 = arith.constant 0 : i32
      %dma_start3A_578 = tpu.memref_slice %arg5[%dma_start3A_565, %dma_start3A_576, %dma_start3A_577] : memref<4x4x128xi32, #tpu.memory_space<vmem>> -> memref<1x4x128xi32, #tpu.memory_space<vmem>>
      %dma_start3A_579 = tpu.memref_squeeze %dma_start3A_578 : memref<1x4x128xi32, #tpu.memory_space<vmem>> -> memref<4x128xi32, #tpu.memory_space<vmem>>
      %dma_start3A_580 = arith.constant 0 : i32
      %dma_start3A_581 = tpu.memref_slice %dma_start3A_579[%dma_start3A_566, %dma_start3A_580] : memref<4x128xi32, #tpu.memory_space<vmem>> -> memref<1x128xi32, #tpu.memory_space<vmem>>
      %dma_start3A_582 = tpu.memref_squeeze %dma_start3A_581 : memref<1x128xi32, #tpu.memory_space<vmem>> -> memref<128xi32, #tpu.memory_space<vmem>>
      %dma_start3A_583 = arith.constant 0 : i32
      %dma_start3A_584 = arith.constant 0 : i32
      %dma_start3A_585 = tpu.memref_slice %arg3[%dma_start3A_583, %dma_start3A_584] : memref<1000000x32xf32, #tpu.memory_space<hbm>> -> memref<1000000x32xf32, #tpu.memory_space<hbm>>
      %dma_start3A_586 = tpu.memref_slice %arg7[%dma_start3A_568] : memref<4x!tpu.dma_semaphore, #tpu.memory_space<semaphore_mem>> -> memref<1x!tpu.dma_semaphore, #tpu.memory_space<semaphore_mem>>
      %dma_start3A_587 = tpu.memref_squeeze %dma_start3A_586 : memref<1x!tpu.dma_semaphore, #tpu.memory_space<semaphore_mem>> -> memref<!tpu.dma_semaphore, #tpu.memory_space<semaphore_mem>>
      tpu.enqueue_indirect_dma source(%dma_start3A_585 : memref<1000000x32xf32, #tpu.memory_space<hbm>>) target(%dma_start3A_575 : memref<128x32xf32, #tpu.memory_space<vmem>>) offsets(%dma_start3A_582 : memref<128xi32, #tpu.memory_space<vmem>>) semaphore(%dma_start3A_587 : memref<!tpu.dma_semaphore, #tpu.memory_space<semaphore_mem>>)
      %add3A_588 = arith.constant 4 : i32
      %add3A_589 = arith.addi %add3A_412, %add3A_588 : i32
      %rem3A_590 = arith.constant 200 : i32
      %rem3A_591 = arith.remsi %add3A_589, %rem3A_590 : i32
      %mul3A_592 = arith.constant 4 : i32
      %mul3A_593 = arith.muli %rem3A_591, %mul3A_592 : i32
      %add3A_594 = arith.addi %mul3A_2, %mul3A_593 : i32
      %dma_start3A_595 = arith.constant 0 : i32
      %dma_start3A_596 = arith.constant 0 : i32
      %dma_start3A_597 = arith.constant 0 : i32
      %dma_start3A_598 = arith.constant 0 : i32
      %dma_start3A_599 = tpu.memref_slice %arg5[%dma_start3A_595, %dma_start3A_597, %dma_start3A_598] : memref<4x4x128xi32, #tpu.memory_space<vmem>> -> memref<1x4x128xi32, #tpu.memory_space<vmem>>
      %dma_start3A_600 = tpu.memref_squeeze %dma_start3A_599 : memref<1x4x128xi32, #tpu.memory_space<vmem>> -> memref<4x128xi32, #tpu.memory_space<vmem>>
      %dma_start3A_601 = arith.constant 0 : i32
      %dma_start3A_602 = tpu.memref_slice %arg2[%add3A_594, %dma_start3A_601] : memref<25600x128xi32, #tpu.memory_space<hbm>> -> memref<4x128xi32, #tpu.memory_space<hbm>>
      %dma_start3A_603 = tpu.memref_slice %arg9[%dma_start3A_596] : memref<4x!tpu.dma_semaphore, #tpu.memory_space<semaphore_mem>> -> memref<1x!tpu.dma_semaphore, #tpu.memory_space<semaphore_mem>>
      %dma_start3A_604 = tpu.memref_squeeze %dma_start3A_603 : memref<1x!tpu.dma_semaphore, #tpu.memory_space<semaphore_mem>> -> memref<!tpu.dma_semaphore, #tpu.memory_space<semaphore_mem>>
      %dma_start3A_605 = arith.constant 0 : i32
      %dma_start3A_606 = arith.constant 0 : i32
      %dma_start3A_607 = tpu.memref_slice %arg5[%dma_start3A_595, %dma_start3A_605, %dma_start3A_606] : memref<4x4x128xi32, #tpu.memory_space<vmem>> -> memref<1x4x128xi32, #tpu.memory_space<vmem>>
      %dma_start3A_608 = tpu.memref_squeeze %dma_start3A_607 : memref<1x4x128xi32, #tpu.memory_space<vmem>> -> memref<4x128xi32, #tpu.memory_space<vmem>>
      %dma_start3A_609 = arith.constant 0 : i32
      %dma_start3A_610 = tpu.memref_slice %arg2[%add3A_594, %dma_start3A_609] : memref<25600x128xi32, #tpu.memory_space<hbm>> -> memref<4x128xi32, #tpu.memory_space<hbm>>
      tpu.enqueue_dma source(%dma_start3A_610 : memref<4x128xi32, #tpu.memory_space<hbm>>) target(%dma_start3A_608 : memref<4x128xi32, #tpu.memory_space<vmem>>) target_semaphore(%dma_start3A_604 : memref<!tpu.dma_semaphore, #tpu.memory_space<semaphore_mem>>)
      %mul3A_611 = arith.constant 4 : i32
      %mul3A_612 = arith.muli %scan3A_408, %mul3A_611 : i32
      %add3A_613 = arith.constant 1 : i32
      %add3A_614 = arith.addi %mul3A_612, %add3A_613 : i32
      %dma_wait3A_615 = arith.constant 1 : i32
      %dma_wait3A_616 = arith.constant 1 : i32
      %dma_wait3A_617 = arith.constant 0 : i32
      %dma_wait3A_618 = arith.constant 0 : i32
      %dma_wait3A_619 = tpu.memref_slice %arg6[%dma_wait3A_615, %dma_wait3A_617, %dma_wait3A_618] : memref<4x512x32xf32, #tpu.memory_space<vmem>> -> memref<1x512x32xf32, #tpu.memory_space<vmem>>
      %dma_wait3A_620 = tpu.memref_squeeze %dma_wait3A_619 : memref<1x512x32xf32, #tpu.memory_space<vmem>> -> memref<512x32xf32, #tpu.memory_space<vmem>>
      %dma_wait3A_621 = arith.constant 0 : i32
      %dma_wait3A_622 = arith.constant 0 : i32
      %dma_wait3A_623 = tpu.memref_slice %arg3[%dma_wait3A_621, %dma_wait3A_622] : memref<1000000x32xf32, #tpu.memory_space<hbm>> -> memref<512x32xf32, #tpu.memory_space<hbm>>
      %dma_wait3A_624 = tpu.memref_slice %arg7[%dma_wait3A_616] : memref<4x!tpu.dma_semaphore, #tpu.memory_space<semaphore_mem>> -> memref<1x!tpu.dma_semaphore, #tpu.memory_space<semaphore_mem>>
      %dma_wait3A_625 = tpu.memref_squeeze %dma_wait3A_624 : memref<1x!tpu.dma_semaphore, #tpu.memory_space<semaphore_mem>> -> memref<!tpu.dma_semaphore, #tpu.memory_space<semaphore_mem>>
      %dma_wait3A_626 = arith.constant 0 : i32
      %dma_wait3A_627 = arith.constant 0 : i32
      %dma_wait3A_628 = tpu.memref_slice %arg6[%dma_wait3A_615, %dma_wait3A_626, %dma_wait3A_627] : memref<4x512x32xf32, #tpu.memory_space<vmem>> -> memref<1x512x32xf32, #tpu.memory_space<vmem>>
      %dma_wait3A_629 = tpu.memref_squeeze %dma_wait3A_628 : memref<1x512x32xf32, #tpu.memory_space<vmem>> -> memref<512x32xf32, #tpu.memory_space<vmem>>
      %dma_wait3A_630 = arith.constant 0 : i32
      %dma_wait3A_631 = arith.constant 0 : i32
      %dma_wait3A_632 = tpu.memref_slice %arg3[%dma_wait3A_630, %dma_wait3A_631] : memref<1000000x32xf32, #tpu.memory_space<hbm>> -> memref<512x32xf32, #tpu.memory_space<hbm>>
      tpu.wait_dma2 semaphore(%dma_wait3A_625 : memref<!tpu.dma_semaphore, #tpu.memory_space<semaphore_mem>>) src(%dma_wait3A_632 : memref<512x32xf32, #tpu.memory_space<hbm>>) dst(%dma_wait3A_629 : memref<512x32xf32, #tpu.memory_space<vmem>>)
      %parallel_loop3A_633 = arith.constant 0 : i32
      %parallel_loop3A_634 = arith.constant 512 : i32
      %parallel_loop3A_635 = arith.constant 1 : i32
      scf.for %parallel_loop3A_1310 = %parallel_loop3A_633 to %parallel_loop3A_634 step %parallel_loop3A_635  : i32 {
        %parallel_loop3A_1311 = arith.constant 1 : i32
        %parallel_loop3A_1312 = arith.index_cast %parallel_loop3A_1311 : i32 to index
        %parallel_loop3A_1313 = arith.index_cast %parallel_loop3A_1310 : i32 to index
        %parallel_loop3A_1314 = arith.constant 0 : index
        %parallel_loop3A_1315 = tpu.vector_load %arg6[%parallel_loop3A_1312, %parallel_loop3A_1313, %parallel_loop3A_1314] {strides = array<i32>} : memref<4x512x32xf32, #tpu.memory_space<vmem>>, vector<1x1x16xf32>,
        %parallel_loop3A_1316 = vector.shape_cast %parallel_loop3A_1315 : vector<1x1x16xf32> to vector<16xf32>
        %parallel_loop3A_1317 = arith.constant 5.65685415 : f32
        %parallel_loop3A_1318 = vector.broadcast %parallel_loop3A_1317 : f32 to vector<16xf32>
        %parallel_loop3A_1319 = arith.mulf %parallel_loop3A_1316, %parallel_loop3A_1318 : vector<16xf32>
        %parallel_loop3A_1320 = arith.constant 1 : i32
        %parallel_loop3A_1321 = arith.index_cast %parallel_loop3A_1320 : i32 to index
        %parallel_loop3A_1322 = arith.index_cast %parallel_loop3A_1310 : i32 to index
        %parallel_loop3A_1323 = arith.constant 0 : index
        %parallel_loop3A_1324 = tpu.vector_load %arg6[%parallel_loop3A_1321, %parallel_loop3A_1322, %parallel_loop3A_1323] {strides = array<i32>} : memref<4x512x32xf32, #tpu.memory_space<vmem>>, vector<1x1x16xf32>,
        %parallel_loop3A_1325 = vector.shape_cast %parallel_loop3A_1324 : vector<1x1x16xf32> to vector<16xf32>
        %parallel_loop3A_1326 = vector.shape_cast %parallel_loop3A_1319 : vector<16xf32> to vector<1x1x16xf32>
        tpu.vector_store %arg6[%parallel_loop3A_1321, %parallel_loop3A_1322, %parallel_loop3A_1323], %parallel_loop3A_1326 {strides = array<i32>} : memref<4x512x32xf32, #tpu.memory_space<vmem>>, vector<1x1x16xf32>,
        %parallel_loop3A_1327 = arith.constant 1 : i32
        %parallel_loop3A_1328 = arith.index_cast %parallel_loop3A_1327 : i32 to index
        %parallel_loop3A_1329 = arith.index_cast %parallel_loop3A_1310 : i32 to index
        %parallel_loop3A_1330 = arith.constant 16 : index
        %parallel_loop3A_1331 = tpu.vector_load %arg6[%parallel_loop3A_1328, %parallel_loop3A_1329, %parallel_loop3A_1330] {strides = array<i32>} : memref<4x512x32xf32, #tpu.memory_space<vmem>>, vector<1x1x16xf32>,
        %parallel_loop3A_1332 = vector.shape_cast %parallel_loop3A_1331 : vector<1x1x16xf32> to vector<16xf32>
        %parallel_loop3A_1333 = arith.constant 5.65685415 : f32
        %parallel_loop3A_1334 = vector.broadcast %parallel_loop3A_1333 : f32 to vector<16xf32>
        %parallel_loop3A_1335 = arith.mulf %parallel_loop3A_1332, %parallel_loop3A_1334 : vector<16xf32>
        %parallel_loop3A_1336 = arith.constant 1 : i32
        %parallel_loop3A_1337 = arith.index_cast %parallel_loop3A_1336 : i32 to index
        %parallel_loop3A_1338 = arith.index_cast %parallel_loop3A_1310 : i32 to index
        %parallel_loop3A_1339 = arith.constant 16 : index
        %parallel_loop3A_1340 = tpu.vector_load %arg6[%parallel_loop3A_1337, %parallel_loop3A_1338, %parallel_loop3A_1339] {strides = array<i32>} : memref<4x512x32xf32, #tpu.memory_space<vmem>>, vector<1x1x16xf32>,
        %parallel_loop3A_1341 = vector.shape_cast %parallel_loop3A_1340 : vector<1x1x16xf32> to vector<16xf32>
        %parallel_loop3A_1342 = vector.shape_cast %parallel_loop3A_1335 : vector<16xf32> to vector<1x1x16xf32>
        tpu.vector_store %arg6[%parallel_loop3A_1337, %parallel_loop3A_1338, %parallel_loop3A_1339], %parallel_loop3A_1342 {strides = array<i32>} : memref<4x512x32xf32, #tpu.memory_space<vmem>>, vector<1x1x16xf32>,
      } {sc.loop_unroll_factor = 8 : i64, sc.parallel_access}
      %add3A_636 = arith.addi %mul3A_4, %add3A_614 : i32
      %jit3A_637 = arith.constant 4 : i32
      %div3A_638 = arith.divsi %add3A_636, %jit3A_637 : i32
      %sign3A_639 = arith.constant 0 : i32
      %sign3A_640 = arith.cmpi sgt, %add3A_636, %sign3A_639 : i32
      %sign3A_641 = arith.extui %sign3A_640 : i1 to i32
      %sign3A_642 = arith.constant 0 : i32
      %sign3A_643 = arith.cmpi slt, %add3A_636, %sign3A_642 : i32
      %sign3A_644 = arith.extui %sign3A_643 : i1 to i32
      %sign3A_645 = arith.subi %sign3A_641, %sign3A_644 : i32
      %sign3A_646 = arith.constant 0 : i32
      %sign3A_647 = arith.cmpi sgt, %jit3A_637, %sign3A_646 : i32
      %sign3A_648 = arith.extui %sign3A_647 : i1 to i32
      %sign3A_649 = arith.constant 0 : i32
      %sign3A_650 = arith.cmpi slt, %jit3A_637, %sign3A_649 : i32
      %sign3A_651 = arith.extui %sign3A_650 : i1 to i32
      %sign3A_652 = arith.subi %sign3A_648, %sign3A_651 : i32
      %ne3A_653 = arith.cmpi ne, %sign3A_645, %sign3A_652 : i32
      %rem3A_654 = arith.remsi %add3A_636, %jit3A_637 : i32
      %ne3A_655 = arith.constant 0 : i32
      %ne3A_656 = arith.cmpi ne, %rem3A_654, %ne3A_655 : i32
      %and3A_657 = arith.andi %ne3A_653, %ne3A_656 : i1
      %sub3A_658 = arith.constant 1 : i32
      %sub3A_659 = arith.subi %div3A_638, %sub3A_658 : i32
      %select_n3A_660 = arith.select %and3A_657, %sub3A_659, %div3A_638 : i32
      %mul3A_661 = arith.constant 512 : i32
      %mul3A_662 = arith.muli %select_n3A_660, %mul3A_661 : i32
      %rem3A_663 = arith.constant 4 : i32
      %rem3A_664 = arith.remsi %add3A_636, %rem3A_663 : i32
      %mul3A_665 = arith.constant 32 : i32
      %mul3A_666 = arith.muli %rem3A_664, %mul3A_665 : i32
      %dma_start3A_667 = arith.constant 1 : i32
      %dma_start3A_668 = arith.constant 1 : i32
      %dma_start3A_669 = arith.constant 0 : i32
      %dma_start3A_670 = arith.constant 0 : i32
      %dma_start3A_671 = tpu.memref_slice %arg6[%dma_start3A_667, %dma_start3A_669, %dma_start3A_670] : memref<4x512x32xf32, #tpu.memory_space<vmem>> -> memref<1x512x32xf32, #tpu.memory_space<vmem>>
      %dma_start3A_672 = tpu.memref_squeeze %dma_start3A_671 : memref<1x512x32xf32, #tpu.memory_space<vmem>> -> memref<512x32xf32, #tpu.memory_space<vmem>>
      %dma_start3A_673 = arith.constant 0 : i32
      %dma_start3A_674 = tpu.memref_slice %arg4[%mul3A_662, %dma_start3A_673] : memref<819200x128xf32, #tpu.memory_space<hbm>> -> memref<512x128xf32, #tpu.memory_space<hbm>>
      %dma_start3A_675 = arith.constant 0 : i32
      %dma_start3A_676 = tpu.memref_slice %dma_start3A_674[%dma_start3A_675, %mul3A_666] : memref<512x128xf32, #tpu.memory_space<hbm>> -> memref<512x32xf32, #tpu.memory_space<hbm>>
      %dma_start3A_677 = tpu.memref_slice %arg8[%dma_start3A_668] : memref<4x!tpu.dma_semaphore, #tpu.memory_space<semaphore_mem>> -> memref<1x!tpu.dma_semaphore, #tpu.memory_space<semaphore_mem>>
      %dma_start3A_678 = tpu.memref_squeeze %dma_start3A_677 : memref<1x!tpu.dma_semaphore, #tpu.memory_space<semaphore_mem>> -> memref<!tpu.dma_semaphore, #tpu.memory_space<semaphore_mem>>
      %dma_start3A_679 = arith.constant 0 : i32
      %dma_start3A_680 = tpu.memref_slice %arg4[%mul3A_662, %dma_start3A_679] : memref<819200x128xf32, #tpu.memory_space<hbm>> -> memref<512x128xf32, #tpu.memory_space<hbm>>
      %dma_start3A_681 = arith.constant 0 : i32
      %dma_start3A_682 = tpu.memref_slice %dma_start3A_680[%dma_start3A_681, %mul3A_666] : memref<512x128xf32, #tpu.memory_space<hbm>> -> memref<512x32xf32, #tpu.memory_space<hbm>>
      %dma_start3A_683 = arith.constant 0 : i32
      %dma_start3A_684 = arith.constant 0 : i32
      %dma_start3A_685 = tpu.memref_slice %arg6[%dma_start3A_667, %dma_start3A_683, %dma_start3A_684] : memref<4x512x32xf32, #tpu.memory_space<vmem>> -> memref<1x512x32xf32, #tpu.memory_space<vmem>>
      %dma_start3A_686 = tpu.memref_squeeze %dma_start3A_685 : memref<1x512x32xf32, #tpu.memory_space<vmem>> -> memref<512x32xf32, #tpu.memory_space<vmem>>
      tpu.enqueue_dma source(%dma_start3A_686 : memref<512x32xf32, #tpu.memory_space<vmem>>) target(%dma_start3A_682 : memref<512x32xf32, #tpu.memory_space<hbm>>) target_semaphore(%dma_start3A_678 : memref<!tpu.dma_semaphore, #tpu.memory_space<semaphore_mem>>)
      %dma_wait3A_687 = arith.constant 0 : i32
      %dma_wait3A_688 = arith.constant 0 : i32
      %dma_wait3A_689 = arith.constant 0 : i32
      %dma_wait3A_690 = arith.constant 0 : i32
      %dma_wait3A_691 = tpu.memref_slice %arg5[%dma_wait3A_687, %dma_wait3A_689, %dma_wait3A_690] : memref<4x4x128xi32, #tpu.memory_space<vmem>> -> memref<1x4x128xi32, #tpu.memory_space<vmem>>
      %dma_wait3A_692 = tpu.memref_squeeze %dma_wait3A_691 : memref<1x4x128xi32, #tpu.memory_space<vmem>> -> memref<4x128xi32, #tpu.memory_space<vmem>>
      %dma_wait3A_693 = arith.constant 0 : i32
      %dma_wait3A_694 = arith.constant 0 : i32
      %dma_wait3A_695 = tpu.memref_slice %arg2[%dma_wait3A_693, %dma_wait3A_694] : memref<25600x128xi32, #tpu.memory_space<hbm>> -> memref<4x128xi32, #tpu.memory_space<hbm>>
      %dma_wait3A_696 = tpu.memref_slice %arg9[%dma_wait3A_688] : memref<4x!tpu.dma_semaphore, #tpu.memory_space<semaphore_mem>> -> memref<1x!tpu.dma_semaphore, #tpu.memory_space<semaphore_mem>>
      %dma_wait3A_697 = tpu.memref_squeeze %dma_wait3A_696 : memref<1x!tpu.dma_semaphore, #tpu.memory_space<semaphore_mem>> -> memref<!tpu.dma_semaphore, #tpu.memory_space<semaphore_mem>>
      %dma_wait3A_698 = arith.constant 0 : i32
      %dma_wait3A_699 = arith.constant 0 : i32
      %dma_wait3A_700 = tpu.memref_slice %arg5[%dma_wait3A_687, %dma_wait3A_698, %dma_wait3A_699] : memref<4x4x128xi32, #tpu.memory_space<vmem>> -> memref<1x4x128xi32, #tpu.memory_space<vmem>>
      %dma_wait3A_701 = tpu.memref_squeeze %dma_wait3A_700 : memref<1x4x128xi32, #tpu.memory_space<vmem>> -> memref<4x128xi32, #tpu.memory_space<vmem>>
      %dma_wait3A_702 = arith.constant 0 : i32
      %dma_wait3A_703 = arith.constant 0 : i32
      %dma_wait3A_704 = tpu.memref_slice %arg2[%dma_wait3A_702, %dma_wait3A_703] : memref<25600x128xi32, #tpu.memory_space<hbm>> -> memref<4x128xi32, #tpu.memory_space<hbm>>
      tpu.wait_dma2 semaphore(%dma_wait3A_697 : memref<!tpu.dma_semaphore, #tpu.memory_space<semaphore_mem>>) src(%dma_wait3A_704 : memref<4x128xi32, #tpu.memory_space<hbm>>) dst(%dma_wait3A_701 : memref<4x128xi32, #tpu.memory_space<vmem>>)
      %dma_wait3A_705 = arith.constant 0 : i32
      %dma_wait3A_706 = arith.constant 0 : i32
      %dma_wait3A_707 = arith.constant 0 : i32
      %dma_wait3A_708 = arith.constant 0 : i32
      %dma_wait3A_709 = tpu.memref_slice %arg6[%dma_wait3A_705, %dma_wait3A_707, %dma_wait3A_708] : memref<4x512x32xf32, #tpu.memory_space<vmem>> -> memref<1x512x32xf32, #tpu.memory_space<vmem>>
      %dma_wait3A_710 = tpu.memref_squeeze %dma_wait3A_709 : memref<1x512x32xf32, #tpu.memory_space<vmem>> -> memref<512x32xf32, #tpu.memory_space<vmem>>
      %dma_wait3A_711 = arith.constant 0 : i32
      %dma_wait3A_712 = arith.constant 0 : i32
      %dma_wait3A_713 = tpu.memref_slice %arg4[%dma_wait3A_711, %dma_wait3A_712] : memref<819200x128xf32, #tpu.memory_space<hbm>> -> memref<512x128xf32, #tpu.memory_space<hbm>>
      %dma_wait3A_714 = arith.constant 0 : i32
      %dma_wait3A_715 = arith.constant 0 : i32
      %dma_wait3A_716 = tpu.memref_slice %dma_wait3A_713[%dma_wait3A_714, %dma_wait3A_715] : memref<512x128xf32, #tpu.memory_space<hbm>> -> memref<512x32xf32, #tpu.memory_space<hbm>>
      %dma_wait3A_717 = tpu.memref_slice %arg8[%dma_wait3A_706] : memref<4x!tpu.dma_semaphore, #tpu.memory_space<semaphore_mem>> -> memref<1x!tpu.dma_semaphore, #tpu.memory_space<semaphore_mem>>
      %dma_wait3A_718 = tpu.memref_squeeze %dma_wait3A_717 : memref<1x!tpu.dma_semaphore, #tpu.memory_space<semaphore_mem>> -> memref<!tpu.dma_semaphore, #tpu.memory_space<semaphore_mem>>
      %dma_wait3A_719 = arith.constant 0 : i32
      %dma_wait3A_720 = arith.constant 0 : i32
      %dma_wait3A_721 = tpu.memref_slice %arg4[%dma_wait3A_719, %dma_wait3A_720] : memref<819200x128xf32, #tpu.memory_space<hbm>> -> memref<512x128xf32, #tpu.memory_space<hbm>>
      %dma_wait3A_722 = arith.constant 0 : i32
      %dma_wait3A_723 = arith.constant 0 : i32
      %dma_wait3A_724 = tpu.memref_slice %dma_wait3A_721[%dma_wait3A_722, %dma_wait3A_723] : memref<512x128xf32, #tpu.memory_space<hbm>> -> memref<512x32xf32, #tpu.memory_space<hbm>>
      %dma_wait3A_725 = arith.constant 0 : i32
      %dma_wait3A_726 = arith.constant 0 : i32
      %dma_wait3A_727 = tpu.memref_slice %arg6[%dma_wait3A_705, %dma_wait3A_725, %dma_wait3A_726] : memref<4x512x32xf32, #tpu.memory_space<vmem>> -> memref<1x512x32xf32, #tpu.memory_space<vmem>>
      %dma_wait3A_728 = tpu.memref_squeeze %dma_wait3A_727 : memref<1x512x32xf32, #tpu.memory_space<vmem>> -> memref<512x32xf32, #tpu.memory_space<vmem>>
      tpu.wait_dma2 semaphore(%dma_wait3A_718 : memref<!tpu.dma_semaphore, #tpu.memory_space<semaphore_mem>>) src(%dma_wait3A_728 : memref<512x32xf32, #tpu.memory_space<vmem>>) dst(%dma_wait3A_724 : memref<512x32xf32, #tpu.memory_space<hbm>>)
      %dma_start3A_729 = arith.constant 0 : i32
      %dma_start3A_730 = arith.constant 0 : i32
      %dma_start3A_731 = arith.constant 0 : i32
      %dma_start3A_732 = arith.constant 0 : i32
      %dma_start3A_733 = arith.constant 0 : i32
      %dma_start3A_734 = arith.constant 0 : i32
      %dma_start3A_735 = tpu.memref_slice %arg6[%dma_start3A_731, %dma_start3A_733, %dma_start3A_734] : memref<4x512x32xf32, #tpu.memory_space<vmem>> -> memref<1x512x32xf32, #tpu.memory_space<vmem>>
      %dma_start3A_736 = tpu.memref_squeeze %dma_start3A_735 : memref<1x512x32xf32, #tpu.memory_space<vmem>> -> memref<512x32xf32, #tpu.memory_space<vmem>>
      %dma_start3A_737 = arith.constant 0 : i32
      %dma_start3A_738 = arith.constant 0 : i32
      %dma_start3A_739 = tpu.memref_slice %dma_start3A_736[%dma_start3A_737, %dma_start3A_738] : memref<512x32xf32, #tpu.memory_space<vmem>> -> memref<128x32xf32, #tpu.memory_space<vmem>>
      %dma_start3A_740 = arith.constant 0 : i32
      %dma_start3A_741 = arith.constant 0 : i32
      %dma_start3A_742 = tpu.memref_slice %arg5[%dma_start3A_729, %dma_start3A_740, %dma_start3A_741] : memref<4x4x128xi32, #tpu.memory_space<vmem>> -> memref<1x4x128xi32, #tpu.memory_space<vmem>>
      %dma_start3A_743 = tpu.memref_squeeze %dma_start3A_742 : memref<1x4x128xi32, #tpu.memory_space<vmem>> -> memref<4x128xi32, #tpu.memory_space<vmem>>
      %dma_start3A_744 = arith.constant 0 : i32
      %dma_start3A_745 = tpu.memref_slice %dma_start3A_743[%dma_start3A_730, %dma_start3A_744] : memref<4x128xi32, #tpu.memory_space<vmem>> -> memref<1x128xi32, #tpu.memory_space<vmem>>
      %dma_start3A_746 = tpu.memref_squeeze %dma_start3A_745 : memref<1x128xi32, #tpu.memory_space<vmem>> -> memref<128xi32, #tpu.memory_space<vmem>>
      %dma_start3A_747 = arith.constant 0 : i32
      %dma_start3A_748 = arith.constant 0 : i32
      %dma_start3A_749 = tpu.memref_slice %arg3[%dma_start3A_747, %dma_start3A_748] : memref<1000000x32xf32, #tpu.memory_space<hbm>> -> memref<1000000x32xf32, #tpu.memory_space<hbm>>
      %dma_start3A_750 = tpu.memref_slice %arg7[%dma_start3A_732] : memref<4x!tpu.dma_semaphore, #tpu.memory_space<semaphore_mem>> -> memref<1x!tpu.dma_semaphore, #tpu.memory_space<semaphore_mem>>
      %dma_start3A_751 = tpu.memref_squeeze %dma_start3A_750 : memref<1x!tpu.dma_semaphore, #tpu.memory_space<semaphore_mem>> -> memref<!tpu.dma_semaphore, #tpu.memory_space<semaphore_mem>>
      tpu.enqueue_indirect_dma source(%dma_start3A_749 : memref<1000000x32xf32, #tpu.memory_space<hbm>>) target(%dma_start3A_739 : memref<128x32xf32, #tpu.memory_space<vmem>>) offsets(%dma_start3A_746 : memref<128xi32, #tpu.memory_space<vmem>>) semaphore(%dma_start3A_751 : memref<!tpu.dma_semaphore, #tpu.memory_space<semaphore_mem>>)
      %dma_start3A_752 = arith.constant 0 : i32
      %dma_start3A_753 = arith.constant 1 : i32
      %dma_start3A_754 = arith.constant 0 : i32
      %dma_start3A_755 = arith.constant 0 : i32
      %dma_start3A_756 = arith.constant 0 : i32
      %dma_start3A_757 = arith.constant 0 : i32
      %dma_start3A_758 = tpu.memref_slice %arg6[%dma_start3A_754, %dma_start3A_756, %dma_start3A_757] : memref<4x512x32xf32, #tpu.memory_space<vmem>> -> memref<1x512x32xf32, #tpu.memory_space<vmem>>
      %dma_start3A_759 = tpu.memref_squeeze %dma_start3A_758 : memref<1x512x32xf32, #tpu.memory_space<vmem>> -> memref<512x32xf32, #tpu.memory_space<vmem>>
      %dma_start3A_760 = arith.constant 128 : i32
      %dma_start3A_761 = arith.constant 0 : i32
      %dma_start3A_762 = tpu.memref_slice %dma_start3A_759[%dma_start3A_760, %dma_start3A_761] : memref<512x32xf32, #tpu.memory_space<vmem>> -> memref<128x32xf32, #tpu.memory_space<vmem>>
      %dma_start3A_763 = arith.constant 0 : i32
      %dma_start3A_764 = arith.constant 0 : i32
      %dma_start3A_765 = tpu.memref_slice %arg5[%dma_start3A_752, %dma_start3A_763, %dma_start3A_764] : memref<4x4x128xi32, #tpu.memory_space<vmem>> -> memref<1x4x128xi32, #tpu.memory_space<vmem>>
      %dma_start3A_766 = tpu.memref_squeeze %dma_start3A_765 : memref<1x4x128xi32, #tpu.memory_space<vmem>> -> memref<4x128xi32, #tpu.memory_space<vmem>>
      %dma_start3A_767 = arith.constant 0 : i32
      %dma_start3A_768 = tpu.memref_slice %dma_start3A_766[%dma_start3A_753, %dma_start3A_767] : memref<4x128xi32, #tpu.memory_space<vmem>> -> memref<1x128xi32, #tpu.memory_space<vmem>>
      %dma_start3A_769 = tpu.memref_squeeze %dma_start3A_768 : memref<1x128xi32, #tpu.memory_space<vmem>> -> memref<128xi32, #tpu.memory_space<vmem>>
      %dma_start3A_770 = arith.constant 0 : i32
      %dma_start3A_771 = arith.constant 0 : i32
      %dma_start3A_772 = tpu.memref_slice %arg3[%dma_start3A_770, %dma_start3A_771] : memref<1000000x32xf32, #tpu.memory_space<hbm>> -> memref<1000000x32xf32, #tpu.memory_space<hbm>>
      %dma_start3A_773 = tpu.memref_slice %arg7[%dma_start3A_755] : memref<4x!tpu.dma_semaphore, #tpu.memory_space<semaphore_mem>> -> memref<1x!tpu.dma_semaphore, #tpu.memory_space<semaphore_mem>>
      %dma_start3A_774 = tpu.memref_squeeze %dma_start3A_773 : memref<1x!tpu.dma_semaphore, #tpu.memory_space<semaphore_mem>> -> memref<!tpu.dma_semaphore, #tpu.memory_space<semaphore_mem>>
      tpu.enqueue_indirect_dma source(%dma_start3A_772 : memref<1000000x32xf32, #tpu.memory_space<hbm>>) target(%dma_start3A_762 : memref<128x32xf32, #tpu.memory_space<vmem>>) offsets(%dma_start3A_769 : memref<128xi32, #tpu.memory_space<vmem>>) semaphore(%dma_start3A_774 : memref<!tpu.dma_semaphore, #tpu.memory_space<semaphore_mem>>)
      %dma_start3A_775 = arith.constant 0 : i32
      %dma_start3A_776 = arith.constant 2 : i32
      %dma_start3A_777 = arith.constant 0 : i32
      %dma_start3A_778 = arith.constant 0 : i32
      %dma_start3A_779 = arith.constant 0 : i32
      %dma_start3A_780 = arith.constant 0 : i32
      %dma_start3A_781 = tpu.memref_slice %arg6[%dma_start3A_777, %dma_start3A_779, %dma_start3A_780] : memref<4x512x32xf32, #tpu.memory_space<vmem>> -> memref<1x512x32xf32, #tpu.memory_space<vmem>>
      %dma_start3A_782 = tpu.memref_squeeze %dma_start3A_781 : memref<1x512x32xf32, #tpu.memory_space<vmem>> -> memref<512x32xf32, #tpu.memory_space<vmem>>
      %dma_start3A_783 = arith.constant 256 : i32
      %dma_start3A_784 = arith.constant 0 : i32
      %dma_start3A_785 = tpu.memref_slice %dma_start3A_782[%dma_start3A_783, %dma_start3A_784] : memref<512x32xf32, #tpu.memory_space<vmem>> -> memref<128x32xf32, #tpu.memory_space<vmem>>
      %dma_start3A_786 = arith.constant 0 : i32
      %dma_start3A_787 = arith.constant 0 : i32
      %dma_start3A_788 = tpu.memref_slice %arg5[%dma_start3A_775, %dma_start3A_786, %dma_start3A_787] : memref<4x4x128xi32, #tpu.memory_space<vmem>> -> memref<1x4x128xi32, #tpu.memory_space<vmem>>
      %dma_start3A_789 = tpu.memref_squeeze %dma_start3A_788 : memref<1x4x128xi32, #tpu.memory_space<vmem>> -> memref<4x128xi32, #tpu.memory_space<vmem>>
      %dma_start3A_790 = arith.constant 0 : i32
      %dma_start3A_791 = tpu.memref_slice %dma_start3A_789[%dma_start3A_776, %dma_start3A_790] : memref<4x128xi32, #tpu.memory_space<vmem>> -> memref<1x128xi32, #tpu.memory_space<vmem>>
      %dma_start3A_792 = tpu.memref_squeeze %dma_start3A_791 : memref<1x128xi32, #tpu.memory_space<vmem>> -> memref<128xi32, #tpu.memory_space<vmem>>
      %dma_start3A_793 = arith.constant 0 : i32
      %dma_start3A_794 = arith.constant 0 : i32
      %dma_start3A_795 = tpu.memref_slice %arg3[%dma_start3A_793, %dma_start3A_794] : memref<1000000x32xf32, #tpu.memory_space<hbm>> -> memref<1000000x32xf32, #tpu.memory_space<hbm>>
      %dma_start3A_796 = tpu.memref_slice %arg7[%dma_start3A_778] : memref<4x!tpu.dma_semaphore, #tpu.memory_space<semaphore_mem>> -> memref<1x!tpu.dma_semaphore, #tpu.memory_space<semaphore_mem>>
      %dma_start3A_797 = tpu.memref_squeeze %dma_start3A_796 : memref<1x!tpu.dma_semaphore, #tpu.memory_space<semaphore_mem>> -> memref<!tpu.dma_semaphore, #tpu.memory_space<semaphore_mem>>
      tpu.enqueue_indirect_dma source(%dma_start3A_795 : memref<1000000x32xf32, #tpu.memory_space<hbm>>) target(%dma_start3A_785 : memref<128x32xf32, #tpu.memory_space<vmem>>) offsets(%dma_start3A_792 : memref<128xi32, #tpu.memory_space<vmem>>) semaphore(%dma_start3A_797 : memref<!tpu.dma_semaphore, #tpu.memory_space<semaphore_mem>>)
      %dma_start3A_798 = arith.constant 0 : i32
      %dma_start3A_799 = arith.constant 3 : i32
      %dma_start3A_800 = arith.constant 0 : i32
      %dma_start3A_801 = arith.constant 0 : i32
      %dma_start3A_802 = arith.constant 0 : i32
      %dma_start3A_803 = arith.constant 0 : i32
      %dma_start3A_804 = tpu.memref_slice %arg6[%dma_start3A_800, %dma_start3A_802, %dma_start3A_803] : memref<4x512x32xf32, #tpu.memory_space<vmem>> -> memref<1x512x32xf32, #tpu.memory_space<vmem>>
      %dma_start3A_805 = tpu.memref_squeeze %dma_start3A_804 : memref<1x512x32xf32, #tpu.memory_space<vmem>> -> memref<512x32xf32, #tpu.memory_space<vmem>>
      %dma_start3A_806 = arith.constant 384 : i32
      %dma_start3A_807 = arith.constant 0 : i32
      %dma_start3A_808 = tpu.memref_slice %dma_start3A_805[%dma_start3A_806, %dma_start3A_807] : memref<512x32xf32, #tpu.memory_space<vmem>> -> memref<128x32xf32, #tpu.memory_space<vmem>>
      %dma_start3A_809 = arith.constant 0 : i32
      %dma_start3A_810 = arith.constant 0 : i32
      %dma_start3A_811 = tpu.memref_slice %arg5[%dma_start3A_798, %dma_start3A_809, %dma_start3A_810] : memref<4x4x128xi32, #tpu.memory_space<vmem>> -> memref<1x4x128xi32, #tpu.memory_space<vmem>>
      %dma_start3A_812 = tpu.memref_squeeze %dma_start3A_811 : memref<1x4x128xi32, #tpu.memory_space<vmem>> -> memref<4x128xi32, #tpu.memory_space<vmem>>
      %dma_start3A_813 = arith.constant 0 : i32
      %dma_start3A_814 = tpu.memref_slice %dma_start3A_812[%dma_start3A_799, %dma_start3A_813] : memref<4x128xi32, #tpu.memory_space<vmem>> -> memref<1x128xi32, #tpu.memory_space<vmem>>
      %dma_start3A_815 = tpu.memref_squeeze %dma_start3A_814 : memref<1x128xi32, #tpu.memory_space<vmem>> -> memref<128xi32, #tpu.memory_space<vmem>>
      %dma_start3A_816 = arith.constant 0 : i32
      %dma_start3A_817 = arith.constant 0 : i32
      %dma_start3A_818 = tpu.memref_slice %arg3[%dma_start3A_816, %dma_start3A_817] : memref<1000000x32xf32, #tpu.memory_space<hbm>> -> memref<1000000x32xf32, #tpu.memory_space<hbm>>
      %dma_start3A_819 = tpu.memref_slice %arg7[%dma_start3A_801] : memref<4x!tpu.dma_semaphore, #tpu.memory_space<semaphore_mem>> -> memref<1x!tpu.dma_semaphore, #tpu.memory_space<semaphore_mem>>
      %dma_start3A_820 = tpu.memref_squeeze %dma_start3A_819 : memref<1x!tpu.dma_semaphore, #tpu.memory_space<semaphore_mem>> -> memref<!tpu.dma_semaphore, #tpu.memory_space<semaphore_mem>>
      tpu.enqueue_indirect_dma source(%dma_start3A_818 : memref<1000000x32xf32, #tpu.memory_space<hbm>>) target(%dma_start3A_808 : memref<128x32xf32, #tpu.memory_space<vmem>>) offsets(%dma_start3A_815 : memref<128xi32, #tpu.memory_space<vmem>>) semaphore(%dma_start3A_820 : memref<!tpu.dma_semaphore, #tpu.memory_space<semaphore_mem>>)
      %add3A_821 = arith.constant 4 : i32
      %add3A_822 = arith.addi %add3A_614, %add3A_821 : i32
      %rem3A_823 = arith.constant 200 : i32
      %rem3A_824 = arith.remsi %add3A_822, %rem3A_823 : i32
      %mul3A_825 = arith.constant 4 : i32
      %mul3A_826 = arith.muli %rem3A_824, %mul3A_825 : i32
      %add3A_827 = arith.addi %mul3A_2, %mul3A_826 : i32
      %dma_start3A_828 = arith.constant 1 : i32
      %dma_start3A_829 = arith.constant 1 : i32
      %dma_start3A_830 = arith.constant 0 : i32
      %dma_start3A_831 = arith.constant 0 : i32
      %dma_start3A_832 = tpu.memref_slice %arg5[%dma_start3A_828, %dma_start3A_830, %dma_start3A_831] : memref<4x4x128xi32, #tpu.memory_space<vmem>> -> memref<1x4x128xi32, #tpu.memory_space<vmem>>
      %dma_start3A_833 = tpu.memref_squeeze %dma_start3A_832 : memref<1x4x128xi32, #tpu.memory_space<vmem>> -> memref<4x128xi32, #tpu.memory_space<vmem>>
      %dma_start3A_834 = arith.constant 0 : i32
      %dma_start3A_835 = tpu.memref_slice %arg2[%add3A_827, %dma_start3A_834] : memref<25600x128xi32, #tpu.memory_space<hbm>> -> memref<4x128xi32, #tpu.memory_space<hbm>>
      %dma_start3A_836 = tpu.memref_slice %arg9[%dma_start3A_829] : memref<4x!tpu.dma_semaphore, #tpu.memory_space<semaphore_mem>> -> memref<1x!tpu.dma_semaphore, #tpu.memory_space<semaphore_mem>>
      %dma_start3A_837 = tpu.memref_squeeze %dma_start3A_836 : memref<1x!tpu.dma_semaphore, #tpu.memory_space<semaphore_mem>> -> memref<!tpu.dma_semaphore, #tpu.memory_space<semaphore_mem>>
      %dma_start3A_838 = arith.constant 0 : i32
      %dma_start3A_839 = arith.constant 0 : i32
      %dma_start3A_840 = tpu.memref_slice %arg5[%dma_start3A_828, %dma_start3A_838, %dma_start3A_839] : memref<4x4x128xi32, #tpu.memory_space<vmem>> -> memref<1x4x128xi32, #tpu.memory_space<vmem>>
      %dma_start3A_841 = tpu.memref_squeeze %dma_start3A_840 : memref<1x4x128xi32, #tpu.memory_space<vmem>> -> memref<4x128xi32, #tpu.memory_space<vmem>>
      %dma_start3A_842 = arith.constant 0 : i32
      %dma_start3A_843 = tpu.memref_slice %arg2[%add3A_827, %dma_start3A_842] : memref<25600x128xi32, #tpu.memory_space<hbm>> -> memref<4x128xi32, #tpu.memory_space<hbm>>
      tpu.enqueue_dma source(%dma_start3A_843 : memref<4x128xi32, #tpu.memory_space<hbm>>) target(%dma_start3A_841 : memref<4x128xi32, #tpu.memory_space<vmem>>) target_semaphore(%dma_start3A_837 : memref<!tpu.dma_semaphore, #tpu.memory_space<semaphore_mem>>)
      %mul3A_844 = arith.constant 4 : i32
      %mul3A_845 = arith.muli %scan3A_408, %mul3A_844 : i32
      %add3A_846 = arith.constant 2 : i32
      %add3A_847 = arith.addi %mul3A_845, %add3A_846 : i32
      %dma_wait3A_848 = arith.constant 2 : i32
      %dma_wait3A_849 = arith.constant 2 : i32
      %dma_wait3A_850 = arith.constant 0 : i32
      %dma_wait3A_851 = arith.constant 0 : i32
      %dma_wait3A_852 = tpu.memref_slice %arg6[%dma_wait3A_848, %dma_wait3A_850, %dma_wait3A_851] : memref<4x512x32xf32, #tpu.memory_space<vmem>> -> memref<1x512x32xf32, #tpu.memory_space<vmem>>
      %dma_wait3A_853 = tpu.memref_squeeze %dma_wait3A_852 : memref<1x512x32xf32, #tpu.memory_space<vmem>> -> memref<512x32xf32, #tpu.memory_space<vmem>>
      %dma_wait3A_854 = arith.constant 0 : i32
      %dma_wait3A_855 = arith.constant 0 : i32
      %dma_wait3A_856 = tpu.memref_slice %arg3[%dma_wait3A_854, %dma_wait3A_855] : memref<1000000x32xf32, #tpu.memory_space<hbm>> -> memref<512x32xf32, #tpu.memory_space<hbm>>
      %dma_wait3A_857 = tpu.memref_slice %arg7[%dma_wait3A_849] : memref<4x!tpu.dma_semaphore, #tpu.memory_space<semaphore_mem>> -> memref<1x!tpu.dma_semaphore, #tpu.memory_space<semaphore_mem>>
      %dma_wait3A_858 = tpu.memref_squeeze %dma_wait3A_857 : memref<1x!tpu.dma_semaphore, #tpu.memory_space<semaphore_mem>> -> memref<!tpu.dma_semaphore, #tpu.memory_space<semaphore_mem>>
      %dma_wait3A_859 = arith.constant 0 : i32
      %dma_wait3A_860 = arith.constant 0 : i32
      %dma_wait3A_861 = tpu.memref_slice %arg6[%dma_wait3A_848, %dma_wait3A_859, %dma_wait3A_860] : memref<4x512x32xf32, #tpu.memory_space<vmem>> -> memref<1x512x32xf32, #tpu.memory_space<vmem>>
      %dma_wait3A_862 = tpu.memref_squeeze %dma_wait3A_861 : memref<1x512x32xf32, #tpu.memory_space<vmem>> -> memref<512x32xf32, #tpu.memory_space<vmem>>
      %dma_wait3A_863 = arith.constant 0 : i32
      %dma_wait3A_864 = arith.constant 0 : i32
      %dma_wait3A_865 = tpu.memref_slice %arg3[%dma_wait3A_863, %dma_wait3A_864] : memref<1000000x32xf32, #tpu.memory_space<hbm>> -> memref<512x32xf32, #tpu.memory_space<hbm>>
      tpu.wait_dma2 semaphore(%dma_wait3A_858 : memref<!tpu.dma_semaphore, #tpu.memory_space<semaphore_mem>>) src(%dma_wait3A_865 : memref<512x32xf32, #tpu.memory_space<hbm>>) dst(%dma_wait3A_862 : memref<512x32xf32, #tpu.memory_space<vmem>>)
      %parallel_loop3A_866 = arith.constant 0 : i32
      %parallel_loop3A_867 = arith.constant 512 : i32
      %parallel_loop3A_868 = arith.constant 1 : i32
      scf.for %parallel_loop3A_1310 = %parallel_loop3A_866 to %parallel_loop3A_867 step %parallel_loop3A_868  : i32 {
        %parallel_loop3A_1311 = arith.constant 2 : i32
        %parallel_loop3A_1312 = arith.index_cast %parallel_loop3A_1311 : i32 to index
        %parallel_loop3A_1313 = arith.index_cast %parallel_loop3A_1310 : i32 to index
        %parallel_loop3A_1314 = arith.constant 0 : index
        %parallel_loop3A_1315 = tpu.vector_load %arg6[%parallel_loop3A_1312, %parallel_loop3A_1313, %parallel_loop3A_1314] {strides = array<i32>} : memref<4x512x32xf32, #tpu.memory_space<vmem>>, vector<1x1x16xf32>,
        %parallel_loop3A_1316 = vector.shape_cast %parallel_loop3A_1315 : vector<1x1x16xf32> to vector<16xf32>
        %parallel_loop3A_1317 = arith.constant 5.65685415 : f32
        %parallel_loop3A_1318 = vector.broadcast %parallel_loop3A_1317 : f32 to vector<16xf32>
        %parallel_loop3A_1319 = arith.mulf %parallel_loop3A_1316, %parallel_loop3A_1318 : vector<16xf32>
        %parallel_loop3A_1320 = arith.constant 2 : i32
        %parallel_loop3A_1321 = arith.index_cast %parallel_loop3A_1320 : i32 to index
        %parallel_loop3A_1322 = arith.index_cast %parallel_loop3A_1310 : i32 to index
        %parallel_loop3A_1323 = arith.constant 0 : index
        %parallel_loop3A_1324 = tpu.vector_load %arg6[%parallel_loop3A_1321, %parallel_loop3A_1322, %parallel_loop3A_1323] {strides = array<i32>} : memref<4x512x32xf32, #tpu.memory_space<vmem>>, vector<1x1x16xf32>,
        %parallel_loop3A_1325 = vector.shape_cast %parallel_loop3A_1324 : vector<1x1x16xf32> to vector<16xf32>
        %parallel_loop3A_1326 = vector.shape_cast %parallel_loop3A_1319 : vector<16xf32> to vector<1x1x16xf32>
        tpu.vector_store %arg6[%parallel_loop3A_1321, %parallel_loop3A_1322, %parallel_loop3A_1323], %parallel_loop3A_1326 {strides = array<i32>} : memref<4x512x32xf32, #tpu.memory_space<vmem>>, vector<1x1x16xf32>,
        %parallel_loop3A_1327 = arith.constant 2 : i32
        %parallel_loop3A_1328 = arith.index_cast %parallel_loop3A_1327 : i32 to index
        %parallel_loop3A_1329 = arith.index_cast %parallel_loop3A_1310 : i32 to index
        %parallel_loop3A_1330 = arith.constant 16 : index
        %parallel_loop3A_1331 = tpu.vector_load %arg6[%parallel_loop3A_1328, %parallel_loop3A_1329, %parallel_loop3A_1330] {strides = array<i32>} : memref<4x512x32xf32, #tpu.memory_space<vmem>>, vector<1x1x16xf32>,
        %parallel_loop3A_1332 = vector.shape_cast %parallel_loop3A_1331 : vector<1x1x16xf32> to vector<16xf32>
        %parallel_loop3A_1333 = arith.constant 5.65685415 : f32
        %parallel_loop3A_1334 = vector.broadcast %parallel_loop3A_1333 : f32 to vector<16xf32>
        %parallel_loop3A_1335 = arith.mulf %parallel_loop3A_1332, %parallel_loop3A_1334 : vector<16xf32>
        %parallel_loop3A_1336 = arith.constant 2 : i32
        %parallel_loop3A_1337 = arith.index_cast %parallel_loop3A_1336 : i32 to index
        %parallel_loop3A_1338 = arith.index_cast %parallel_loop3A_1310 : i32 to index
        %parallel_loop3A_1339 = arith.constant 16 : index
        %parallel_loop3A_1340 = tpu.vector_load %arg6[%parallel_loop3A_1337, %parallel_loop3A_1338, %parallel_loop3A_1339] {strides = array<i32>} : memref<4x512x32xf32, #tpu.memory_space<vmem>>, vector<1x1x16xf32>,
        %parallel_loop3A_1341 = vector.shape_cast %parallel_loop3A_1340 : vector<1x1x16xf32> to vector<16xf32>
        %parallel_loop3A_1342 = vector.shape_cast %parallel_loop3A_1335 : vector<16xf32> to vector<1x1x16xf32>
        tpu.vector_store %arg6[%parallel_loop3A_1337, %parallel_loop3A_1338, %parallel_loop3A_1339], %parallel_loop3A_1342 {strides = array<i32>} : memref<4x512x32xf32, #tpu.memory_space<vmem>>, vector<1x1x16xf32>,
      } {sc.loop_unroll_factor = 8 : i64, sc.parallel_access}
      %add3A_869 = arith.addi %mul3A_4, %add3A_847 : i32
      %jit3A_870 = arith.constant 4 : i32
      %div3A_871 = arith.divsi %add3A_869, %jit3A_870 : i32
      %sign3A_872 = arith.constant 0 : i32
      %sign3A_873 = arith.cmpi sgt, %add3A_869, %sign3A_872 : i32
      %sign3A_874 = arith.extui %sign3A_873 : i1 to i32
      %sign3A_875 = arith.constant 0 : i32
      %sign3A_876 = arith.cmpi slt, %add3A_869, %sign3A_875 : i32
      %sign3A_877 = arith.extui %sign3A_876 : i1 to i32
      %sign3A_878 = arith.subi %sign3A_874, %sign3A_877 : i32
      %sign3A_879 = arith.constant 0 : i32
      %sign3A_880 = arith.cmpi sgt, %jit3A_870, %sign3A_879 : i32
      %sign3A_881 = arith.extui %sign3A_880 : i1 to i32
      %sign3A_882 = arith.constant 0 : i32
      %sign3A_883 = arith.cmpi slt, %jit3A_870, %sign3A_882 : i32
      %sign3A_884 = arith.extui %sign3A_883 : i1 to i32
      %sign3A_885 = arith.subi %sign3A_881, %sign3A_884 : i32
      %ne3A_886 = arith.cmpi ne, %sign3A_878, %sign3A_885 : i32
      %rem3A_887 = arith.remsi %add3A_869, %jit3A_870 : i32
      %ne3A_888 = arith.constant 0 : i32
      %ne3A_889 = arith.cmpi ne, %rem3A_887, %ne3A_888 : i32
      %and3A_890 = arith.andi %ne3A_886, %ne3A_889 : i1
      %sub3A_891 = arith.constant 1 : i32
      %sub3A_892 = arith.subi %div3A_871, %sub3A_891 : i32
      %select_n3A_893 = arith.select %and3A_890, %sub3A_892, %div3A_871 : i32
      %mul3A_894 = arith.constant 512 : i32
      %mul3A_895 = arith.muli %select_n3A_893, %mul3A_894 : i32
      %rem3A_896 = arith.constant 4 : i32
      %rem3A_897 = arith.remsi %add3A_869, %rem3A_896 : i32
      %mul3A_898 = arith.constant 32 : i32
      %mul3A_899 = arith.muli %rem3A_897, %mul3A_898 : i32
      %dma_start3A_900 = arith.constant 2 : i32
      %dma_start3A_901 = arith.constant 2 : i32
      %dma_start3A_902 = arith.constant 0 : i32
      %dma_start3A_903 = arith.constant 0 : i32
      %dma_start3A_904 = tpu.memref_slice %arg6[%dma_start3A_900, %dma_start3A_902, %dma_start3A_903] : memref<4x512x32xf32, #tpu.memory_space<vmem>> -> memref<1x512x32xf32, #tpu.memory_space<vmem>>
      %dma_start3A_905 = tpu.memref_squeeze %dma_start3A_904 : memref<1x512x32xf32, #tpu.memory_space<vmem>> -> memref<512x32xf32, #tpu.memory_space<vmem>>
      %dma_start3A_906 = arith.constant 0 : i32
      %dma_start3A_907 = tpu.memref_slice %arg4[%mul3A_895, %dma_start3A_906] : memref<819200x128xf32, #tpu.memory_space<hbm>> -> memref<512x128xf32, #tpu.memory_space<hbm>>
      %dma_start3A_908 = arith.constant 0 : i32
      %dma_start3A_909 = tpu.memref_slice %dma_start3A_907[%dma_start3A_908, %mul3A_899] : memref<512x128xf32, #tpu.memory_space<hbm>> -> memref<512x32xf32, #tpu.memory_space<hbm>>
      %dma_start3A_910 = tpu.memref_slice %arg8[%dma_start3A_901] : memref<4x!tpu.dma_semaphore, #tpu.memory_space<semaphore_mem>> -> memref<1x!tpu.dma_semaphore, #tpu.memory_space<semaphore_mem>>
      %dma_start3A_911 = tpu.memref_squeeze %dma_start3A_910 : memref<1x!tpu.dma_semaphore, #tpu.memory_space<semaphore_mem>> -> memref<!tpu.dma_semaphore, #tpu.memory_space<semaphore_mem>>
      %dma_start3A_912 = arith.constant 0 : i32
      %dma_start3A_913 = tpu.memref_slice %arg4[%mul3A_895, %dma_start3A_912] : memref<819200x128xf32, #tpu.memory_space<hbm>> -> memref<512x128xf32, #tpu.memory_space<hbm>>
      %dma_start3A_914 = arith.constant 0 : i32
      %dma_start3A_915 = tpu.memref_slice %dma_start3A_913[%dma_start3A_914, %mul3A_899] : memref<512x128xf32, #tpu.memory_space<hbm>> -> memref<512x32xf32, #tpu.memory_space<hbm>>
      %dma_start3A_916 = arith.constant 0 : i32
      %dma_start3A_917 = arith.constant 0 : i32
      %dma_start3A_918 = tpu.memref_slice %arg6[%dma_start3A_900, %dma_start3A_916, %dma_start3A_917] : memref<4x512x32xf32, #tpu.memory_space<vmem>> -> memref<1x512x32xf32, #tpu.memory_space<vmem>>
      %dma_start3A_919 = tpu.memref_squeeze %dma_start3A_918 : memref<1x512x32xf32, #tpu.memory_space<vmem>> -> memref<512x32xf32, #tpu.memory_space<vmem>>
      tpu.enqueue_dma source(%dma_start3A_919 : memref<512x32xf32, #tpu.memory_space<vmem>>) target(%dma_start3A_915 : memref<512x32xf32, #tpu.memory_space<hbm>>) target_semaphore(%dma_start3A_911 : memref<!tpu.dma_semaphore, #tpu.memory_space<semaphore_mem>>)
      %dma_wait3A_920 = arith.constant 1 : i32
      %dma_wait3A_921 = arith.constant 1 : i32
      %dma_wait3A_922 = arith.constant 0 : i32
      %dma_wait3A_923 = arith.constant 0 : i32
      %dma_wait3A_924 = tpu.memref_slice %arg5[%dma_wait3A_920, %dma_wait3A_922, %dma_wait3A_923] : memref<4x4x128xi32, #tpu.memory_space<vmem>> -> memref<1x4x128xi32, #tpu.memory_space<vmem>>
      %dma_wait3A_925 = tpu.memref_squeeze %dma_wait3A_924 : memref<1x4x128xi32, #tpu.memory_space<vmem>> -> memref<4x128xi32, #tpu.memory_space<vmem>>
      %dma_wait3A_926 = arith.constant 0 : i32
      %dma_wait3A_927 = arith.constant 0 : i32
      %dma_wait3A_928 = tpu.memref_slice %arg2[%dma_wait3A_926, %dma_wait3A_927] : memref<25600x128xi32, #tpu.memory_space<hbm>> -> memref<4x128xi32, #tpu.memory_space<hbm>>
      %dma_wait3A_929 = tpu.memref_slice %arg9[%dma_wait3A_921] : memref<4x!tpu.dma_semaphore, #tpu.memory_space<semaphore_mem>> -> memref<1x!tpu.dma_semaphore, #tpu.memory_space<semaphore_mem>>
      %dma_wait3A_930 = tpu.memref_squeeze %dma_wait3A_929 : memref<1x!tpu.dma_semaphore, #tpu.memory_space<semaphore_mem>> -> memref<!tpu.dma_semaphore, #tpu.memory_space<semaphore_mem>>
      %dma_wait3A_931 = arith.constant 0 : i32
      %dma_wait3A_932 = arith.constant 0 : i32
      %dma_wait3A_933 = tpu.memref_slice %arg5[%dma_wait3A_920, %dma_wait3A_931, %dma_wait3A_932] : memref<4x4x128xi32, #tpu.memory_space<vmem>> -> memref<1x4x128xi32, #tpu.memory_space<vmem>>
      %dma_wait3A_934 = tpu.memref_squeeze %dma_wait3A_933 : memref<1x4x128xi32, #tpu.memory_space<vmem>> -> memref<4x128xi32, #tpu.memory_space<vmem>>
      %dma_wait3A_935 = arith.constant 0 : i32
      %dma_wait3A_936 = arith.constant 0 : i32
      %dma_wait3A_937 = tpu.memref_slice %arg2[%dma_wait3A_935, %dma_wait3A_936] : memref<25600x128xi32, #tpu.memory_space<hbm>> -> memref<4x128xi32, #tpu.memory_space<hbm>>
      tpu.wait_dma2 semaphore(%dma_wait3A_930 : memref<!tpu.dma_semaphore, #tpu.memory_space<semaphore_mem>>) src(%dma_wait3A_937 : memref<4x128xi32, #tpu.memory_space<hbm>>) dst(%dma_wait3A_934 : memref<4x128xi32, #tpu.memory_space<vmem>>)
      %dma_wait3A_938 = arith.constant 1 : i32
      %dma_wait3A_939 = arith.constant 1 : i32
      %dma_wait3A_940 = arith.constant 0 : i32
      %dma_wait3A_941 = arith.constant 0 : i32
      %dma_wait3A_942 = tpu.memref_slice %arg6[%dma_wait3A_938, %dma_wait3A_940, %dma_wait3A_941] : memref<4x512x32xf32, #tpu.memory_space<vmem>> -> memref<1x512x32xf32, #tpu.memory_space<vmem>>
      %dma_wait3A_943 = tpu.memref_squeeze %dma_wait3A_942 : memref<1x512x32xf32, #tpu.memory_space<vmem>> -> memref<512x32xf32, #tpu.memory_space<vmem>>
      %dma_wait3A_944 = arith.constant 0 : i32
      %dma_wait3A_945 = arith.constant 0 : i32
      %dma_wait3A_946 = tpu.memref_slice %arg4[%dma_wait3A_944, %dma_wait3A_945] : memref<819200x128xf32, #tpu.memory_space<hbm>> -> memref<512x128xf32, #tpu.memory_space<hbm>>
      %dma_wait3A_947 = arith.constant 0 : i32
      %dma_wait3A_948 = arith.constant 0 : i32
      %dma_wait3A_949 = tpu.memref_slice %dma_wait3A_946[%dma_wait3A_947, %dma_wait3A_948] : memref<512x128xf32, #tpu.memory_space<hbm>> -> memref<512x32xf32, #tpu.memory_space<hbm>>
      %dma_wait3A_950 = tpu.memref_slice %arg8[%dma_wait3A_939] : memref<4x!tpu.dma_semaphore, #tpu.memory_space<semaphore_mem>> -> memref<1x!tpu.dma_semaphore, #tpu.memory_space<semaphore_mem>>
      %dma_wait3A_951 = tpu.memref_squeeze %dma_wait3A_950 : memref<1x!tpu.dma_semaphore, #tpu.memory_space<semaphore_mem>> -> memref<!tpu.dma_semaphore, #tpu.memory_space<semaphore_mem>>
      %dma_wait3A_952 = arith.constant 0 : i32
      %dma_wait3A_953 = arith.constant 0 : i32
      %dma_wait3A_954 = tpu.memref_slice %arg4[%dma_wait3A_952, %dma_wait3A_953] : memref<819200x128xf32, #tpu.memory_space<hbm>> -> memref<512x128xf32, #tpu.memory_space<hbm>>
      %dma_wait3A_955 = arith.constant 0 : i32
      %dma_wait3A_956 = arith.constant 0 : i32
      %dma_wait3A_957 = tpu.memref_slice %dma_wait3A_954[%dma_wait3A_955, %dma_wait3A_956] : memref<512x128xf32, #tpu.memory_space<hbm>> -> memref<512x32xf32, #tpu.memory_space<hbm>>
      %dma_wait3A_958 = arith.constant 0 : i32
      %dma_wait3A_959 = arith.constant 0 : i32
      %dma_wait3A_960 = tpu.memref_slice %arg6[%dma_wait3A_938, %dma_wait3A_958, %dma_wait3A_959] : memref<4x512x32xf32, #tpu.memory_space<vmem>> -> memref<1x512x32xf32, #tpu.memory_space<vmem>>
      %dma_wait3A_961 = tpu.memref_squeeze %dma_wait3A_960 : memref<1x512x32xf32, #tpu.memory_space<vmem>> -> memref<512x32xf32, #tpu.memory_space<vmem>>
      tpu.wait_dma2 semaphore(%dma_wait3A_951 : memref<!tpu.dma_semaphore, #tpu.memory_space<semaphore_mem>>) src(%dma_wait3A_961 : memref<512x32xf32, #tpu.memory_space<vmem>>) dst(%dma_wait3A_957 : memref<512x32xf32, #tpu.memory_space<hbm>>)
      %dma_start3A_962 = arith.constant 1 : i32
      %dma_start3A_963 = arith.constant 0 : i32
      %dma_start3A_964 = arith.constant 1 : i32
      %dma_start3A_965 = arith.constant 1 : i32
      %dma_start3A_966 = arith.constant 0 : i32
      %dma_start3A_967 = arith.constant 0 : i32
      %dma_start3A_968 = tpu.memref_slice %arg6[%dma_start3A_964, %dma_start3A_966, %dma_start3A_967] : memref<4x512x32xf32, #tpu.memory_space<vmem>> -> memref<1x512x32xf32, #tpu.memory_space<vmem>>
      %dma_start3A_969 = tpu.memref_squeeze %dma_start3A_968 : memref<1x512x32xf32, #tpu.memory_space<vmem>> -> memref<512x32xf32, #tpu.memory_space<vmem>>
      %dma_start3A_970 = arith.constant 0 : i32
      %dma_start3A_971 = arith.constant 0 : i32
      %dma_start3A_972 = tpu.memref_slice %dma_start3A_969[%dma_start3A_970, %dma_start3A_971] : memref<512x32xf32, #tpu.memory_space<vmem>> -> memref<128x32xf32, #tpu.memory_space<vmem>>
      %dma_start3A_973 = arith.constant 0 : i32
      %dma_start3A_974 = arith.constant 0 : i32
      %dma_start3A_975 = tpu.memref_slice %arg5[%dma_start3A_962, %dma_start3A_973, %dma_start3A_974] : memref<4x4x128xi32, #tpu.memory_space<vmem>> -> memref<1x4x128xi32, #tpu.memory_space<vmem>>
      %dma_start3A_976 = tpu.memref_squeeze %dma_start3A_975 : memref<1x4x128xi32, #tpu.memory_space<vmem>> -> memref<4x128xi32, #tpu.memory_space<vmem>>
      %dma_start3A_977 = arith.constant 0 : i32
      %dma_start3A_978 = tpu.memref_slice %dma_start3A_976[%dma_start3A_963, %dma_start3A_977] : memref<4x128xi32, #tpu.memory_space<vmem>> -> memref<1x128xi32, #tpu.memory_space<vmem>>
      %dma_start3A_979 = tpu.memref_squeeze %dma_start3A_978 : memref<1x128xi32, #tpu.memory_space<vmem>> -> memref<128xi32, #tpu.memory_space<vmem>>
      %dma_start3A_980 = arith.constant 0 : i32
      %dma_start3A_981 = arith.constant 0 : i32
      %dma_start3A_982 = tpu.memref_slice %arg3[%dma_start3A_980, %dma_start3A_981] : memref<1000000x32xf32, #tpu.memory_space<hbm>> -> memref<1000000x32xf32, #tpu.memory_space<hbm>>
      %dma_start3A_983 = tpu.memref_slice %arg7[%dma_start3A_965] : memref<4x!tpu.dma_semaphore, #tpu.memory_space<semaphore_mem>> -> memref<1x!tpu.dma_semaphore, #tpu.memory_space<semaphore_mem>>
      %dma_start3A_984 = tpu.memref_squeeze %dma_start3A_983 : memref<1x!tpu.dma_semaphore, #tpu.memory_space<semaphore_mem>> -> memref<!tpu.dma_semaphore, #tpu.memory_space<semaphore_mem>>
      tpu.enqueue_indirect_dma source(%dma_start3A_982 : memref<1000000x32xf32, #tpu.memory_space<hbm>>) target(%dma_start3A_972 : memref<128x32xf32, #tpu.memory_space<vmem>>) offsets(%dma_start3A_979 : memref<128xi32, #tpu.memory_space<vmem>>) semaphore(%dma_start3A_984 : memref<!tpu.dma_semaphore, #tpu.memory_space<semaphore_mem>>)
      %dma_start3A_985 = arith.constant 1 : i32
      %dma_start3A_986 = arith.constant 1 : i32
      %dma_start3A_987 = arith.constant 1 : i32
      %dma_start3A_988 = arith.constant 1 : i32
      %dma_start3A_989 = arith.constant 0 : i32
      %dma_start3A_990 = arith.constant 0 : i32
      %dma_start3A_991 = tpu.memref_slice %arg6[%dma_start3A_987, %dma_start3A_989, %dma_start3A_990] : memref<4x512x32xf32, #tpu.memory_space<vmem>> -> memref<1x512x32xf32, #tpu.memory_space<vmem>>
      %dma_start3A_992 = tpu.memref_squeeze %dma_start3A_991 : memref<1x512x32xf32, #tpu.memory_space<vmem>> -> memref<512x32xf32, #tpu.memory_space<vmem>>
      %dma_start3A_993 = arith.constant 128 : i32
      %dma_start3A_994 = arith.constant 0 : i32
      %dma_start3A_995 = tpu.memref_slice %dma_start3A_992[%dma_start3A_993, %dma_start3A_994] : memref<512x32xf32, #tpu.memory_space<vmem>> -> memref<128x32xf32, #tpu.memory_space<vmem>>
      %dma_start3A_996 = arith.constant 0 : i32
      %dma_start3A_997 = arith.constant 0 : i32
      %dma_start3A_998 = tpu.memref_slice %arg5[%dma_start3A_985, %dma_start3A_996, %dma_start3A_997] : memref<4x4x128xi32, #tpu.memory_space<vmem>> -> memref<1x4x128xi32, #tpu.memory_space<vmem>>
      %dma_start3A_999 = tpu.memref_squeeze %dma_start3A_998 : memref<1x4x128xi32, #tpu.memory_space<vmem>> -> memref<4x128xi32, #tpu.memory_space<vmem>>
      %dma_start3A_1000 = arith.constant 0 : i32
      %dma_start3A_1001 = tpu.memref_slice %dma_start3A_999[%dma_start3A_986, %dma_start3A_1000] : memref<4x128xi32, #tpu.memory_space<vmem>> -> memref<1x128xi32, #tpu.memory_space<vmem>>
      %dma_start3A_1002 = tpu.memref_squeeze %dma_start3A_1001 : memref<1x128xi32, #tpu.memory_space<vmem>> -> memref<128xi32, #tpu.memory_space<vmem>>
      %dma_start3A_1003 = arith.constant 0 : i32
      %dma_start3A_1004 = arith.constant 0 : i32
      %dma_start3A_1005 = tpu.memref_slice %arg3[%dma_start3A_1003, %dma_start3A_1004] : memref<1000000x32xf32, #tpu.memory_space<hbm>> -> memref<1000000x32xf32, #tpu.memory_space<hbm>>
      %dma_start3A_1006 = tpu.memref_slice %arg7[%dma_start3A_988] : memref<4x!tpu.dma_semaphore, #tpu.memory_space<semaphore_mem>> -> memref<1x!tpu.dma_semaphore, #tpu.memory_space<semaphore_mem>>
      %dma_start3A_1007 = tpu.memref_squeeze %dma_start3A_1006 : memref<1x!tpu.dma_semaphore, #tpu.memory_space<semaphore_mem>> -> memref<!tpu.dma_semaphore, #tpu.memory_space<semaphore_mem>>
      tpu.enqueue_indirect_dma source(%dma_start3A_1005 : memref<1000000x32xf32, #tpu.memory_space<hbm>>) target(%dma_start3A_995 : memref<128x32xf32, #tpu.memory_space<vmem>>) offsets(%dma_start3A_1002 : memref<128xi32, #tpu.memory_space<vmem>>) semaphore(%dma_start3A_1007 : memref<!tpu.dma_semaphore, #tpu.memory_space<semaphore_mem>>)
      %dma_start3A_1008 = arith.constant 1 : i32
      %dma_start3A_1009 = arith.constant 2 : i32
      %dma_start3A_1010 = arith.constant 1 : i32
      %dma_start3A_1011 = arith.constant 1 : i32
      %dma_start3A_1012 = arith.constant 0 : i32
      %dma_start3A_1013 = arith.constant 0 : i32
      %dma_start3A_1014 = tpu.memref_slice %arg6[%dma_start3A_1010, %dma_start3A_1012, %dma_start3A_1013] : memref<4x512x32xf32, #tpu.memory_space<vmem>> -> memref<1x512x32xf32, #tpu.memory_space<vmem>>
      %dma_start3A_1015 = tpu.memref_squeeze %dma_start3A_1014 : memref<1x512x32xf32, #tpu.memory_space<vmem>> -> memref<512x32xf32, #tpu.memory_space<vmem>>
      %dma_start3A_1016 = arith.constant 256 : i32
      %dma_start3A_1017 = arith.constant 0 : i32
      %dma_start3A_1018 = tpu.memref_slice %dma_start3A_1015[%dma_start3A_1016, %dma_start3A_1017] : memref<512x32xf32, #tpu.memory_space<vmem>> -> memref<128x32xf32, #tpu.memory_space<vmem>>
      %dma_start3A_1019 = arith.constant 0 : i32
      %dma_start3A_1020 = arith.constant 0 : i32
      %dma_start3A_1021 = tpu.memref_slice %arg5[%dma_start3A_1008, %dma_start3A_1019, %dma_start3A_1020] : memref<4x4x128xi32, #tpu.memory_space<vmem>> -> memref<1x4x128xi32, #tpu.memory_space<vmem>>
      %dma_start3A_1022 = tpu.memref_squeeze %dma_start3A_1021 : memref<1x4x128xi32, #tpu.memory_space<vmem>> -> memref<4x128xi32, #tpu.memory_space<vmem>>
      %dma_start3A_1023 = arith.constant 0 : i32
      %dma_start3A_1024 = tpu.memref_slice %dma_start3A_1022[%dma_start3A_1009, %dma_start3A_1023] : memref<4x128xi32, #tpu.memory_space<vmem>> -> memref<1x128xi32, #tpu.memory_space<vmem>>
      %dma_start3A_1025 = tpu.memref_squeeze %dma_start3A_1024 : memref<1x128xi32, #tpu.memory_space<vmem>> -> memref<128xi32, #tpu.memory_space<vmem>>
      %dma_start3A_1026 = arith.constant 0 : i32
      %dma_start3A_1027 = arith.constant 0 : i32
      %dma_start3A_1028 = tpu.memref_slice %arg3[%dma_start3A_1026, %dma_start3A_1027] : memref<1000000x32xf32, #tpu.memory_space<hbm>> -> memref<1000000x32xf32, #tpu.memory_space<hbm>>
      %dma_start3A_1029 = tpu.memref_slice %arg7[%dma_start3A_1011] : memref<4x!tpu.dma_semaphore, #tpu.memory_space<semaphore_mem>> -> memref<1x!tpu.dma_semaphore, #tpu.memory_space<semaphore_mem>>
      %dma_start3A_1030 = tpu.memref_squeeze %dma_start3A_1029 : memref<1x!tpu.dma_semaphore, #tpu.memory_space<semaphore_mem>> -> memref<!tpu.dma_semaphore, #tpu.memory_space<semaphore_mem>>
      tpu.enqueue_indirect_dma source(%dma_start3A_1028 : memref<1000000x32xf32, #tpu.memory_space<hbm>>) target(%dma_start3A_1018 : memref<128x32xf32, #tpu.memory_space<vmem>>) offsets(%dma_start3A_1025 : memref<128xi32, #tpu.memory_space<vmem>>) semaphore(%dma_start3A_1030 : memref<!tpu.dma_semaphore, #tpu.memory_space<semaphore_mem>>)
      %dma_start3A_1031 = arith.constant 1 : i32
      %dma_start3A_1032 = arith.constant 3 : i32
      %dma_start3A_1033 = arith.constant 1 : i32
      %dma_start3A_1034 = arith.constant 1 : i32
      %dma_start3A_1035 = arith.constant 0 : i32
      %dma_start3A_1036 = arith.constant 0 : i32
      %dma_start3A_1037 = tpu.memref_slice %arg6[%dma_start3A_1033, %dma_start3A_1035, %dma_start3A_1036] : memref<4x512x32xf32, #tpu.memory_space<vmem>> -> memref<1x512x32xf32, #tpu.memory_space<vmem>>
      %dma_start3A_1038 = tpu.memref_squeeze %dma_start3A_1037 : memref<1x512x32xf32, #tpu.memory_space<vmem>> -> memref<512x32xf32, #tpu.memory_space<vmem>>
      %dma_start3A_1039 = arith.constant 384 : i32
      %dma_start3A_1040 = arith.constant 0 : i32
      %dma_start3A_1041 = tpu.memref_slice %dma_start3A_1038[%dma_start3A_1039, %dma_start3A_1040] : memref<512x32xf32, #tpu.memory_space<vmem>> -> memref<128x32xf32, #tpu.memory_space<vmem>>
      %dma_start3A_1042 = arith.constant 0 : i32
      %dma_start3A_1043 = arith.constant 0 : i32
      %dma_start3A_1044 = tpu.memref_slice %arg5[%dma_start3A_1031, %dma_start3A_1042, %dma_start3A_1043] : memref<4x4x128xi32, #tpu.memory_space<vmem>> -> memref<1x4x128xi32, #tpu.memory_space<vmem>>
      %dma_start3A_1045 = tpu.memref_squeeze %dma_start3A_1044 : memref<1x4x128xi32, #tpu.memory_space<vmem>> -> memref<4x128xi32, #tpu.memory_space<vmem>>
      %dma_start3A_1046 = arith.constant 0 : i32
      %dma_start3A_1047 = tpu.memref_slice %dma_start3A_1045[%dma_start3A_1032, %dma_start3A_1046] : memref<4x128xi32, #tpu.memory_space<vmem>> -> memref<1x128xi32, #tpu.memory_space<vmem>>
      %dma_start3A_1048 = tpu.memref_squeeze %dma_start3A_1047 : memref<1x128xi32, #tpu.memory_space<vmem>> -> memref<128xi32, #tpu.memory_space<vmem>>
      %dma_start3A_1049 = arith.constant 0 : i32
      %dma_start3A_1050 = arith.constant 0 : i32
      %dma_start3A_1051 = tpu.memref_slice %arg3[%dma_start3A_1049, %dma_start3A_1050] : memref<1000000x32xf32, #tpu.memory_space<hbm>> -> memref<1000000x32xf32, #tpu.memory_space<hbm>>
      %dma_start3A_1052 = tpu.memref_slice %arg7[%dma_start3A_1034] : memref<4x!tpu.dma_semaphore, #tpu.memory_space<semaphore_mem>> -> memref<1x!tpu.dma_semaphore, #tpu.memory_space<semaphore_mem>>
      %dma_start3A_1053 = tpu.memref_squeeze %dma_start3A_1052 : memref<1x!tpu.dma_semaphore, #tpu.memory_space<semaphore_mem>> -> memref<!tpu.dma_semaphore, #tpu.memory_space<semaphore_mem>>
      tpu.enqueue_indirect_dma source(%dma_start3A_1051 : memref<1000000x32xf32, #tpu.memory_space<hbm>>) target(%dma_start3A_1041 : memref<128x32xf32, #tpu.memory_space<vmem>>) offsets(%dma_start3A_1048 : memref<128xi32, #tpu.memory_space<vmem>>) semaphore(%dma_start3A_1053 : memref<!tpu.dma_semaphore, #tpu.memory_space<semaphore_mem>>)
      %add3A_1054 = arith.constant 4 : i32
      %add3A_1055 = arith.addi %add3A_847, %add3A_1054 : i32
      %rem3A_1056 = arith.constant 200 : i32
      %rem3A_1057 = arith.remsi %add3A_1055, %rem3A_1056 : i32
      %mul3A_1058 = arith.constant 4 : i32
      %mul3A_1059 = arith.muli %rem3A_1057, %mul3A_1058 : i32
      %add3A_1060 = arith.addi %mul3A_2, %mul3A_1059 : i32
      %dma_start3A_1061 = arith.constant 2 : i32
      %dma_start3A_1062 = arith.constant 2 : i32
      %dma_start3A_1063 = arith.constant 0 : i32
      %dma_start3A_1064 = arith.constant 0 : i32
      %dma_start3A_1065 = tpu.memref_slice %arg5[%dma_start3A_1061, %dma_start3A_1063, %dma_start3A_1064] : memref<4x4x128xi32, #tpu.memory_space<vmem>> -> memref<1x4x128xi32, #tpu.memory_space<vmem>>
      %dma_start3A_1066 = tpu.memref_squeeze %dma_start3A_1065 : memref<1x4x128xi32, #tpu.memory_space<vmem>> -> memref<4x128xi32, #tpu.memory_space<vmem>>
      %dma_start3A_1067 = arith.constant 0 : i32
      %dma_start3A_1068 = tpu.memref_slice %arg2[%add3A_1060, %dma_start3A_1067] : memref<25600x128xi32, #tpu.memory_space<hbm>> -> memref<4x128xi32, #tpu.memory_space<hbm>>
      %dma_start3A_1069 = tpu.memref_slice %arg9[%dma_start3A_1062] : memref<4x!tpu.dma_semaphore, #tpu.memory_space<semaphore_mem>> -> memref<1x!tpu.dma_semaphore, #tpu.memory_space<semaphore_mem>>
      %dma_start3A_1070 = tpu.memref_squeeze %dma_start3A_1069 : memref<1x!tpu.dma_semaphore, #tpu.memory_space<semaphore_mem>> -> memref<!tpu.dma_semaphore, #tpu.memory_space<semaphore_mem>>
      %dma_start3A_1071 = arith.constant 0 : i32
      %dma_start3A_1072 = arith.constant 0 : i32
      %dma_start3A_1073 = tpu.memref_slice %arg5[%dma_start3A_1061, %dma_start3A_1071, %dma_start3A_1072] : memref<4x4x128xi32, #tpu.memory_space<vmem>> -> memref<1x4x128xi32, #tpu.memory_space<vmem>>
      %dma_start3A_1074 = tpu.memref_squeeze %dma_start3A_1073 : memref<1x4x128xi32, #tpu.memory_space<vmem>> -> memref<4x128xi32, #tpu.memory_space<vmem>>
      %dma_start3A_1075 = arith.constant 0 : i32
      %dma_start3A_1076 = tpu.memref_slice %arg2[%add3A_1060, %dma_start3A_1075] : memref<25600x128xi32, #tpu.memory_space<hbm>> -> memref<4x128xi32, #tpu.memory_space<hbm>>
      tpu.enqueue_dma source(%dma_start3A_1076 : memref<4x128xi32, #tpu.memory_space<hbm>>) target(%dma_start3A_1074 : memref<4x128xi32, #tpu.memory_space<vmem>>) target_semaphore(%dma_start3A_1070 : memref<!tpu.dma_semaphore, #tpu.memory_space<semaphore_mem>>)
      %mul3A_1077 = arith.constant 4 : i32
      %mul3A_1078 = arith.muli %scan3A_408, %mul3A_1077 : i32
      %add3A_1079 = arith.constant 3 : i32
      %add3A_1080 = arith.addi %mul3A_1078, %add3A_1079 : i32
      %dma_wait3A_1081 = arith.constant 3 : i32
      %dma_wait3A_1082 = arith.constant 3 : i32
      %dma_wait3A_1083 = arith.constant 0 : i32
      %dma_wait3A_1084 = arith.constant 0 : i32
      %dma_wait3A_1085 = tpu.memref_slice %arg6[%dma_wait3A_1081, %dma_wait3A_1083, %dma_wait3A_1084] : memref<4x512x32xf32, #tpu.memory_space<vmem>> -> memref<1x512x32xf32, #tpu.memory_space<vmem>>
      %dma_wait3A_1086 = tpu.memref_squeeze %dma_wait3A_1085 : memref<1x512x32xf32, #tpu.memory_space<vmem>> -> memref<512x32xf32, #tpu.memory_space<vmem>>
      %dma_wait3A_1087 = arith.constant 0 : i32
      %dma_wait3A_1088 = arith.constant 0 : i32
      %dma_wait3A_1089 = tpu.memref_slice %arg3[%dma_wait3A_1087, %dma_wait3A_1088] : memref<1000000x32xf32, #tpu.memory_space<hbm>> -> memref<512x32xf32, #tpu.memory_space<hbm>>
      %dma_wait3A_1090 = tpu.memref_slice %arg7[%dma_wait3A_1082] : memref<4x!tpu.dma_semaphore, #tpu.memory_space<semaphore_mem>> -> memref<1x!tpu.dma_semaphore, #tpu.memory_space<semaphore_mem>>
      %dma_wait3A_1091 = tpu.memref_squeeze %dma_wait3A_1090 : memref<1x!tpu.dma_semaphore, #tpu.memory_space<semaphore_mem>> -> memref<!tpu.dma_semaphore, #tpu.memory_space<semaphore_mem>>
      %dma_wait3A_1092 = arith.constant 0 : i32
      %dma_wait3A_1093 = arith.constant 0 : i32
      %dma_wait3A_1094 = tpu.memref_slice %arg6[%dma_wait3A_1081, %dma_wait3A_1092, %dma_wait3A_1093] : memref<4x512x32xf32, #tpu.memory_space<vmem>> -> memref<1x512x32xf32, #tpu.memory_space<vmem>>
      %dma_wait3A_1095 = tpu.memref_squeeze %dma_wait3A_1094 : memref<1x512x32xf32, #tpu.memory_space<vmem>> -> memref<512x32xf32, #tpu.memory_space<vmem>>
      %dma_wait3A_1096 = arith.constant 0 : i32
      %dma_wait3A_1097 = arith.constant 0 : i32
      %dma_wait3A_1098 = tpu.memref_slice %arg3[%dma_wait3A_1096, %dma_wait3A_1097] : memref<1000000x32xf32, #tpu.memory_space<hbm>> -> memref<512x32xf32, #tpu.memory_space<hbm>>
      tpu.wait_dma2 semaphore(%dma_wait3A_1091 : memref<!tpu.dma_semaphore, #tpu.memory_space<semaphore_mem>>) src(%dma_wait3A_1098 : memref<512x32xf32, #tpu.memory_space<hbm>>) dst(%dma_wait3A_1095 : memref<512x32xf32, #tpu.memory_space<vmem>>)
      %parallel_loop3A_1099 = arith.constant 0 : i32
      %parallel_loop3A_1100 = arith.constant 512 : i32
      %parallel_loop3A_1101 = arith.constant 1 : i32
      scf.for %parallel_loop3A_1310 = %parallel_loop3A_1099 to %parallel_loop3A_1100 step %parallel_loop3A_1101  : i32 {
        %parallel_loop3A_1311 = arith.constant 3 : i32
        %parallel_loop3A_1312 = arith.index_cast %parallel_loop3A_1311 : i32 to index
        %parallel_loop3A_1313 = arith.index_cast %parallel_loop3A_1310 : i32 to index
        %parallel_loop3A_1314 = arith.constant 0 : index
        %parallel_loop3A_1315 = tpu.vector_load %arg6[%parallel_loop3A_1312, %parallel_loop3A_1313, %parallel_loop3A_1314] {strides = array<i32>} : memref<4x512x32xf32, #tpu.memory_space<vmem>>, vector<1x1x16xf32>,
        %parallel_loop3A_1316 = vector.shape_cast %parallel_loop3A_1315 : vector<1x1x16xf32> to vector<16xf32>
        %parallel_loop3A_1317 = arith.constant 5.65685415 : f32
        %parallel_loop3A_1318 = vector.broadcast %parallel_loop3A_1317 : f32 to vector<16xf32>
        %parallel_loop3A_1319 = arith.mulf %parallel_loop3A_1316, %parallel_loop3A_1318 : vector<16xf32>
        %parallel_loop3A_1320 = arith.constant 3 : i32
        %parallel_loop3A_1321 = arith.index_cast %parallel_loop3A_1320 : i32 to index
        %parallel_loop3A_1322 = arith.index_cast %parallel_loop3A_1310 : i32 to index
        %parallel_loop3A_1323 = arith.constant 0 : index
        %parallel_loop3A_1324 = tpu.vector_load %arg6[%parallel_loop3A_1321, %parallel_loop3A_1322, %parallel_loop3A_1323] {strides = array<i32>} : memref<4x512x32xf32, #tpu.memory_space<vmem>>, vector<1x1x16xf32>,
        %parallel_loop3A_1325 = vector.shape_cast %parallel_loop3A_1324 : vector<1x1x16xf32> to vector<16xf32>
        %parallel_loop3A_1326 = vector.shape_cast %parallel_loop3A_1319 : vector<16xf32> to vector<1x1x16xf32>
        tpu.vector_store %arg6[%parallel_loop3A_1321, %parallel_loop3A_1322, %parallel_loop3A_1323], %parallel_loop3A_1326 {strides = array<i32>} : memref<4x512x32xf32, #tpu.memory_space<vmem>>, vector<1x1x16xf32>,
        %parallel_loop3A_1327 = arith.constant 3 : i32
        %parallel_loop3A_1328 = arith.index_cast %parallel_loop3A_1327 : i32 to index
        %parallel_loop3A_1329 = arith.index_cast %parallel_loop3A_1310 : i32 to index
        %parallel_loop3A_1330 = arith.constant 16 : index
        %parallel_loop3A_1331 = tpu.vector_load %arg6[%parallel_loop3A_1328, %parallel_loop3A_1329, %parallel_loop3A_1330] {strides = array<i32>} : memref<4x512x32xf32, #tpu.memory_space<vmem>>, vector<1x1x16xf32>,
        %parallel_loop3A_1332 = vector.shape_cast %parallel_loop3A_1331 : vector<1x1x16xf32> to vector<16xf32>
        %parallel_loop3A_1333 = arith.constant 5.65685415 : f32
        %parallel_loop3A_1334 = vector.broadcast %parallel_loop3A_1333 : f32 to vector<16xf32>
        %parallel_loop3A_1335 = arith.mulf %parallel_loop3A_1332, %parallel_loop3A_1334 : vector<16xf32>
        %parallel_loop3A_1336 = arith.constant 3 : i32
        %parallel_loop3A_1337 = arith.index_cast %parallel_loop3A_1336 : i32 to index
        %parallel_loop3A_1338 = arith.index_cast %parallel_loop3A_1310 : i32 to index
        %parallel_loop3A_1339 = arith.constant 16 : index
        %parallel_loop3A_1340 = tpu.vector_load %arg6[%parallel_loop3A_1337, %parallel_loop3A_1338, %parallel_loop3A_1339] {strides = array<i32>} : memref<4x512x32xf32, #tpu.memory_space<vmem>>, vector<1x1x16xf32>,
        %parallel_loop3A_1341 = vector.shape_cast %parallel_loop3A_1340 : vector<1x1x16xf32> to vector<16xf32>
        %parallel_loop3A_1342 = vector.shape_cast %parallel_loop3A_1335 : vector<16xf32> to vector<1x1x16xf32>
        tpu.vector_store %arg6[%parallel_loop3A_1337, %parallel_loop3A_1338, %parallel_loop3A_1339], %parallel_loop3A_1342 {strides = array<i32>} : memref<4x512x32xf32, #tpu.memory_space<vmem>>, vector<1x1x16xf32>,
      } {sc.loop_unroll_factor = 8 : i64, sc.parallel_access}
      %add3A_1102 = arith.addi %mul3A_4, %add3A_1080 : i32
      %jit3A_1103 = arith.constant 4 : i32
      %div3A_1104 = arith.divsi %add3A_1102, %jit3A_1103 : i32
      %sign3A_1105 = arith.constant 0 : i32
      %sign3A_1106 = arith.cmpi sgt, %add3A_1102, %sign3A_1105 : i32
      %sign3A_1107 = arith.extui %sign3A_1106 : i1 to i32
      %sign3A_1108 = arith.constant 0 : i32
      %sign3A_1109 = arith.cmpi slt, %add3A_1102, %sign3A_1108 : i32
      %sign3A_1110 = arith.extui %sign3A_1109 : i1 to i32
      %sign3A_1111 = arith.subi %sign3A_1107, %sign3A_1110 : i32
      %sign3A_1112 = arith.constant 0 : i32
      %sign3A_1113 = arith.cmpi sgt, %jit3A_1103, %sign3A_1112 : i32
      %sign3A_1114 = arith.extui %sign3A_1113 : i1 to i32
      %sign3A_1115 = arith.constant 0 : i32
      %sign3A_1116 = arith.cmpi slt, %jit3A_1103, %sign3A_1115 : i32
      %sign3A_1117 = arith.extui %sign3A_1116 : i1 to i32
      %sign3A_1118 = arith.subi %sign3A_1114, %sign3A_1117 : i32
      %ne3A_1119 = arith.cmpi ne, %sign3A_1111, %sign3A_1118 : i32
      %rem3A_1120 = arith.remsi %add3A_1102, %jit3A_1103 : i32
      %ne3A_1121 = arith.constant 0 : i32
      %ne3A_1122 = arith.cmpi ne, %rem3A_1120, %ne3A_1121 : i32
      %and3A_1123 = arith.andi %ne3A_1119, %ne3A_1122 : i1
      %sub3A_1124 = arith.constant 1 : i32
      %sub3A_1125 = arith.subi %div3A_1104, %sub3A_1124 : i32
      %select_n3A_1126 = arith.select %and3A_1123, %sub3A_1125, %div3A_1104 : i32
      %mul3A_1127 = arith.constant 512 : i32
      %mul3A_1128 = arith.muli %select_n3A_1126, %mul3A_1127 : i32
      %rem3A_1129 = arith.constant 4 : i32
      %rem3A_1130 = arith.remsi %add3A_1102, %rem3A_1129 : i32
      %mul3A_1131 = arith.constant 32 : i32
      %mul3A_1132 = arith.muli %rem3A_1130, %mul3A_1131 : i32
      %dma_start3A_1133 = arith.constant 3 : i32
      %dma_start3A_1134 = arith.constant 3 : i32
      %dma_start3A_1135 = arith.constant 0 : i32
      %dma_start3A_1136 = arith.constant 0 : i32
      %dma_start3A_1137 = tpu.memref_slice %arg6[%dma_start3A_1133, %dma_start3A_1135, %dma_start3A_1136] : memref<4x512x32xf32, #tpu.memory_space<vmem>> -> memref<1x512x32xf32, #tpu.memory_space<vmem>>
      %dma_start3A_1138 = tpu.memref_squeeze %dma_start3A_1137 : memref<1x512x32xf32, #tpu.memory_space<vmem>> -> memref<512x32xf32, #tpu.memory_space<vmem>>
      %dma_start3A_1139 = arith.constant 0 : i32
      %dma_start3A_1140 = tpu.memref_slice %arg4[%mul3A_1128, %dma_start3A_1139] : memref<819200x128xf32, #tpu.memory_space<hbm>> -> memref<512x128xf32, #tpu.memory_space<hbm>>
      %dma_start3A_1141 = arith.constant 0 : i32
      %dma_start3A_1142 = tpu.memref_slice %dma_start3A_1140[%dma_start3A_1141, %mul3A_1132] : memref<512x128xf32, #tpu.memory_space<hbm>> -> memref<512x32xf32, #tpu.memory_space<hbm>>
      %dma_start3A_1143 = tpu.memref_slice %arg8[%dma_start3A_1134] : memref<4x!tpu.dma_semaphore, #tpu.memory_space<semaphore_mem>> -> memref<1x!tpu.dma_semaphore, #tpu.memory_space<semaphore_mem>>
      %dma_start3A_1144 = tpu.memref_squeeze %dma_start3A_1143 : memref<1x!tpu.dma_semaphore, #tpu.memory_space<semaphore_mem>> -> memref<!tpu.dma_semaphore, #tpu.memory_space<semaphore_mem>>
      %dma_start3A_1145 = arith.constant 0 : i32
      %dma_start3A_1146 = tpu.memref_slice %arg4[%mul3A_1128, %dma_start3A_1145] : memref<819200x128xf32, #tpu.memory_space<hbm>> -> memref<512x128xf32, #tpu.memory_space<hbm>>
      %dma_start3A_1147 = arith.constant 0 : i32
      %dma_start3A_1148 = tpu.memref_slice %dma_start3A_1146[%dma_start3A_1147, %mul3A_1132] : memref<512x128xf32, #tpu.memory_space<hbm>> -> memref<512x32xf32, #tpu.memory_space<hbm>>
      %dma_start3A_1149 = arith.constant 0 : i32
      %dma_start3A_1150 = arith.constant 0 : i32
      %dma_start3A_1151 = tpu.memref_slice %arg6[%dma_start3A_1133, %dma_start3A_1149, %dma_start3A_1150] : memref<4x512x32xf32, #tpu.memory_space<vmem>> -> memref<1x512x32xf32, #tpu.memory_space<vmem>>
      %dma_start3A_1152 = tpu.memref_squeeze %dma_start3A_1151 : memref<1x512x32xf32, #tpu.memory_space<vmem>> -> memref<512x32xf32, #tpu.memory_space<vmem>>
      tpu.enqueue_dma source(%dma_start3A_1152 : memref<512x32xf32, #tpu.memory_space<vmem>>) target(%dma_start3A_1148 : memref<512x32xf32, #tpu.memory_space<hbm>>) target_semaphore(%dma_start3A_1144 : memref<!tpu.dma_semaphore, #tpu.memory_space<semaphore_mem>>)
      %dma_wait3A_1153 = arith.constant 2 : i32
      %dma_wait3A_1154 = arith.constant 2 : i32
      %dma_wait3A_1155 = arith.constant 0 : i32
      %dma_wait3A_1156 = arith.constant 0 : i32
      %dma_wait3A_1157 = tpu.memref_slice %arg5[%dma_wait3A_1153, %dma_wait3A_1155, %dma_wait3A_1156] : memref<4x4x128xi32, #tpu.memory_space<vmem>> -> memref<1x4x128xi32, #tpu.memory_space<vmem>>
      %dma_wait3A_1158 = tpu.memref_squeeze %dma_wait3A_1157 : memref<1x4x128xi32, #tpu.memory_space<vmem>> -> memref<4x128xi32, #tpu.memory_space<vmem>>
      %dma_wait3A_1159 = arith.constant 0 : i32
      %dma_wait3A_1160 = arith.constant 0 : i32
      %dma_wait3A_1161 = tpu.memref_slice %arg2[%dma_wait3A_1159, %dma_wait3A_1160] : memref<25600x128xi32, #tpu.memory_space<hbm>> -> memref<4x128xi32, #tpu.memory_space<hbm>>
      %dma_wait3A_1162 = tpu.memref_slice %arg9[%dma_wait3A_1154] : memref<4x!tpu.dma_semaphore, #tpu.memory_space<semaphore_mem>> -> memref<1x!tpu.dma_semaphore, #tpu.memory_space<semaphore_mem>>
      %dma_wait3A_1163 = tpu.memref_squeeze %dma_wait3A_1162 : memref<1x!tpu.dma_semaphore, #tpu.memory_space<semaphore_mem>> -> memref<!tpu.dma_semaphore, #tpu.memory_space<semaphore_mem>>
      %dma_wait3A_1164 = arith.constant 0 : i32
      %dma_wait3A_1165 = arith.constant 0 : i32
      %dma_wait3A_1166 = tpu.memref_slice %arg5[%dma_wait3A_1153, %dma_wait3A_1164, %dma_wait3A_1165] : memref<4x4x128xi32, #tpu.memory_space<vmem>> -> memref<1x4x128xi32, #tpu.memory_space<vmem>>
      %dma_wait3A_1167 = tpu.memref_squeeze %dma_wait3A_1166 : memref<1x4x128xi32, #tpu.memory_space<vmem>> -> memref<4x128xi32, #tpu.memory_space<vmem>>
      %dma_wait3A_1168 = arith.constant 0 : i32
      %dma_wait3A_1169 = arith.constant 0 : i32
      %dma_wait3A_1170 = tpu.memref_slice %arg2[%dma_wait3A_1168, %dma_wait3A_1169] : memref<25600x128xi32, #tpu.memory_space<hbm>> -> memref<4x128xi32, #tpu.memory_space<hbm>>
      tpu.wait_dma2 semaphore(%dma_wait3A_1163 : memref<!tpu.dma_semaphore, #tpu.memory_space<semaphore_mem>>) src(%dma_wait3A_1170 : memref<4x128xi32, #tpu.memory_space<hbm>>) dst(%dma_wait3A_1167 : memref<4x128xi32, #tpu.memory_space<vmem>>)
      %dma_wait3A_1171 = arith.constant 2 : i32
      %dma_wait3A_1172 = arith.constant 2 : i32
      %dma_wait3A_1173 = arith.constant 0 : i32
      %dma_wait3A_1174 = arith.constant 0 : i32
      %dma_wait3A_1175 = tpu.memref_slice %arg6[%dma_wait3A_1171, %dma_wait3A_1173, %dma_wait3A_1174] : memref<4x512x32xf32, #tpu.memory_space<vmem>> -> memref<1x512x32xf32, #tpu.memory_space<vmem>>
      %dma_wait3A_1176 = tpu.memref_squeeze %dma_wait3A_1175 : memref<1x512x32xf32, #tpu.memory_space<vmem>> -> memref<512x32xf32, #tpu.memory_space<vmem>>
      %dma_wait3A_1177 = arith.constant 0 : i32
      %dma_wait3A_1178 = arith.constant 0 : i32
      %dma_wait3A_1179 = tpu.memref_slice %arg4[%dma_wait3A_1177, %dma_wait3A_1178] : memref<819200x128xf32, #tpu.memory_space<hbm>> -> memref<512x128xf32, #tpu.memory_space<hbm>>
      %dma_wait3A_1180 = arith.constant 0 : i32
      %dma_wait3A_1181 = arith.constant 0 : i32
      %dma_wait3A_1182 = tpu.memref_slice %dma_wait3A_1179[%dma_wait3A_1180, %dma_wait3A_1181] : memref<512x128xf32, #tpu.memory_space<hbm>> -> memref<512x32xf32, #tpu.memory_space<hbm>>
      %dma_wait3A_1183 = tpu.memref_slice %arg8[%dma_wait3A_1172] : memref<4x!tpu.dma_semaphore, #tpu.memory_space<semaphore_mem>> -> memref<1x!tpu.dma_semaphore, #tpu.memory_space<semaphore_mem>>
      %dma_wait3A_1184 = tpu.memref_squeeze %dma_wait3A_1183 : memref<1x!tpu.dma_semaphore, #tpu.memory_space<semaphore_mem>> -> memref<!tpu.dma_semaphore, #tpu.memory_space<semaphore_mem>>
      %dma_wait3A_1185 = arith.constant 0 : i32
      %dma_wait3A_1186 = arith.constant 0 : i32
      %dma_wait3A_1187 = tpu.memref_slice %arg4[%dma_wait3A_1185, %dma_wait3A_1186] : memref<819200x128xf32, #tpu.memory_space<hbm>> -> memref<512x128xf32, #tpu.memory_space<hbm>>
      %dma_wait3A_1188 = arith.constant 0 : i32
      %dma_wait3A_1189 = arith.constant 0 : i32
      %dma_wait3A_1190 = tpu.memref_slice %dma_wait3A_1187[%dma_wait3A_1188, %dma_wait3A_1189] : memref<512x128xf32, #tpu.memory_space<hbm>> -> memref<512x32xf32, #tpu.memory_space<hbm>>
      %dma_wait3A_1191 = arith.constant 0 : i32
      %dma_wait3A_1192 = arith.constant 0 : i32
      %dma_wait3A_1193 = tpu.memref_slice %arg6[%dma_wait3A_1171, %dma_wait3A_1191, %dma_wait3A_1192] : memref<4x512x32xf32, #tpu.memory_space<vmem>> -> memref<1x512x32xf32, #tpu.memory_space<vmem>>
      %dma_wait3A_1194 = tpu.memref_squeeze %dma_wait3A_1193 : memref<1x512x32xf32, #tpu.memory_space<vmem>> -> memref<512x32xf32, #tpu.memory_space<vmem>>
      tpu.wait_dma2 semaphore(%dma_wait3A_1184 : memref<!tpu.dma_semaphore, #tpu.memory_space<semaphore_mem>>) src(%dma_wait3A_1194 : memref<512x32xf32, #tpu.memory_space<vmem>>) dst(%dma_wait3A_1190 : memref<512x32xf32, #tpu.memory_space<hbm>>)
      %dma_start3A_1195 = arith.constant 2 : i32
      %dma_start3A_1196 = arith.constant 0 : i32
      %dma_start3A_1197 = arith.constant 2 : i32
      %dma_start3A_1198 = arith.constant 2 : i32
      %dma_start3A_1199 = arith.constant 0 : i32
      %dma_start3A_1200 = arith.constant 0 : i32
      %dma_start3A_1201 = tpu.memref_slice %arg6[%dma_start3A_1197, %dma_start3A_1199, %dma_start3A_1200] : memref<4x512x32xf32, #tpu.memory_space<vmem>> -> memref<1x512x32xf32, #tpu.memory_space<vmem>>
      %dma_start3A_1202 = tpu.memref_squeeze %dma_start3A_1201 : memref<1x512x32xf32, #tpu.memory_space<vmem>> -> memref<512x32xf32, #tpu.memory_space<vmem>>
      %dma_start3A_1203 = arith.constant 0 : i32
      %dma_start3A_1204 = arith.constant 0 : i32
      %dma_start3A_1205 = tpu.memref_slice %dma_start3A_1202[%dma_start3A_1203, %dma_start3A_1204] : memref<512x32xf32, #tpu.memory_space<vmem>> -> memref<128x32xf32, #tpu.memory_space<vmem>>
      %dma_start3A_1206 = arith.constant 0 : i32
      %dma_start3A_1207 = arith.constant 0 : i32
      %dma_start3A_1208 = tpu.memref_slice %arg5[%dma_start3A_1195, %dma_start3A_1206, %dma_start3A_1207] : memref<4x4x128xi32, #tpu.memory_space<vmem>> -> memref<1x4x128xi32, #tpu.memory_space<vmem>>
      %dma_start3A_1209 = tpu.memref_squeeze %dma_start3A_1208 : memref<1x4x128xi32, #tpu.memory_space<vmem>> -> memref<4x128xi32, #tpu.memory_space<vmem>>
      %dma_start3A_1210 = arith.constant 0 : i32
      %dma_start3A_1211 = tpu.memref_slice %dma_start3A_1209[%dma_start3A_1196, %dma_start3A_1210] : memref<4x128xi32, #tpu.memory_space<vmem>> -> memref<1x128xi32, #tpu.memory_space<vmem>>
      %dma_start3A_1212 = tpu.memref_squeeze %dma_start3A_1211 : memref<1x128xi32, #tpu.memory_space<vmem>> -> memref<128xi32, #tpu.memory_space<vmem>>
      %dma_start3A_1213 = arith.constant 0 : i32
      %dma_start3A_1214 = arith.constant 0 : i32
      %dma_start3A_1215 = tpu.memref_slice %arg3[%dma_start3A_1213, %dma_start3A_1214] : memref<1000000x32xf32, #tpu.memory_space<hbm>> -> memref<1000000x32xf32, #tpu.memory_space<hbm>>
      %dma_start3A_1216 = tpu.memref_slice %arg7[%dma_start3A_1198] : memref<4x!tpu.dma_semaphore, #tpu.memory_space<semaphore_mem>> -> memref<1x!tpu.dma_semaphore, #tpu.memory_space<semaphore_mem>>
      %dma_start3A_1217 = tpu.memref_squeeze %dma_start3A_1216 : memref<1x!tpu.dma_semaphore, #tpu.memory_space<semaphore_mem>> -> memref<!tpu.dma_semaphore, #tpu.memory_space<semaphore_mem>>
      tpu.enqueue_indirect_dma source(%dma_start3A_1215 : memref<1000000x32xf32, #tpu.memory_space<hbm>>) target(%dma_start3A_1205 : memref<128x32xf32, #tpu.memory_space<vmem>>) offsets(%dma_start3A_1212 : memref<128xi32, #tpu.memory_space<vmem>>) semaphore(%dma_start3A_1217 : memref<!tpu.dma_semaphore, #tpu.memory_space<semaphore_mem>>)
      %dma_start3A_1218 = arith.constant 2 : i32
      %dma_start3A_1219 = arith.constant 1 : i32
      %dma_start3A_1220 = arith.constant 2 : i32
      %dma_start3A_1221 = arith.constant 2 : i32
      %dma_start3A_1222 = arith.constant 0 : i32
      %dma_start3A_1223 = arith.constant 0 : i32
      %dma_start3A_1224 = tpu.memref_slice %arg6[%dma_start3A_1220, %dma_start3A_1222, %dma_start3A_1223] : memref<4x512x32xf32, #tpu.memory_space<vmem>> -> memref<1x512x32xf32, #tpu.memory_space<vmem>>
      %dma_start3A_1225 = tpu.memref_squeeze %dma_start3A_1224 : memref<1x512x32xf32, #tpu.memory_space<vmem>> -> memref<512x32xf32, #tpu.memory_space<vmem>>
      %dma_start3A_1226 = arith.constant 128 : i32
      %dma_start3A_1227 = arith.constant 0 : i32
      %dma_start3A_1228 = tpu.memref_slice %dma_start3A_1225[%dma_start3A_1226, %dma_start3A_1227] : memref<512x32xf32, #tpu.memory_space<vmem>> -> memref<128x32xf32, #tpu.memory_space<vmem>>
      %dma_start3A_1229 = arith.constant 0 : i32
      %dma_start3A_1230 = arith.constant 0 : i32
      %dma_start3A_1231 = tpu.memref_slice %arg5[%dma_start3A_1218, %dma_start3A_1229, %dma_start3A_1230] : memref<4x4x128xi32, #tpu.memory_space<vmem>> -> memref<1x4x128xi32, #tpu.memory_space<vmem>>
      %dma_start3A_1232 = tpu.memref_squeeze %dma_start3A_1231 : memref<1x4x128xi32, #tpu.memory_space<vmem>> -> memref<4x128xi32, #tpu.memory_space<vmem>>
      %dma_start3A_1233 = arith.constant 0 : i32
      %dma_start3A_1234 = tpu.memref_slice %dma_start3A_1232[%dma_start3A_1219, %dma_start3A_1233] : memref<4x128xi32, #tpu.memory_space<vmem>> -> memref<1x128xi32, #tpu.memory_space<vmem>>
      %dma_start3A_1235 = tpu.memref_squeeze %dma_start3A_1234 : memref<1x128xi32, #tpu.memory_space<vmem>> -> memref<128xi32, #tpu.memory_space<vmem>>
      %dma_start3A_1236 = arith.constant 0 : i32
      %dma_start3A_1237 = arith.constant 0 : i32
      %dma_start3A_1238 = tpu.memref_slice %arg3[%dma_start3A_1236, %dma_start3A_1237] : memref<1000000x32xf32, #tpu.memory_space<hbm>> -> memref<1000000x32xf32, #tpu.memory_space<hbm>>
      %dma_start3A_1239 = tpu.memref_slice %arg7[%dma_start3A_1221] : memref<4x!tpu.dma_semaphore, #tpu.memory_space<semaphore_mem>> -> memref<1x!tpu.dma_semaphore, #tpu.memory_space<semaphore_mem>>
      %dma_start3A_1240 = tpu.memref_squeeze %dma_start3A_1239 : memref<1x!tpu.dma_semaphore, #tpu.memory_space<semaphore_mem>> -> memref<!tpu.dma_semaphore, #tpu.memory_space<semaphore_mem>>
      tpu.enqueue_indirect_dma source(%dma_start3A_1238 : memref<1000000x32xf32, #tpu.memory_space<hbm>>) target(%dma_start3A_1228 : memref<128x32xf32, #tpu.memory_space<vmem>>) offsets(%dma_start3A_1235 : memref<128xi32, #tpu.memory_space<vmem>>) semaphore(%dma_start3A_1240 : memref<!tpu.dma_semaphore, #tpu.memory_space<semaphore_mem>>)
      %dma_start3A_1241 = arith.constant 2 : i32
      %dma_start3A_1242 = arith.constant 2 : i32
      %dma_start3A_1243 = arith.constant 2 : i32
      %dma_start3A_1244 = arith.constant 2 : i32
      %dma_start3A_1245 = arith.constant 0 : i32
      %dma_start3A_1246 = arith.constant 0 : i32
      %dma_start3A_1247 = tpu.memref_slice %arg6[%dma_start3A_1243, %dma_start3A_1245, %dma_start3A_1246] : memref<4x512x32xf32, #tpu.memory_space<vmem>> -> memref<1x512x32xf32, #tpu.memory_space<vmem>>
      %dma_start3A_1248 = tpu.memref_squeeze %dma_start3A_1247 : memref<1x512x32xf32, #tpu.memory_space<vmem>> -> memref<512x32xf32, #tpu.memory_space<vmem>>
      %dma_start3A_1249 = arith.constant 256 : i32
      %dma_start3A_1250 = arith.constant 0 : i32
      %dma_start3A_1251 = tpu.memref_slice %dma_start3A_1248[%dma_start3A_1249, %dma_start3A_1250] : memref<512x32xf32, #tpu.memory_space<vmem>> -> memref<128x32xf32, #tpu.memory_space<vmem>>
      %dma_start3A_1252 = arith.constant 0 : i32
      %dma_start3A_1253 = arith.constant 0 : i32
      %dma_start3A_1254 = tpu.memref_slice %arg5[%dma_start3A_1241, %dma_start3A_1252, %dma_start3A_1253] : memref<4x4x128xi32, #tpu.memory_space<vmem>> -> memref<1x4x128xi32, #tpu.memory_space<vmem>>
      %dma_start3A_1255 = tpu.memref_squeeze %dma_start3A_1254 : memref<1x4x128xi32, #tpu.memory_space<vmem>> -> memref<4x128xi32, #tpu.memory_space<vmem>>
      %dma_start3A_1256 = arith.constant 0 : i32
      %dma_start3A_1257 = tpu.memref_slice %dma_start3A_1255[%dma_start3A_1242, %dma_start3A_1256] : memref<4x128xi32, #tpu.memory_space<vmem>> -> memref<1x128xi32, #tpu.memory_space<vmem>>
      %dma_start3A_1258 = tpu.memref_squeeze %dma_start3A_1257 : memref<1x128xi32, #tpu.memory_space<vmem>> -> memref<128xi32, #tpu.memory_space<vmem>>
      %dma_start3A_1259 = arith.constant 0 : i32
      %dma_start3A_1260 = arith.constant 0 : i32
      %dma_start3A_1261 = tpu.memref_slice %arg3[%dma_start3A_1259, %dma_start3A_1260] : memref<1000000x32xf32, #tpu.memory_space<hbm>> -> memref<1000000x32xf32, #tpu.memory_space<hbm>>
      %dma_start3A_1262 = tpu.memref_slice %arg7[%dma_start3A_1244] : memref<4x!tpu.dma_semaphore, #tpu.memory_space<semaphore_mem>> -> memref<1x!tpu.dma_semaphore, #tpu.memory_space<semaphore_mem>>
      %dma_start3A_1263 = tpu.memref_squeeze %dma_start3A_1262 : memref<1x!tpu.dma_semaphore, #tpu.memory_space<semaphore_mem>> -> memref<!tpu.dma_semaphore, #tpu.memory_space<semaphore_mem>>
      tpu.enqueue_indirect_dma source(%dma_start3A_1261 : memref<1000000x32xf32, #tpu.memory_space<hbm>>) target(%dma_start3A_1251 : memref<128x32xf32, #tpu.memory_space<vmem>>) offsets(%dma_start3A_1258 : memref<128xi32, #tpu.memory_space<vmem>>) semaphore(%dma_start3A_1263 : memref<!tpu.dma_semaphore, #tpu.memory_space<semaphore_mem>>)
      %dma_start3A_1264 = arith.constant 2 : i32
      %dma_start3A_1265 = arith.constant 3 : i32
      %dma_start3A_1266 = arith.constant 2 : i32
      %dma_start3A_1267 = arith.constant 2 : i32
      %dma_start3A_1268 = arith.constant 0 : i32
      %dma_start3A_1269 = arith.constant 0 : i32
      %dma_start3A_1270 = tpu.memref_slice %arg6[%dma_start3A_1266, %dma_start3A_1268, %dma_start3A_1269] : memref<4x512x32xf32, #tpu.memory_space<vmem>> -> memref<1x512x32xf32, #tpu.memory_space<vmem>>
      %dma_start3A_1271 = tpu.memref_squeeze %dma_start3A_1270 : memref<1x512x32xf32, #tpu.memory_space<vmem>> -> memref<512x32xf32, #tpu.memory_space<vmem>>
      %dma_start3A_1272 = arith.constant 384 : i32
      %dma_start3A_1273 = arith.constant 0 : i32
      %dma_start3A_1274 = tpu.memref_slice %dma_start3A_1271[%dma_start3A_1272, %dma_start3A_1273] : memref<512x32xf32, #tpu.memory_space<vmem>> -> memref<128x32xf32, #tpu.memory_space<vmem>>
      %dma_start3A_1275 = arith.constant 0 : i32
      %dma_start3A_1276 = arith.constant 0 : i32
      %dma_start3A_1277 = tpu.memref_slice %arg5[%dma_start3A_1264, %dma_start3A_1275, %dma_start3A_1276] : memref<4x4x128xi32, #tpu.memory_space<vmem>> -> memref<1x4x128xi32, #tpu.memory_space<vmem>>
      %dma_start3A_1278 = tpu.memref_squeeze %dma_start3A_1277 : memref<1x4x128xi32, #tpu.memory_space<vmem>> -> memref<4x128xi32, #tpu.memory_space<vmem>>
      %dma_start3A_1279 = arith.constant 0 : i32
      %dma_start3A_1280 = tpu.memref_slice %dma_start3A_1278[%dma_start3A_1265, %dma_start3A_1279] : memref<4x128xi32, #tpu.memory_space<vmem>> -> memref<1x128xi32, #tpu.memory_space<vmem>>
      %dma_start3A_1281 = tpu.memref_squeeze %dma_start3A_1280 : memref<1x128xi32, #tpu.memory_space<vmem>> -> memref<128xi32, #tpu.memory_space<vmem>>
      %dma_start3A_1282 = arith.constant 0 : i32
      %dma_start3A_1283 = arith.constant 0 : i32
      %dma_start3A_1284 = tpu.memref_slice %arg3[%dma_start3A_1282, %dma_start3A_1283] : memref<1000000x32xf32, #tpu.memory_space<hbm>> -> memref<1000000x32xf32, #tpu.memory_space<hbm>>
      %dma_start3A_1285 = tpu.memref_slice %arg7[%dma_start3A_1267] : memref<4x!tpu.dma_semaphore, #tpu.memory_space<semaphore_mem>> -> memref<1x!tpu.dma_semaphore, #tpu.memory_space<semaphore_mem>>
      %dma_start3A_1286 = tpu.memref_squeeze %dma_start3A_1285 : memref<1x!tpu.dma_semaphore, #tpu.memory_space<semaphore_mem>> -> memref<!tpu.dma_semaphore, #tpu.memory_space<semaphore_mem>>
      tpu.enqueue_indirect_dma source(%dma_start3A_1284 : memref<1000000x32xf32, #tpu.memory_space<hbm>>) target(%dma_start3A_1274 : memref<128x32xf32, #tpu.memory_space<vmem>>) offsets(%dma_start3A_1281 : memref<128xi32, #tpu.memory_space<vmem>>) semaphore(%dma_start3A_1286 : memref<!tpu.dma_semaphore, #tpu.memory_space<semaphore_mem>>)
      %add3A_1287 = arith.constant 4 : i32
      %add3A_1288 = arith.addi %add3A_1080, %add3A_1287 : i32
      %rem3A_1289 = arith.constant 200 : i32
      %rem3A_1290 = arith.remsi %add3A_1288, %rem3A_1289 : i32
      %mul3A_1291 = arith.constant 4 : i32
      %mul3A_1292 = arith.muli %rem3A_1290, %mul3A_1291 : i32
      %add3A_1293 = arith.addi %mul3A_2, %mul3A_1292 : i32
      %dma_start3A_1294 = arith.constant 3 : i32
      %dma_start3A_1295 = arith.constant 3 : i32
      %dma_start3A_1296 = arith.constant 0 : i32
      %dma_start3A_1297 = arith.constant 0 : i32
      %dma_start3A_1298 = tpu.memref_slice %arg5[%dma_start3A_1294, %dma_start3A_1296, %dma_start3A_1297] : memref<4x4x128xi32, #tpu.memory_space<vmem>> -> memref<1x4x128xi32, #tpu.memory_space<vmem>>
      %dma_start3A_1299 = tpu.memref_squeeze %dma_start3A_1298 : memref<1x4x128xi32, #tpu.memory_space<vmem>> -> memref<4x128xi32, #tpu.memory_space<vmem>>
      %dma_start3A_1300 = arith.constant 0 : i32
      %dma_start3A_1301 = tpu.memref_slice %arg2[%add3A_1293, %dma_start3A_1300] : memref<25600x128xi32, #tpu.memory_space<hbm>> -> memref<4x128xi32, #tpu.memory_space<hbm>>
      %dma_start3A_1302 = tpu.memref_slice %arg9[%dma_start3A_1295] : memref<4x!tpu.dma_semaphore, #tpu.memory_space<semaphore_mem>> -> memref<1x!tpu.dma_semaphore, #tpu.memory_space<semaphore_mem>>
      %dma_start3A_1303 = tpu.memref_squeeze %dma_start3A_1302 : memref<1x!tpu.dma_semaphore, #tpu.memory_space<semaphore_mem>> -> memref<!tpu.dma_semaphore, #tpu.memory_space<semaphore_mem>>
      %dma_start3A_1304 = arith.constant 0 : i32
      %dma_start3A_1305 = arith.constant 0 : i32
      %dma_start3A_1306 = tpu.memref_slice %arg5[%dma_start3A_1294, %dma_start3A_1304, %dma_start3A_1305] : memref<4x4x128xi32, #tpu.memory_space<vmem>> -> memref<1x4x128xi32, #tpu.memory_space<vmem>>
      %dma_start3A_1307 = tpu.memref_squeeze %dma_start3A_1306 : memref<1x4x128xi32, #tpu.memory_space<vmem>> -> memref<4x128xi32, #tpu.memory_space<vmem>>
      %dma_start3A_1308 = arith.constant 0 : i32
      %dma_start3A_1309 = tpu.memref_slice %arg2[%add3A_1293, %dma_start3A_1308] : memref<25600x128xi32, #tpu.memory_space<hbm>> -> memref<4x128xi32, #tpu.memory_space<hbm>>
      tpu.enqueue_dma source(%dma_start3A_1309 : memref<4x128xi32, #tpu.memory_space<hbm>>) target(%dma_start3A_1307 : memref<4x128xi32, #tpu.memory_space<vmem>>) target_semaphore(%dma_start3A_1303 : memref<!tpu.dma_semaphore, #tpu.memory_space<semaphore_mem>>)
    }
    %scan3A_312 = arith.constant 50 : i32
    %dma_wait3A = arith.constant 0 : i32
    %dma_wait3A_313 = arith.constant 0 : i32
    %dma_wait3A_314 = arith.constant 0 : i32
    %dma_wait3A_315 = arith.constant 0 : i32
    %dma_wait3A_316 = tpu.memref_slice %arg6[%dma_wait3A, %dma_wait3A_314, %dma_wait3A_315] : memref<4x512x32xf32, #tpu.memory_space<vmem>> -> memref<1x512x32xf32, #tpu.memory_space<vmem>>
    %dma_wait3A_317 = tpu.memref_squeeze %dma_wait3A_316 : memref<1x512x32xf32, #tpu.memory_space<vmem>> -> memref<512x32xf32, #tpu.memory_space<vmem>>
    %dma_wait3A_318 = arith.constant 0 : i32
    %dma_wait3A_319 = arith.constant 0 : i32
    %dma_wait3A_320 = tpu.memref_slice %arg3[%dma_wait3A_318, %dma_wait3A_319] : memref<1000000x32xf32, #tpu.memory_space<hbm>> -> memref<512x32xf32, #tpu.memory_space<hbm>>
    %dma_wait3A_321 = tpu.memref_slice %arg7[%dma_wait3A_313] : memref<4x!tpu.dma_semaphore, #tpu.memory_space<semaphore_mem>> -> memref<1x!tpu.dma_semaphore, #tpu.memory_space<semaphore_mem>>
    %dma_wait3A_322 = tpu.memref_squeeze %dma_wait3A_321 : memref<1x!tpu.dma_semaphore, #tpu.memory_space<semaphore_mem>> -> memref<!tpu.dma_semaphore, #tpu.memory_space<semaphore_mem>>
    %dma_wait3A_323 = arith.constant 0 : i32
    %dma_wait3A_324 = arith.constant 0 : i32
    %dma_wait3A_325 = tpu.memref_slice %arg6[%dma_wait3A, %dma_wait3A_323, %dma_wait3A_324] : memref<4x512x32xf32, #tpu.memory_space<vmem>> -> memref<1x512x32xf32, #tpu.memory_space<vmem>>
    %dma_wait3A_326 = tpu.memref_squeeze %dma_wait3A_325 : memref<1x512x32xf32, #tpu.memory_space<vmem>> -> memref<512x32xf32, #tpu.memory_space<vmem>>
    %dma_wait3A_327 = arith.constant 0 : i32
    %dma_wait3A_328 = arith.constant 0 : i32
    %dma_wait3A_329 = tpu.memref_slice %arg3[%dma_wait3A_327, %dma_wait3A_328] : memref<1000000x32xf32, #tpu.memory_space<hbm>> -> memref<512x32xf32, #tpu.memory_space<hbm>>
    tpu.wait_dma2 semaphore(%dma_wait3A_322 : memref<!tpu.dma_semaphore, #tpu.memory_space<semaphore_mem>>) src(%dma_wait3A_329 : memref<512x32xf32, #tpu.memory_space<hbm>>) dst(%dma_wait3A_326 : memref<512x32xf32, #tpu.memory_space<vmem>>)
    %dma_wait3A_330 = arith.constant 1 : i32
    %dma_wait3A_331 = arith.constant 1 : i32
    %dma_wait3A_332 = arith.constant 0 : i32
    %dma_wait3A_333 = arith.constant 0 : i32
    %dma_wait3A_334 = tpu.memref_slice %arg6[%dma_wait3A_330, %dma_wait3A_332, %dma_wait3A_333] : memref<4x512x32xf32, #tpu.memory_space<vmem>> -> memref<1x512x32xf32, #tpu.memory_space<vmem>>
    %dma_wait3A_335 = tpu.memref_squeeze %dma_wait3A_334 : memref<1x512x32xf32, #tpu.memory_space<vmem>> -> memref<512x32xf32, #tpu.memory_space<vmem>>
    %dma_wait3A_336 = arith.constant 0 : i32
    %dma_wait3A_337 = arith.constant 0 : i32
    %dma_wait3A_338 = tpu.memref_slice %arg3[%dma_wait3A_336, %dma_wait3A_337] : memref<1000000x32xf32, #tpu.memory_space<hbm>> -> memref<512x32xf32, #tpu.memory_space<hbm>>
    %dma_wait3A_339 = tpu.memref_slice %arg7[%dma_wait3A_331] : memref<4x!tpu.dma_semaphore, #tpu.memory_space<semaphore_mem>> -> memref<1x!tpu.dma_semaphore, #tpu.memory_space<semaphore_mem>>
    %dma_wait3A_340 = tpu.memref_squeeze %dma_wait3A_339 : memref<1x!tpu.dma_semaphore, #tpu.memory_space<semaphore_mem>> -> memref<!tpu.dma_semaphore, #tpu.memory_space<semaphore_mem>>
    %dma_wait3A_341 = arith.constant 0 : i32
    %dma_wait3A_342 = arith.constant 0 : i32
    %dma_wait3A_343 = tpu.memref_slice %arg6[%dma_wait3A_330, %dma_wait3A_341, %dma_wait3A_342] : memref<4x512x32xf32, #tpu.memory_space<vmem>> -> memref<1x512x32xf32, #tpu.memory_space<vmem>>
    %dma_wait3A_344 = tpu.memref_squeeze %dma_wait3A_343 : memref<1x512x32xf32, #tpu.memory_space<vmem>> -> memref<512x32xf32, #tpu.memory_space<vmem>>
    %dma_wait3A_345 = arith.constant 0 : i32
    %dma_wait3A_346 = arith.constant 0 : i32
    %dma_wait3A_347 = tpu.memref_slice %arg3[%dma_wait3A_345, %dma_wait3A_346] : memref<1000000x32xf32, #tpu.memory_space<hbm>> -> memref<512x32xf32, #tpu.memory_space<hbm>>
    tpu.wait_dma2 semaphore(%dma_wait3A_340 : memref<!tpu.dma_semaphore, #tpu.memory_space<semaphore_mem>>) src(%dma_wait3A_347 : memref<512x32xf32, #tpu.memory_space<hbm>>) dst(%dma_wait3A_344 : memref<512x32xf32, #tpu.memory_space<vmem>>)
    %dma_wait3A_348 = arith.constant 2 : i32
    %dma_wait3A_349 = arith.constant 2 : i32
    %dma_wait3A_350 = arith.constant 0 : i32
    %dma_wait3A_351 = arith.constant 0 : i32
    %dma_wait3A_352 = tpu.memref_slice %arg6[%dma_wait3A_348, %dma_wait3A_350, %dma_wait3A_351] : memref<4x512x32xf32, #tpu.memory_space<vmem>> -> memref<1x512x32xf32, #tpu.memory_space<vmem>>
    %dma_wait3A_353 = tpu.memref_squeeze %dma_wait3A_352 : memref<1x512x32xf32, #tpu.memory_space<vmem>> -> memref<512x32xf32, #tpu.memory_space<vmem>>
    %dma_wait3A_354 = arith.constant 0 : i32
    %dma_wait3A_355 = arith.constant 0 : i32
    %dma_wait3A_356 = tpu.memref_slice %arg3[%dma_wait3A_354, %dma_wait3A_355] : memref<1000000x32xf32, #tpu.memory_space<hbm>> -> memref<512x32xf32, #tpu.memory_space<hbm>>
    %dma_wait3A_357 = tpu.memref_slice %arg7[%dma_wait3A_349] : memref<4x!tpu.dma_semaphore, #tpu.memory_space<semaphore_mem>> -> memref<1x!tpu.dma_semaphore, #tpu.memory_space<semaphore_mem>>
    %dma_wait3A_358 = tpu.memref_squeeze %dma_wait3A_357 : memref<1x!tpu.dma_semaphore, #tpu.memory_space<semaphore_mem>> -> memref<!tpu.dma_semaphore, #tpu.memory_space<semaphore_mem>>
    %dma_wait3A_359 = arith.constant 0 : i32
    %dma_wait3A_360 = arith.constant 0 : i32
    %dma_wait3A_361 = tpu.memref_slice %arg6[%dma_wait3A_348, %dma_wait3A_359, %dma_wait3A_360] : memref<4x512x32xf32, #tpu.memory_space<vmem>> -> memref<1x512x32xf32, #tpu.memory_space<vmem>>
    %dma_wait3A_362 = tpu.memref_squeeze %dma_wait3A_361 : memref<1x512x32xf32, #tpu.memory_space<vmem>> -> memref<512x32xf32, #tpu.memory_space<vmem>>
    %dma_wait3A_363 = arith.constant 0 : i32
    %dma_wait3A_364 = arith.constant 0 : i32
    %dma_wait3A_365 = tpu.memref_slice %arg3[%dma_wait3A_363, %dma_wait3A_364] : memref<1000000x32xf32, #tpu.memory_space<hbm>> -> memref<512x32xf32, #tpu.memory_space<hbm>>
    tpu.wait_dma2 semaphore(%dma_wait3A_358 : memref<!tpu.dma_semaphore, #tpu.memory_space<semaphore_mem>>) src(%dma_wait3A_365 : memref<512x32xf32, #tpu.memory_space<hbm>>) dst(%dma_wait3A_362 : memref<512x32xf32, #tpu.memory_space<vmem>>)
    %dma_wait3A_366 = arith.constant 3 : i32
    %dma_wait3A_367 = arith.constant 3 : i32
    %dma_wait3A_368 = arith.constant 0 : i32
    %dma_wait3A_369 = arith.constant 0 : i32
    %dma_wait3A_370 = tpu.memref_slice %arg5[%dma_wait3A_366, %dma_wait3A_368, %dma_wait3A_369] : memref<4x4x128xi32, #tpu.memory_space<vmem>> -> memref<1x4x128xi32, #tpu.memory_space<vmem>>
    %dma_wait3A_371 = tpu.memref_squeeze %dma_wait3A_370 : memref<1x4x128xi32, #tpu.memory_space<vmem>> -> memref<4x128xi32, #tpu.memory_space<vmem>>
    %dma_wait3A_372 = arith.constant 0 : i32
    %dma_wait3A_373 = arith.constant 0 : i32
    %dma_wait3A_374 = tpu.memref_slice %arg2[%dma_wait3A_372, %dma_wait3A_373] : memref<25600x128xi32, #tpu.memory_space<hbm>> -> memref<4x128xi32, #tpu.memory_space<hbm>>
    %dma_wait3A_375 = tpu.memref_slice %arg9[%dma_wait3A_367] : memref<4x!tpu.dma_semaphore, #tpu.memory_space<semaphore_mem>> -> memref<1x!tpu.dma_semaphore, #tpu.memory_space<semaphore_mem>>
    %dma_wait3A_376 = tpu.memref_squeeze %dma_wait3A_375 : memref<1x!tpu.dma_semaphore, #tpu.memory_space<semaphore_mem>> -> memref<!tpu.dma_semaphore, #tpu.memory_space<semaphore_mem>>
    %dma_wait3A_377 = arith.constant 0 : i32
    %dma_wait3A_378 = arith.constant 0 : i32
    %dma_wait3A_379 = tpu.memref_slice %arg5[%dma_wait3A_366, %dma_wait3A_377, %dma_wait3A_378] : memref<4x4x128xi32, #tpu.memory_space<vmem>> -> memref<1x4x128xi32, #tpu.memory_space<vmem>>
    %dma_wait3A_380 = tpu.memref_squeeze %dma_wait3A_379 : memref<1x4x128xi32, #tpu.memory_space<vmem>> -> memref<4x128xi32, #tpu.memory_space<vmem>>
    %dma_wait3A_381 = arith.constant 0 : i32
    %dma_wait3A_382 = arith.constant 0 : i32
    %dma_wait3A_383 = tpu.memref_slice %arg2[%dma_wait3A_381, %dma_wait3A_382] : memref<25600x128xi32, #tpu.memory_space<hbm>> -> memref<4x128xi32, #tpu.memory_space<hbm>>
    tpu.wait_dma2 semaphore(%dma_wait3A_376 : memref<!tpu.dma_semaphore, #tpu.memory_space<semaphore_mem>>) src(%dma_wait3A_383 : memref<4x128xi32, #tpu.memory_space<hbm>>) dst(%dma_wait3A_380 : memref<4x128xi32, #tpu.memory_space<vmem>>)
    %dma_wait3A_384 = arith.constant 3 : i32
    %dma_wait3A_385 = arith.constant 3 : i32
    %dma_wait3A_386 = arith.constant 0 : i32
    %dma_wait3A_387 = arith.constant 0 : i32
    %dma_wait3A_388 = tpu.memref_slice %arg6[%dma_wait3A_384, %dma_wait3A_386, %dma_wait3A_387] : memref<4x512x32xf32, #tpu.memory_space<vmem>> -> memref<1x512x32xf32, #tpu.memory_space<vmem>>
    %dma_wait3A_389 = tpu.memref_squeeze %dma_wait3A_388 : memref<1x512x32xf32, #tpu.memory_space<vmem>> -> memref<512x32xf32, #tpu.memory_space<vmem>>
    %dma_wait3A_390 = arith.constant 0 : i32
    %dma_wait3A_391 = arith.constant 0 : i32
    %dma_wait3A_392 = tpu.memref_slice %arg4[%dma_wait3A_390, %dma_wait3A_391] : memref<819200x128xf32, #tpu.memory_space<hbm>> -> memref<512x128xf32, #tpu.memory_space<hbm>>
    %dma_wait3A_393 = arith.constant 0 : i32
    %dma_wait3A_394 = arith.constant 0 : i32
    %dma_wait3A_395 = tpu.memref_slice %dma_wait3A_392[%dma_wait3A_393, %dma_wait3A_394] : memref<512x128xf32, #tpu.memory_space<hbm>> -> memref<512x32xf32, #tpu.memory_space<hbm>>
    %dma_wait3A_396 = tpu.memref_slice %arg8[%dma_wait3A_385] : memref<4x!tpu.dma_semaphore, #tpu.memory_space<semaphore_mem>> -> memref<1x!tpu.dma_semaphore, #tpu.memory_space<semaphore_mem>>
    %dma_wait3A_397 = tpu.memref_squeeze %dma_wait3A_396 : memref<1x!tpu.dma_semaphore, #tpu.memory_space<semaphore_mem>> -> memref<!tpu.dma_semaphore, #tpu.memory_space<semaphore_mem>>
    %dma_wait3A_398 = arith.constant 0 : i32
    %dma_wait3A_399 = arith.constant 0 : i32
    %dma_wait3A_400 = tpu.memref_slice %arg4[%dma_wait3A_398, %dma_wait3A_399] : memref<819200x128xf32, #tpu.memory_space<hbm>> -> memref<512x128xf32, #tpu.memory_space<hbm>>
    %dma_wait3A_401 = arith.constant 0 : i32
    %dma_wait3A_402 = arith.constant 0 : i32
    %dma_wait3A_403 = tpu.memref_slice %dma_wait3A_400[%dma_wait3A_401, %dma_wait3A_402] : memref<512x128xf32, #tpu.memory_space<hbm>> -> memref<512x32xf32, #tpu.memory_space<hbm>>
    %dma_wait3A_404 = arith.constant 0 : i32
    %dma_wait3A_405 = arith.constant 0 : i32
    %dma_wait3A_406 = tpu.memref_slice %arg6[%dma_wait3A_384, %dma_wait3A_404, %dma_wait3A_405] : memref<4x512x32xf32, #tpu.memory_space<vmem>> -> memref<1x512x32xf32, #tpu.memory_space<vmem>>
    %dma_wait3A_407 = tpu.memref_squeeze %dma_wait3A_406 : memref<1x512x32xf32, #tpu.memory_space<vmem>> -> memref<512x32xf32, #tpu.memory_space<vmem>>
    tpu.wait_dma2 semaphore(%dma_wait3A_397 : memref<!tpu.dma_semaphore, #tpu.memory_space<semaphore_mem>>) src(%dma_wait3A_407 : memref<512x32xf32, #tpu.memory_space<vmem>>) dst(%dma_wait3A_403 : memref<512x32xf32, #tpu.memory_space<hbm>>)
    return
  }
}

module attributes {stable_mosaic.version = 14 : i64} {
  func.func @_retile_tc_body(%arg0: i32, %arg1: memref<4096x128xf32, #tpu.memory_space<vmem>>, %arg2: memref<1x32x16384xf32, #tpu.memory_space<vmem>>) attributes {dimension_semantics = [#tpu.dimension_semantics<arbitrary>], iteration_bounds = array<i64: 200>, scalar_prefetch = 0 : i64, scratch_operands = 0 : i64, tpu.core_type = #tpu.core_type<tc>, window_params = [{transform_indices = @transform_0, window_bounds = array<i64: 4096, 128>}, {transform_indices = @transform_1, window_bounds = array<i64: 1, 32, 16384>}]} {
    %get3A = arith.constant 0 : index
    %get3A_0 = arith.constant 0 : index
    %get3A_1 = vector.load %arg1[%get3A, %get3A_0] : memref<4096x128xf32, #tpu.memory_space<vmem>>, vector<4096x128xf32>
    %transpose3A = tpu.transpose %get3A_1, [1, 0] : vector<4096x128xf32> -> vector<128x4096xf32>
    %slice3A = vector.extract_strided_slice %transpose3A {offsets = [0, 0], sizes = [32, 512], strides = [1, 1]} : vector<128x4096xf32> to vector<32x512xf32>
    %slice3A_2 = vector.extract_strided_slice %transpose3A {offsets = [32, 0], sizes = [32, 512], strides = [1, 1]} : vector<128x4096xf32> to vector<32x512xf32>
    %slice3A_3 = vector.extract_strided_slice %transpose3A {offsets = [64, 0], sizes = [32, 512], strides = [1, 1]} : vector<128x4096xf32> to vector<32x512xf32>
    %slice3A_4 = vector.extract_strided_slice %transpose3A {offsets = [96, 0], sizes = [32, 512], strides = [1, 1]} : vector<128x4096xf32> to vector<32x512xf32>
    %slice3A_5 = vector.extract_strided_slice %transpose3A {offsets = [0, 512], sizes = [32, 512], strides = [1, 1]} : vector<128x4096xf32> to vector<32x512xf32>
    %slice3A_6 = vector.extract_strided_slice %transpose3A {offsets = [32, 512], sizes = [32, 512], strides = [1, 1]} : vector<128x4096xf32> to vector<32x512xf32>
    %slice3A_7 = vector.extract_strided_slice %transpose3A {offsets = [64, 512], sizes = [32, 512], strides = [1, 1]} : vector<128x4096xf32> to vector<32x512xf32>
    %slice3A_8 = vector.extract_strided_slice %transpose3A {offsets = [96, 512], sizes = [32, 512], strides = [1, 1]} : vector<128x4096xf32> to vector<32x512xf32>
    %slice3A_9 = vector.extract_strided_slice %transpose3A {offsets = [0, 1024], sizes = [32, 512], strides = [1, 1]} : vector<128x4096xf32> to vector<32x512xf32>
    %slice3A_10 = vector.extract_strided_slice %transpose3A {offsets = [32, 1024], sizes = [32, 512], strides = [1, 1]} : vector<128x4096xf32> to vector<32x512xf32>
    %slice3A_11 = vector.extract_strided_slice %transpose3A {offsets = [64, 1024], sizes = [32, 512], strides = [1, 1]} : vector<128x4096xf32> to vector<32x512xf32>
    %slice3A_12 = vector.extract_strided_slice %transpose3A {offsets = [96, 1024], sizes = [32, 512], strides = [1, 1]} : vector<128x4096xf32> to vector<32x512xf32>
    %slice3A_13 = vector.extract_strided_slice %transpose3A {offsets = [0, 1536], sizes = [32, 512], strides = [1, 1]} : vector<128x4096xf32> to vector<32x512xf32>
    %slice3A_14 = vector.extract_strided_slice %transpose3A {offsets = [32, 1536], sizes = [32, 512], strides = [1, 1]} : vector<128x4096xf32> to vector<32x512xf32>
    %slice3A_15 = vector.extract_strided_slice %transpose3A {offsets = [64, 1536], sizes = [32, 512], strides = [1, 1]} : vector<128x4096xf32> to vector<32x512xf32>
    %slice3A_16 = vector.extract_strided_slice %transpose3A {offsets = [96, 1536], sizes = [32, 512], strides = [1, 1]} : vector<128x4096xf32> to vector<32x512xf32>
    %slice3A_17 = vector.extract_strided_slice %transpose3A {offsets = [0, 2048], sizes = [32, 512], strides = [1, 1]} : vector<128x4096xf32> to vector<32x512xf32>
    %slice3A_18 = vector.extract_strided_slice %transpose3A {offsets = [32, 2048], sizes = [32, 512], strides = [1, 1]} : vector<128x4096xf32> to vector<32x512xf32>
    %slice3A_19 = vector.extract_strided_slice %transpose3A {offsets = [64, 2048], sizes = [32, 512], strides = [1, 1]} : vector<128x4096xf32> to vector<32x512xf32>
    %slice3A_20 = vector.extract_strided_slice %transpose3A {offsets = [96, 2048], sizes = [32, 512], strides = [1, 1]} : vector<128x4096xf32> to vector<32x512xf32>
    %slice3A_21 = vector.extract_strided_slice %transpose3A {offsets = [0, 2560], sizes = [32, 512], strides = [1, 1]} : vector<128x4096xf32> to vector<32x512xf32>
    %slice3A_22 = vector.extract_strided_slice %transpose3A {offsets = [32, 2560], sizes = [32, 512], strides = [1, 1]} : vector<128x4096xf32> to vector<32x512xf32>
    %slice3A_23 = vector.extract_strided_slice %transpose3A {offsets = [64, 2560], sizes = [32, 512], strides = [1, 1]} : vector<128x4096xf32> to vector<32x512xf32>
    %slice3A_24 = vector.extract_strided_slice %transpose3A {offsets = [96, 2560], sizes = [32, 512], strides = [1, 1]} : vector<128x4096xf32> to vector<32x512xf32>
    %slice3A_25 = vector.extract_strided_slice %transpose3A {offsets = [0, 3072], sizes = [32, 512], strides = [1, 1]} : vector<128x4096xf32> to vector<32x512xf32>
    %slice3A_26 = vector.extract_strided_slice %transpose3A {offsets = [32, 3072], sizes = [32, 512], strides = [1, 1]} : vector<128x4096xf32> to vector<32x512xf32>
    %slice3A_27 = vector.extract_strided_slice %transpose3A {offsets = [64, 3072], sizes = [32, 512], strides = [1, 1]} : vector<128x4096xf32> to vector<32x512xf32>
    %slice3A_28 = vector.extract_strided_slice %transpose3A {offsets = [96, 3072], sizes = [32, 512], strides = [1, 1]} : vector<128x4096xf32> to vector<32x512xf32>
    %slice3A_29 = vector.extract_strided_slice %transpose3A {offsets = [0, 3584], sizes = [32, 512], strides = [1, 1]} : vector<128x4096xf32> to vector<32x512xf32>
    %slice3A_30 = vector.extract_strided_slice %transpose3A {offsets = [32, 3584], sizes = [32, 512], strides = [1, 1]} : vector<128x4096xf32> to vector<32x512xf32>
    %slice3A_31 = vector.extract_strided_slice %transpose3A {offsets = [64, 3584], sizes = [32, 512], strides = [1, 1]} : vector<128x4096xf32> to vector<32x512xf32>
    %slice3A_32 = vector.extract_strided_slice %transpose3A {offsets = [96, 3584], sizes = [32, 512], strides = [1, 1]} : vector<128x4096xf32> to vector<32x512xf32>
    %concatenate3A = tpu.concatenate %slice3A, %slice3A_2, %slice3A_3, %slice3A_4, %slice3A_5, %slice3A_6, %slice3A_7, %slice3A_8, %slice3A_9, %slice3A_10, %slice3A_11, %slice3A_12, %slice3A_13, %slice3A_14, %slice3A_15, %slice3A_16, %slice3A_17, %slice3A_18, %slice3A_19, %slice3A_20, %slice3A_21, %slice3A_22, %slice3A_23, %slice3A_24, %slice3A_25, %slice3A_26, %slice3A_27, %slice3A_28, %slice3A_29, %slice3A_30, %slice3A_31, %slice3A_32 in 1 : vector<32x512xf32>, vector<32x512xf32>, vector<32x512xf32>, vector<32x512xf32>, vector<32x512xf32>, vector<32x512xf32>, vector<32x512xf32>, vector<32x512xf32>, vector<32x512xf32>, vector<32x512xf32>, vector<32x512xf32>, vector<32x512xf32>, vector<32x512xf32>, vector<32x512xf32>, vector<32x512xf32>, vector<32x512xf32>, vector<32x512xf32>, vector<32x512xf32>, vector<32x512xf32>, vector<32x512xf32>, vector<32x512xf32>, vector<32x512xf32>, vector<32x512xf32>, vector<32x512xf32>, vector<32x512xf32>, vector<32x512xf32>, vector<32x512xf32>, vector<32x512xf32>, vector<32x512xf32>, vector<32x512xf32>, vector<32x512xf32>, vector<32x512xf32> -> vector<32x16384xf32>
    %broadcast_in_dim3A = vector.shape_cast %concatenate3A : vector<32x16384xf32> to vector<1x32x16384xf32>
    %swap3A = arith.constant 0 : index
    %swap3A_33 = arith.constant 0 : index
    %swap3A_34 = arith.constant 0 : index
    %swap3A_35 = vector.load %arg2[%swap3A, %swap3A_33, %swap3A_34] : memref<1x32x16384xf32, #tpu.memory_space<vmem>>, vector<1x32x16384xf32>
    tpu.vector_store %arg2[%swap3A, %swap3A_33, %swap3A_34], %broadcast_in_dim3A {strides = array<i32>} : memref<1x32x16384xf32, #tpu.memory_space<vmem>>, vector<1x32x16384xf32>,
    return
  }
  func.func @transform_0(%arg0: i32) -> (i32, i32) {
    %c0_i32 = arith.constant 0 : i32
    %c0_i32_0 = arith.constant 0 : i32
    return %arg0, %c0_i32 : i32, i32
  }
  func.func @transform_1(%arg0: i32) -> (i32, i32, i32) {
    %c0_i32 = arith.constant 0 : i32
    %c0_i32_0 = arith.constant 0 : i32
    %c0_i32_1 = arith.constant 0 : i32
    return %arg0, %c0_i32, %c0_i32_0 : i32, i32, i32
  }
}

</mosaic_0001>

<sc_bundles>
// kernel: kernel.4.cloned.1.call-start
scs
__scs_entry_jumppad:
0x0: {  	(pc) =	sbr.rel $0x88, $3  }
0x1: {  	(tag) =	ssettag $0x0;
	lr =	simm.s32 $0x1  }
0x2: {  	[smem:$0x3F9F] =	sst lr;
	_ =	strace $0xD0000000  }
0x3: {  	_ = 	snop  }
0x4: {  	_ = 	snop  }
0x5: {  	_ = 	snop  }
0x6: {  	_ = 	snop  }
0x7: {  	_ = 	snop  }
__scs_overlays_trampoline_lowered:
0x8: {  	[smem:$0x3FAE] =	sst s0  }
0x9: {  	[smem:$0x3FAF] =	sst s1  }
0xa: {  	[smem:$0x3FB0] =	sst s2  }
0xb: {  	[smem:$0x3FB1] =	sst s3  }
0xc: {  	[smem:$0x3FB2] =	sst s4  }
0xd: {  	[smem:$0x3FB3] =	sst s5  }
0xe: {  	[smem:$0x3FB4] =	sst s6  }
0xf: {  	[smem:$0x3FB5] =	sst s7  }
0x10: {  	[smem:$0x3FB6] =	sst s8  }
0x11: {  	[smem:$0x3FB7] =	sst s9;
	s0 =	simm.s32 @!p0 $0x0  }
0x12: {  	s1 =	sld [smem:$0x3F9D];
	s0 =	simm.s32 @p0 $0x1  }
0x13: {  	[smem:$0x3FB8] =	sst s0;
	s0 =	simm.s32 @!p1 $0x0  }
0x14: {  	s2 =	sld [smem:$0x3F9C];
	s0 =	simm.s32 @p1 $0x1  }
0x15: {  	[smem:$0x3FB9] =	sst s0;
	s0 =	simm.s32 @!p2 $0x0  }
0x16: {  	s3 =	sld [smem:$0x3FDB];
	s0 =	simm.s32 @p2 $0x1  }
0x17: {  	s4 =	simm.s32 $0x1BF5;
	[smem:$0x3FBB] =	sst s0  }
0x18: {  	s0 =	sld [smem:$0x3F9E];
	_ =	swait.ge [sflag:s4], $0x0  }
0x19: {  	s7 =	sld [smem:$0x3F9F]  }
0x1a: {  	s8 =	sadd.s32 $0xFFFFE003, lr  }
0x1b: {  	s9 =	sadd.s32 $0xFFFFFEF7, lr;
	s5 =	simm.s32 $0xFFFFFFFF;
	p2 =	slt.u32 s8, $0xFFFFF086  }
0x1c: {  	p1 =	slt.u32 s9, $0xF7A;
	s5 =	simm.s32 @!p2 $0x0  }
0x1d: {  	s5 =	simm.s32 @p1 $0x1;
	p0 =	seq.s32 s7, s2  }
0x1e: {  	s7 =	smul.u32 @!p0 $0xF7A, s2;
	p2 =	seq.s32 @!p0 s5, $0x0  }
0x1f: {  	s9 =	smul.u32 $0xF7A, s1;
	s8 =	simm.s32 @!p0 $0x1BF5;
	p2 =	por !p2, p0  }
0x20: {  	[sflag:s8] =	ssyncset.s32 @!p0 $0xFFFFF086;
	s6 =	sadd.s32 @!p0 s3, s7;
	s7 =	simm.s32 @!p0 $0x108  }
0x21: {  	s3 =	sadd.s32 s3, s9;
	s6 =	sadd.s32 @!p0 $0x88, s6;
	s7 =	simm.s32 @p2 $0x1082  }
0x22: {  	[simem:s7], [sflag:s8] =	dma.local @!p0 [hbm:s6], $0xF7A  }
0x23: {  	s9 =	sor.u32 $0xD0000000, s2;
	s6 =	simm.s32 $0x108;
	_ =	swait.ge @!p0 [sflag:s8], $0x0  }
0x24: {  	s3 =	sadd.s32 $0x88, s3;
	s6 =	simm.s32 @!p1 $0x1082;
	[sflag:s4] =	ssyncset.s32 $0xFFFFF086  }
0x25: {  	[simem:s6], [sflag:s4] =	dma.local [hbm:s3], $0xF7A  }
0x26: {  	[smem:$0x3F9F] =	sst s1;
	(tag) =	ssettag s2;
	_ =	strace s9  }
0x27: {  	s1 =	sld [smem:$0x3FAF]  }
0x28: {  	s2 =	sld [smem:$0x3FB0]  }
0x29: {  	s4 =	sld [smem:$0x3FB2]  }
0x2a: {  	p0 =	seq.s32 s5, $0x0;
	s5 =	sld [smem:$0x3FB3]  }
0x2b: {  	s6 =	sld [smem:$0x3FB4]  }
0x2c: {  	s7 =	sld [smem:$0x3FB5]  }
0x2d: {  	s3 =	simm.s32 $0x108;
	s8 =	sld [smem:$0x3FB6]  }
0x2e: {  	s3 =	simm.s32 @!p0 $0x1082;
	s9 =	sld [smem:$0x3FB7]  }
0x2f: {  	lr =	sadd.s32 s0, s3;
	s0 =	sld [smem:$0x3FAE]  }
0x30: {  	s3 =	sld [smem:$0x3FB1]  }
0x31: {  	[smem:$0x3FBA] =	sst s10  }
0x32: {  	s10 =	sld [smem:$0x3FB8];
	_ =	sdelay $0x3  }
0x33: {  	p0 =	seq.s32 s10, $0x1;
	s10 =	sld [smem:$0x3FBA];
	_ =	sdelay $0x3  }
0x34: {  	[smem:$0x3FBA] =	sst s10  }
0x35: {  	s10 =	sld [smem:$0x3FB9];
	_ =	sdelay $0x3  }
0x36: {  	p1 =	seq.s32 s10, $0x1;
	s10 =	sld [smem:$0x3FBA];
	_ =	sdelay $0x3  }
0x37: {  	[smem:$0x3FBA] =	sst s10  }
0x38: {  	s10 =	sld [smem:$0x3FBB]  }
0x39: {  	_ = 	snop;
	(pc) =	sbr.ind lr, $3  }
0x3a: {  	_ = 	snop  }
0x3b: {  	_ = 	snop  }
0x3c: {  	p2 =	seq.s32 s10, $0x1;
	s10 =	sld [smem:$0x3FBA]  }
0x3d: {  	_ =	shalt  }
0x3e: {  	_ =	shalt  }
0x3f: {  	_ =	shalt  }
0x40: {  	_ =	shalt  }
0x41: {  	_ =	shalt  }
0x42: {  	_ =	shalt  }
0x43: {  	_ =	shalt  }
0x44: {  	_ =	shalt  }
0x45: {  	_ =	shalt  }
0x46: {  	_ =	shalt  }
0x47: {  	_ =	shalt  }
0x48: {  	_ =	shalt  }
0x49: {  	_ =	shalt  }
0x4a: {  	_ =	shalt  }
0x4b: {  	_ =	shalt  }
0x4c: {  	_ =	shalt  }
0x4d: {  	_ =	shalt  }
0x4e: {  	_ =	shalt  }
0x4f: {  	_ =	shalt  }
0x50: {  	_ =	shalt  }
0x51: {  	_ =	shalt  }
0x52: {  	_ =	shalt  }
0x53: {  	_ =	shalt  }
0x54: {  	_ =	shalt  }
0x55: {  	_ =	shalt  }
0x56: {  	_ =	shalt  }
0x57: {  	_ =	shalt  }
0x58: {  	_ =	shalt  }
0x59: {  	_ =	shalt  }
0x5a: {  	_ =	shalt  }
0x5b: {  	_ =	shalt  }
0x5c: {  	_ =	shalt  }
0x5d: {  	_ =	shalt  }
0x5e: {  	_ =	shalt  }
0x5f: {  	_ =	shalt  }
0x60: {  	_ =	shalt  }
0x61: {  	_ =	shalt  }
0x62: {  	_ =	shalt  }
0x63: {  	_ =	shalt  }
0x64: {  	_ =	shalt  }
0x65: {  	_ =	shalt  }
0x66: {  	_ =	shalt  }
0x67: {  	_ =	shalt  }
0x68: {  	_ =	shalt  }
0x69: {  	_ =	shalt  }
0x6a: {  	_ =	shalt  }
0x6b: {  	_ =	shalt  }
0x6c: {  	_ =	shalt  }
0x6d: {  	_ =	shalt  }
0x6e: {  	_ =	shalt  }
0x6f: {  	_ =	shalt  }
0x70: {  	_ =	shalt  }
0x71: {  	_ =	shalt  }
0x72: {  	_ =	shalt  }
0x73: {  	_ =	shalt  }
0x74: {  	_ =	shalt  }
0x75: {  	_ =	shalt  }
0x76: {  	_ =	shalt  }
0x77: {  	_ =	shalt  }
0x78: {  	_ =	shalt  }
0x79: {  	_ =	shalt  }
0x7a: {  	_ =	shalt  }
0x7b: {  	_ =	shalt  }
0x7c: {  	_ =	shalt  }
0x7d: {  	_ =	shalt  }
0x7e: {  	_ =	shalt  }
0x7f: {  	_ =	shalt  }
0x80: {  	_ =	shalt  }
0x81: {  	_ =	shalt  }
0x82: {  	_ =	shalt  }
0x83: {  	_ =	shalt  }
0x84: {  	_ =	shalt  }
0x85: {  	_ =	shalt  }
0x86: {  	_ =	shalt  }
0x87: {  	_ =	shalt  }
.Lfunc_end0:
.L_simem_size_0:
called_computation_lowered:
.L_overlay_start_0:
0x88: {  	s2 =	sld [smem:$0x3FD9]  }
0x89: {  	s3 =	sld [smem:$0x3FFE];
	_ =	sdelay $0x1  }
0x8a: {  	s1 =	srdreg.scid  }
0x8b: {  	s0 =	sand.u32 $0x1, s1  }
0x8c: {  	s17 =	sshll.u32 s0, $0xA;
	s2 =	sadd.s32 s3, s2  }
0x8d: {  	s2 =	sadd.s32 s2, s17  }
0x8e: {  	[smem:$0x3FC6] =	sst s2  }
0x8f: {  	_ = 	snop  }
0x90: {  	s2 =	sld [smem:$0x3FD0];
	(tm) =	ssettm $0x1  }
0x91: {  	s18 =	sld [smem:$0x3FFB];
	_ =	sdelay $0x3  }
0x92: {  	_ =	strace s18  }
0x93: {  	s3 =	sld [smem:$0x3FFC];
	_ =	sdelay $0x3  }
0x94: {  	_ =	strace s3  }
0x95: {  	s3 =	sld [smem:$0x3FFD];
	_ =	sdelay $0x3  }
0x96: {  	_ =	strace s3  }
0x97: {  	_ =	strace $0x8FFFFFFF  }
0x98: {  	s19 =	sld [smem:$0x3FDB];
	_ =	sdelay $0x1  }
0x99: {  	s4 =	simm.s32 $_scs_section_size  }
0x9a: {  	s5 =	simm.s32 $_size__tile_overlayer_lowered;
	s6 =	simm.s32 $_tile_overlayer_lowered  }
0x9b: {  	s22 =	simm.s32 $0x1BFF;
	s21 =	sshll.u32 s6, $0x1;
	s3 =	sadd.s32 s4, s19  }
0x9c: {  	s7 =	simm.s32 $0x0;
	s20 =	sshll.u32 s5, $0x1;
	s5 =	sadd.s32 s21, s3  }
0x9d: {  	[timem:s7], [sflag:s22] =	dma.local [hbm:s5], s20  }
0x9e: {  	_ =	swait.ge [sflag:s22], s20  }
0x9f: {  	s4 =	ssub.s32 $0x0, s20;
	[sflag:s22] =	ssyncset.done $0x0  }
0xa0: {  	[sflag:s22] =	ssyncadd.s32 s4;
	_ =	sdelay $0x1  }
0xa1: {  	s23 =	simm.s32 $0x1B8B  }
0xa2: {  	_ =	swait.ge [sflag:s23], $0x1  }
0xa3: {  	[sflag:s23] =	ssyncset.done $0x0  }
0xa4: {  	s25 =	simm.s32 $0x1B8E;
	s24 =	sld [smem:$0x3FFE];
	[sflag:s23] =	ssyncadd.s32 $0xFFFFFFFF  }
0xa5: {  	s26 =	simm.s32 $execute0_lowered;
	[smem:$0x3FD2] =	sst s25  }
0xa6: {  	s5 =	sshll.u32 s26, $0x1;
	_ =	strace $0x80000046;
	[dreg:$0x1] =	wrdreg $0xFFFFFFFF  }
0xa7: {  	s28 =	simm.s32 $_size_execute0_lowered;
	s3 =	sadd.s32 s3, s5;
	[dreg:$0x0] =	wrdreg $0x0  }
0xa8: {  	s5 =	sshll.u32 s28, $0x1;
	[dreg:$0x2] =	wrdreg s3  }
0xa9: {  	[dreg:$0x3] =	wrdreg s5  }
0xaa: {  	[dreg:$0x4] =	wrdreg $0xC0  }
0xab: {  	_ =	task [dreg:s7], $0x5FFFF  }
0xac: {  	[dreg:$0x1] =	wrdreg $0xFFFFFFFF  }
0xad: {  	[dreg:$0x0] =	wrdreg $0x60  }
0xae: {  	[dreg:$0x2] =	wrdreg s24  }
0xaf: {  	[dreg:$0x3] =	wrdreg s2  }
0xb0: {  	[dreg:$0x4] =	wrdreg $0x9  }
0xb1: {  	_ =	task.clear_ibuf [dreg:s7], $0x5FFFF;
	_ =	strace $0x90000046  }
0xb2: {  	s29 =	simm.s32 $0x9;
	_ =	strace $0x80000048  }
0xb3: {  	_ =	swait.ge [sflag:s29], $0x1  }
0xb4: {  	[sflag:s29] =	ssyncadd.s32 $0xFFFFFFFF  }
0xb5: {  	_ =	strace $0x90000048  }
0xb6: {  	_ =	sfence  }
0xb7: {  	s30 =	sld [smem:$0x0];
	_ =	sdelay $0x2  }
0xb8: {  	s31 =	sshll.u32 s1, $0xD;
	s1 =	sshrl.u32 s1, $0x2  }
0xb9: {  	s3 =	sand.u32 $0x4000, s31;
	s1 =	sadd.s32 s1, s30  }
0xba: {  	s0 =	sor.u32 s3, s0;
	s1 =	sshll.u32 s1, $0x11  }
0xbb: {  	s0 =	sor.u32 s1, s0  }
0xbc: {  	s0 =	sadd.s32 $0x8F2B, s0  }
0xbd: {  	[sflag:s0] =	ssyncadd.remote.s32 $0x1  }
0xbe: {  	_ =	sfence.sel $0xFFFF  }
0xbf: {  	[dreg:$0x0] =	wrdreg $0xFFFFFFFF;
	(pc) =	sbr.abs _section_cstart, $3  }
0xc0: {  	[dreg:$0x1] =	wrdreg $0xFFFFFFFF  }
0xc1: {  	_ =	task.clear_ibuf [dreg:s7], $0x2FFFF;
	_ =	strace $0x9FFFFFFF  }
0xc2: {  	(tm) =	ssettm $0x7FFFFFFF  }
0xc3: {  	_ =	shalt  }
tec
execute0_lowered:
.L_overlay_start_1:
0x0: {  	(tag) =	ssettag $0x1  }
0x1: {  	s0 =	rddreg [dreg:$0x0]  }
0x2: {  	s2 =	rddreg [dreg:$0x1];
	s1 =	srdreg.scid  }
0x3: {  	s4 =	stileid.u32;
	s3 =	simm.s32 $0x0;
	s14 =	simm.s32 $0x80  }
0x4: {  	s15 =	simm.s32 $0x800;
	s21 =	simm.s32 $0x200;
	s22 =	simm.s32 $0x4800  }
0x5: {  	s30 =	simm.s32 $0x400;
	s31 =	simm.s32 $0x8800;
	s13 =	simm.s32 $0x1  }
0x6: {  	s16 =	simm.s32 $0x20;
	s17 =	simm.s32 $0xC;
	s18 =	simm.s32 $0xC800  }
0x7: {  	s20 =	simm.s32 $0x2;
	s19 =	simm.s32 $0x5;
	s28 =	simm.s32 $0x4  }
0x8: {  	s29 =	simm.s32 $0xB;
	s1 =	sand.u32 $0x1, s1;
	s4 =	sshll.u32 s4, $0x1  }
0x9: {  	s6 =	simm.s32 $0x0;
	[smem:$0x7FF] =	sst s3;
	s5 =	sor.u32 s1, s4  }
0xa: {  	_ =	strace $0x80000047;
	s1 =	ssub.s32 $0x2, s1;
	s7 =	smul.u32 $0x3200, s5  }
0xb: {  	s4 =	sadd.s32 $0x400, s0;
	s0 =	sadd.s32 $0x64400, s0;
	s24 =	smul.u32 $0xC8, s5  }
0xc: {  	[dreg:$0x3] =	wrdreg s0;
	s23 =	sshrl.u32 s1, $0x1;
	s11 =	smul.u32 $0x19000, s5  }
0xd: {  	s0 =	ssub.s32 s1, s23;
	[dreg:$0x9] =	wrdreg s24;
	s25 =	sadd.s32 s4, s7  }
0xe: {  	s23 =	simm.s32 $0xA;
	s0 =	smax.u32 s0, $0x1;
	[dreg:$0x4] =	wrdreg s25  }
0xf: {  	s24 =	simm.s32 $0x9;
	s7 =	sadd.s32 $0x40, s25;
	[dreg:$0x8] =	wrdreg s0  }
0x10: {  	s26 =	sadd.s32 $0x80, s25;
	s1 =	sadd.s32 $0xC0, s25;
	[dreg:$0x5] =	wrdreg s7  }
0x11: {  	s25 =	simm.s32 $0x3;
	s0 =	simm.s32 $0x7;
	[dreg:$0x6] =	wrdreg s26  }
0x12: {  	[dreg:$0x7] =	wrdreg s1;
	s7 =	simm.s32 $0x600;
	s26 =	simm.s32 $0x6  }
.LBB2_1:
0x13: {  	[dreg:$0xa] =	wrdreg s6  }
0x14: {  	s1 =	rddreg [dreg:$0x4];
	s5 =	simm.s32 $0xD  }
0x15: {  	[tilespmem:s3], [sflag:$0xD] =	stream.linear.gather [hbm4b:s1+s3], $0x200, $0x38;
	[tilespmem:$0x10800] =	vst v63  }
0x16: {  	_ =	swait.ge [sflag:s5], $0x200  }
0x17: {  	[sflag:s5] =	ssyncset.done $0x0  }
0x18: {  	[sflag:s5] =	ssyncadd.s32 $0xFFFFFE00  }
0x19: {  	[tilespmem:s15], [sflag:$0x1] =	stream.indirect.gather [hbm4b:s2+s14], $0x20, s3, s14, $0xb8;
	[tilespmem:$0x10800] =	vst v63  }
0x1a: {  	s8 =	simm.s32 $0x1800  }
0x1b: {  	[tilespmem:s8], [sflag:$0x1] =	stream.indirect.gather [hbm4b:s2+s14], $0x20, s14, s14, $0xb8;
	[tilespmem:$0x10800] =	vst v63  }
0x1c: {  	s9 =	simm.s32 $0x100;
	s8 =	simm.s32 $0x2800  }
0x1d: {  	[tilespmem:s8], [sflag:$0x1] =	stream.indirect.gather [hbm4b:s2+s14], $0x20, s9, s14, $0xb8;
	[tilespmem:$0x10800] =	vst v63  }
0x1e: {  	s10 =	simm.s32 $0x180;
	s12 =	simm.s32 $0x3800  }
0x1f: {  	[tilespmem:s12], [sflag:$0x1] =	stream.indirect.gather [hbm4b:s2+s14], $0x20, s10, s14, $0xb8;
	[tilespmem:$0x10800] =	vst v63  }
0x20: {  	s6 =	rddreg [dreg:$0x5]  }
0x21: {  	[tilespmem:s21], [sflag:$0xD] =	stream.linear.gather [hbm4b:s6+s3], $0x200, $0x38;
	[tilespmem:$0x10800] =	vst v63  }
0x22: {  	_ =	swait.ge [sflag:s5], $0x200  }
0x23: {  	[sflag:s5] =	ssyncset.done $0x0  }
0x24: {  	[sflag:s5] =	ssyncadd.s32 $0xFFFFFE00  }
0x25: {  	[tilespmem:s22], [sflag:$0x2] =	stream.indirect.gather [hbm4b:s2+s14], $0x20, s21, s14, $0xb8;
	[tilespmem:$0x10800] =	vst v63  }
0x26: {  	s8 =	simm.s32 $0x280;
	s9 =	simm.s32 $0x5800  }
0x27: {  	[tilespmem:s9], [sflag:$0x2] =	stream.indirect.gather [hbm4b:s2+s14], $0x20, s8, s14, $0xb8;
	[tilespmem:$0x10800] =	vst v63  }
0x28: {  	s10 =	simm.s32 $0x300;
	s12 =	simm.s32 $0x6800  }
0x29: {  	[tilespmem:s12], [sflag:$0x2] =	stream.indirect.gather [hbm4b:s2+s14], $0x20, s10, s14, $0xb8;
	[tilespmem:$0x10800] =	vst v63  }
0x2a: {  	s6 =	simm.s32 $0x380;
	s8 =	simm.s32 $0x7800  }
0x2b: {  	[tilespmem:s8], [sflag:$0x2] =	stream.indirect.gather [hbm4b:s2+s14], $0x20, s6, s14, $0xb8;
	[tilespmem:$0x10800] =	vst v63  }
0x2c: {  	s9 =	rddreg [dreg:$0x6]  }
0x2d: {  	[tilespmem:s30], [sflag:$0xD] =	stream.linear.gather [hbm4b:s9+s3], $0x200, $0x38;
	[tilespmem:$0x10800] =	vst v63  }
0x2e: {  	_ =	swait.ge [sflag:s5], $0x200  }
0x2f: {  	[sflag:s5] =	ssyncset.done $0x0  }
0x30: {  	[sflag:s5] =	ssyncadd.s32 $0xFFFFFE00  }
0x31: {  	[tilespmem:s31], [sflag:$0x3] =	stream.indirect.gather [hbm4b:s2+s14], $0x20, s30, s14, $0xb8;
	[tilespmem:$0x10800] =	vst v63  }
0x32: {  	s10 =	simm.s32 $0x480;
	s12 =	simm.s32 $0x9800  }
0x33: {  	[tilespmem:s12], [sflag:$0x3] =	stream.indirect.gather [hbm4b:s2+s14], $0x20, s10, s14, $0xb8;
	[tilespmem:$0x10800] =	vst v63  }
0x34: {  	s6 =	simm.s32 $0x500;
	s8 =	simm.s32 $0xA800  }
0x35: {  	[tilespmem:s8], [sflag:$0x3] =	stream.indirect.gather [hbm4b:s2+s14], $0x20, s6, s14, $0xb8;
	[tilespmem:$0x10800] =	vst v63  }
0x36: {  	s9 =	simm.s32 $0x580;
	s10 =	simm.s32 $0xB800  }
0x37: {  	[tilespmem:s10], [sflag:$0x3] =	stream.indirect.gather [hbm4b:s2+s14], $0x20, s9, s14, $0xb8;
	[tilespmem:$0x10800] =	vst v63  }
0x38: {  	s1 =	simm.s32 $0x0;
	s12 =	rddreg [dreg:$0x7]  }
0x39: {  	[tilespmem:s7], [sflag:$0xC] =	stream.linear.gather [hbm4b:s12+s3], $0x200, $0x38;
	[tilespmem:$0x10800] =	vst v63  }
.LBB2_2:
0x3a: {  	_ =	swait.ge [sflag:s13], $0x4000  }
0x3b: {  	[sflag:s13] =	ssyncset.done $0x0  }
0x3c: {  	s9 =	simm.s32 $0x880;
	[sflag:s13] =	ssyncadd.s32 $0xFFFFC000  }
0x3d: {  	v0 =	vld [tilespmem:s9+$0x70]  }
0x3e: {  	v1 =	vld [tilespmem:s9+$0xFFFFFF90]  }
0x3f: {  	v2 =	vld [tilespmem:s9+$0xFFFFFFA0]  }
0x40: {  	v3 =	vld [tilespmem:s9+$0xFFFFFFB0]  }
0x41: {  	v4 =	vld [tilespmem:s9+$0xFFFFFFC0]  }
0x42: {  	v5 =	vld [tilespmem:s9+$0xFFFFFFD0];
	v0 =	vmul.f32 $5.656854150e+00, v0  }
0x43: {  	v6 =	vld [tilespmem:s9+$0xFFFFFFE0];
	v1 =	vmul.f32 $5.656854150e+00, v1  }
0x44: {  	v7 =	vld [tilespmem:s9+$0xFFFFFFF0];
	v2 =	vmul.f32 $5.656854150e+00, v2;
	[tilespmem:s9+$0x70] =	vst v0  }
0x45: {  	[tilespmem:s9+$0xFFFFFF90] =	vst v1;
	v0 =	vmul.f32 $5.656854150e+00, v3;
	v3 =	vld [tilespmem:s9+$0x0]  }
0x46: {  	[tilespmem:s9+$0xFFFFFFA0] =	vst v2;
	v1 =	vmul.f32 $5.656854150e+00, v4;
	v4 =	vld [tilespmem:s9+$0x10]  }
0x47: {  	v8 =	vld [tilespmem:s9+$0x20];
	v2 =	vmul.f32 $5.656854150e+00, v5;
	[tilespmem:s9+$0xFFFFFFB0] =	vst v0  }
0x48: {  	v5 =	vmul.f32 $5.656854150e+00, v6;
	[tilespmem:s9+$0xFFFFFFC0] =	vst v1;
	v0 =	vld [tilespmem:s9+$0x30]  }
0x49: {  	v6 =	vmul.f32 $5.656854150e+00, v7;
	[tilespmem:s9+$0xFFFFFFD0] =	vst v2;
	v1 =	vld [tilespmem:s9+$0x40]  }
0x4a: {  	[tilespmem:s9+$0xFFFFFFE0] =	vst v5;
	v2 =	vld [tilespmem:s9+$0x50];
	v7 =	vmul.f32 $5.656854150e+00, v3  }
0x4b: {  	[tilespmem:s9+$0xFFFFFFF0] =	vst v6;
	v3 =	vld [tilespmem:s9+$0x60];
	v5 =	vmul.f32 $5.656854150e+00, v4  }
0x4c: {  	s8 =	simm.s32 $0x0;
	s10 =	simm.s32 $0x980;
	v6 =	vmul.f32 $5.656854150e+00, v8;
	v4 =	vld [tilespmem:s9+$0xFFFFFF80];
	[tilespmem:s9+$0x0] =	vst v7  }
.LBB2_3:
0x4d: {  	v7 =	vld [tilespmem:s10+$0x70];
	s8 =	sadd.s32 $0x8, s8;
	[tilespmem:s9+$0x10] =	vst v5;
	v0 =	vmul.f32 $5.656854150e+00, v0  }
0x4e: {  	v5 =	vld [tilespmem:s10+$0xFFFFFF90];
	p0 =	slt.u32 s8, $0x1F8;
	[tilespmem:s9+$0x20] =	vst v6;
	v1 =	vmul.f32 $5.656854150e+00, v1  }
0x4f: {  	v6 =	vld [tilespmem:s10+$0xFFFFFFA0];
	[tilespmem:s9+$0x30] =	vst v0;
	v0 =	vmul.f32 $5.656854150e+00, v2  }
0x50: {  	v2 =	vld [tilespmem:s10+$0xFFFFFFB0];
	[tilespmem:s9+$0x40] =	vst v1;
	v1 =	vmul.f32 $5.656854150e+00, v3  }
0x51: {  	v3 =	vld [tilespmem:s10+$0xFFFFFFC0];
	v4 =	vmul.f32 $5.656854150e+00, v4;
	[tilespmem:s9+$0x50] =	vst v0  }
0x52: {  	v0 =	vld [tilespmem:s10+$0xFFFFFFD0];
	v7 =	vmul.f32 $5.656854150e+00, v7;
	[tilespmem:s9+$0x60] =	vst v1  }
0x53: {  	v1 =	vmul.f32 $5.656854150e+00, v5;
	v5 =	vld [tilespmem:s10+$0xFFFFFFE0];
	[tilespmem:s9+$0xFFFFFF80] =	vst v4;
	s9 =	smov.u32 s10  }
0x54: {  	v4 =	vmul.f32 $5.656854150e+00, v6;
	v6 =	vld [tilespmem:s10+$0xFFFFFFF0];
	[tilespmem:s10+$0x70] =	vst v7  }
0x55: {  	[tilespmem:s10+$0xFFFFFF90] =	vst v1;
	v1 =	vmul.f32 $5.656854150e+00, v2;
	v2 =	vld [tilespmem:s10+$0x0]  }
0x56: {  	[tilespmem:s10+$0xFFFFFFA0] =	vst v4;
	v3 =	vmul.f32 $5.656854150e+00, v3;
	v4 =	vld [tilespmem:s10+$0x10]  }
0x57: {  	[tilespmem:s10+$0xFFFFFFB0] =	vst v1;
	v1 =	vmul.f32 $5.656854150e+00, v0;
	v7 =	vld [tilespmem:s10+$0x20]  }
.Ltmp0:
0x58: {  	[tilespmem:s10+$0xFFFFFFC0] =	vst v3;
	v3 =	vmul.f32 $5.656854150e+00, v5;
	v0 =	vld [tilespmem:s10+$0x30];
	(pc) =	sbr.rel @p0 .LBB2_3-.Ltmp0, $4  }
0x59: {  	[tilespmem:s10+$0xFFFFFFD0] =	vst v1;
	v5 =	vmul.f32 $5.656854150e+00, v6;
	v1 =	vld [tilespmem:s10+$0x40]  }
0x5a: {  	[tilespmem:s10+$0xFFFFFFE0] =	vst v3;
	v6 =	vmul.f32 $5.656854150e+00, v2;
	v2 =	vld [tilespmem:s10+$0x50]  }
0x5b: {  	[tilespmem:s10+$0xFFFFFFF0] =	vst v5;
	v5 =	vmul.f32 $5.656854150e+00, v4;
	v3 =	vld [tilespmem:s10+$0x60]  }
0x5c: {  	s10 =	sadd.s32 $0x100, s10;
	v4 =	vld [tilespmem:s9+$0xFFFFFF80];
	[tilespmem:s9+$0x0] =	vst v6;
	v6 =	vmul.f32 $5.656854150e+00, v7  }
0x5d: {  	[tilespmem:s9+$0x10] =	vst v5;
	v0 =	vmul.f32 $5.656854150e+00, v0  }
0x5e: {  	[tilespmem:s9+$0x20] =	vst v6;
	v1 =	vmul.f32 $5.656854150e+00, v1  }
0x5f: {  	[tilespmem:s9+$0x30] =	vst v0;
	v0 =	vmul.f32 $5.656854150e+00, v2  }
0x60: {  	[tilespmem:s9+$0x40] =	vst v1;
	v1 =	vmul.f32 $5.656854150e+00, v3  }
0x61: {  	v2 =	vmul.f32 $5.656854150e+00, v4;
	[tilespmem:s9+$0x50] =	vst v0  }
0x62: {  	s8 =	sshll.u32 s1, $0x2;
	s5 =	rddreg [dreg:$0x9];
	[tilespmem:s9+$0x60] =	vst v1  }
0x63: {  	s5 =	sadd.s32 s5, s8;
	[tilespmem:s9+$0xFFFFFF80] =	vst v2  }
0x64: {  	s5 =	sshll.u32 s5, $0xB;
	s9 =	rddreg [dreg:$0x3]  }
0x65: {  	s9 =	sadd.s32 s9, s5  }
0x66: {  	[hbm4b:s9+s16] =	stream.strided.scatter [tilespmem:s15], [sflag:$0x5], $0x4000, s14, s16, $0x38;
	[tilespmem:$0x10800] =	vst v63  }
0x67: {  	_ =	swait.ge [sflag:s17], $0x200  }
0x68: {  	p0 =	seq.s32 s1, $0x0;
	[sflag:s17] =	ssyncset.done $0x0  }
0x69: {  	s5 =	simm.s32 @!p0 $0x8;
	[sflag:s17] =	ssyncadd.s32 $0xFFFFFE00  }
0x6a: {  	_ =	swait.ge @!p0 [sflag:s5], $0x4000  }
0x6b: {  	[sflag:s5] =	ssyncset.done @!p0 $0x0  }
0x6c: {  	[sflag:s5] =	ssyncadd.s32 @!p0 $0xFFFFC000  }
0x6d: {  	[tilespmem:s18], [sflag:$0x4] =	stream.indirect.gather [hbm4b:s2+s14], $0x20, s7, s14, $0xb8;
	[tilespmem:$0x10800] =	vst v63  }
0x6e: {  	s12 =	simm.s32 $0x680;
	s6 =	simm.s32 $0xD800  }
0x6f: {  	[tilespmem:s6], [sflag:$0x4] =	stream.indirect.gather [hbm4b:s2+s14], $0x20, s12, s14, $0xb8;
	[tilespmem:$0x10800] =	vst v63  }
0x70: {  	s10 =	simm.s32 $0x700;
	s12 =	simm.s32 $0xE800  }
0x71: {  	[tilespmem:s12], [sflag:$0x4] =	stream.indirect.gather [hbm4b:s2+s14], $0x20, s10, s14, $0xb8;
	[tilespmem:$0x10800] =	vst v63  }
0x72: {  	s6 =	simm.s32 $0x780;
	s12 =	sadd.s32 $0x4, s8  }
0x73: {  	s10 =	simm.s32 $0xF800;
	p0 =	seq.s32 s12, $0xC8;
	s5 =	sshll.u32 s12, $0x9  }
0x74: {  	[tilespmem:s10], [sflag:$0x4] =	stream.indirect.gather [hbm4b:s2+s14], $0x20, s6, s14, $0xb8;
	[tilespmem:$0x10800] =	vst v63  }
0x75: {  	s5 =	simm.s32 @p0 $0x0  }
0x76: {  	s5 =	sadd.s32 s11, s5  }
0x77: {  	s5 =	sshrl.u32 s5, $0x3  }
0x78: {  	s5 =	sadd.s32 s4, s5  }
0x79: {  	[tilespmem:s3], [sflag:$0x9] =	stream.linear.gather [hbm4b:s5+s3], $0x200, $0x38;
	[tilespmem:$0x10800] =	vst v63  }
0x7a: {  	_ =	swait.ge [sflag:s20], $0x4000  }
0x7b: {  	[sflag:s20] =	ssyncset.done $0x0  }
0x7c: {  	s10 =	simm.s32 $0x4800;
	[sflag:s20] =	ssyncadd.s32 $0xFFFFC000  }
0x7d: {  	v0 =	vld [tilespmem:s10+$0xF0]  }
0x7e: {  	v1 =	vld [tilespmem:s10+$0x10]  }
0x7f: {  	v2 =	vld [tilespmem:s10+$0x20]  }
0x80: {  	v3 =	vld [tilespmem:s10+$0x30]  }
0x81: {  	v4 =	vld [tilespmem:s10+$0x40]  }
0x82: {  	v5 =	vld [tilespmem:s10+$0x50];
	v0 =	vmul.f32 $5.656854150e+00, v0  }
0x83: {  	v6 =	vld [tilespmem:s10+$0x60];
	v1 =	vmul.f32 $5.656854150e+00, v1  }
0x84: {  	v7 =	vld [tilespmem:s10+$0x70];
	v2 =	vmul.f32 $5.656854150e+00, v2;
	[tilespmem:s10+$0xF0] =	vst v0  }
0x85: {  	[tilespmem:s10+$0x10] =	vst v1;
	v0 =	vmul.f32 $5.656854150e+00, v3;
	v3 =	vld [tilespmem:s10+$0x80]  }
0x86: {  	[tilespmem:s10+$0x20] =	vst v2;
	v1 =	vmul.f32 $5.656854150e+00, v4;
	v4 =	vld [tilespmem:s10+$0x90]  }
0x87: {  	v8 =	vld [tilespmem:s10+$0xA0];
	v2 =	vmul.f32 $5.656854150e+00, v5;
	[tilespmem:s10+$0x30] =	vst v0  }
0x88: {  	v5 =	vmul.f32 $5.656854150e+00, v6;
	[tilespmem:s10+$0x40] =	vst v1;
	v0 =	vld [tilespmem:s10+$0xB0]  }
0x89: {  	v6 =	vmul.f32 $5.656854150e+00, v7;
	[tilespmem:s10+$0x50] =	vst v2;
	v1 =	vld [tilespmem:s10+$0xC0]  }
0x8a: {  	[tilespmem:s10+$0x60] =	vst v5;
	v2 =	vld [tilespmem:s10+$0xD0];
	v7 =	vmul.f32 $5.656854150e+00, v3  }
0x8b: {  	[tilespmem:s10+$0x70] =	vst v6;
	v3 =	vld [tilespmem:s10+$0xE0];
	v5 =	vmul.f32 $5.656854150e+00, v4  }
0x8c: {  	s12 =	simm.s32 $0x0;
	s5 =	simm.s32 $0x4900;
	v6 =	vmul.f32 $5.656854150e+00, v8;
	v4 =	vld [tilespmem:s10+$0x0];
	[tilespmem:s10+$0x80] =	vst v7  }
.LBB2_5:
0x8d: {  	v7 =	vld [tilespmem:s5+$0xF0];
	s12 =	sadd.s32 $0x8, s12;
	[tilespmem:s10+$0x90] =	vst v5;
	v0 =	vmul.f32 $5.656854150e+00, v0  }
0x8e: {  	v5 =	vld [tilespmem:s5+$0x10];
	p0 =	slt.u32 s12, $0x1F8;
	[tilespmem:s10+$0xA0] =	vst v6;
	v1 =	vmul.f32 $5.656854150e+00, v1  }
0x8f: {  	v6 =	vld [tilespmem:s5+$0x20];
	[tilespmem:s10+$0xB0] =	vst v0;
	v0 =	vmul.f32 $5.656854150e+00, v2  }
0x90: {  	v2 =	vld [tilespmem:s5+$0x30];
	[tilespmem:s10+$0xC0] =	vst v1;
	v1 =	vmul.f32 $5.656854150e+00, v3  }
0x91: {  	v3 =	vld [tilespmem:s5+$0x40];
	v4 =	vmul.f32 $5.656854150e+00, v4;
	[tilespmem:s10+$0xD0] =	vst v0  }
0x92: {  	v0 =	vld [tilespmem:s5+$0x50];
	v7 =	vmul.f32 $5.656854150e+00, v7;
	[tilespmem:s10+$0xE0] =	vst v1  }
0x93: {  	v1 =	vmul.f32 $5.656854150e+00, v5;
	v5 =	vld [tilespmem:s5+$0x60];
	[tilespmem:s10+$0x0] =	vst v4;
	s10 =	smov.u32 s5  }
0x94: {  	v4 =	vmul.f32 $5.656854150e+00, v6;
	v6 =	vld [tilespmem:s5+$0x70];
	[tilespmem:s5+$0xF0] =	vst v7  }
0x95: {  	[tilespmem:s5+$0x10] =	vst v1;
	v1 =	vmul.f32 $5.656854150e+00, v2;
	v2 =	vld [tilespmem:s5+$0x80]  }
0x96: {  	[tilespmem:s5+$0x20] =	vst v4;
	v3 =	vmul.f32 $5.656854150e+00, v3;
	v4 =	vld [tilespmem:s5+$0x90]  }
0x97: {  	[tilespmem:s5+$0x30] =	vst v1;
	v1 =	vmul.f32 $5.656854150e+00, v0;
	v7 =	vld [tilespmem:s5+$0xA0]  }
.Ltmp1:
0x98: {  	[tilespmem:s5+$0x40] =	vst v3;
	v3 =	vmul.f32 $5.656854150e+00, v5;
	v0 =	vld [tilespmem:s5+$0xB0];
	(pc) =	sbr.rel @p0 .LBB2_5-.Ltmp1, $4  }
0x99: {  	[tilespmem:s5+$0x50] =	vst v1;
	v5 =	vmul.f32 $5.656854150e+00, v6;
	v1 =	vld [tilespmem:s5+$0xC0]  }
0x9a: {  	[tilespmem:s5+$0x60] =	vst v3;
	v6 =	vmul.f32 $5.656854150e+00, v2;
	v2 =	vld [tilespmem:s5+$0xD0]  }
0x9b: {  	[tilespmem:s5+$0x70] =	vst v5;
	v5 =	vmul.f32 $5.656854150e+00, v4;
	v3 =	vld [tilespmem:s5+$0xE0]  }
0x9c: {  	s5 =	sadd.s32 $0x100, s5;
	v4 =	vld [tilespmem:s10+$0x0];
	[tilespmem:s10+$0x80] =	vst v6;
	v6 =	vmul.f32 $5.656854150e+00, v7  }
0x9d: {  	[tilespmem:s10+$0x90] =	vst v5;
	v0 =	vmul.f32 $5.656854150e+00, v0  }
0x9e: {  	[tilespmem:s10+$0xA0] =	vst v6;
	v1 =	vmul.f32 $5.656854150e+00, v1  }
0x9f: {  	[tilespmem:s10+$0xB0] =	vst v0;
	v0 =	vmul.f32 $5.656854150e+00, v2  }
0xa0: {  	[tilespmem:s10+$0xC0] =	vst v1;
	v1 =	vmul.f32 $5.656854150e+00, v3  }
0xa1: {  	v2 =	vmul.f32 $5.656854150e+00, v4;
	[tilespmem:s10+$0xD0] =	vst v0  }
0xa2: {  	[tilespmem:s10+$0xE0] =	vst v1  }
0xa3: {  	s5 =	sadd.s32 $0x4, s9;
	[tilespmem:s10+$0x0] =	vst v2  }
0xa4: {  	[hbm4b:s5+s16] =	stream.strided.scatter [tilespmem:s22], [sflag:$0x6], $0x4000, s14, s16, $0x38;
	[tilespmem:$0x10800] =	vst v63  }
0xa5: {  	s5 =	sadd.s32 $0x5, s8  }
0xa6: {  	_ =	swait.ge [sflag:s24], $0x200;
	s10 =	smulhi.u32 $0x51EB851F, s5  }
0xa7: {  	[sflag:s24] =	ssyncset.done $0x0  }
0xa8: {  	[sflag:s24] =	ssyncadd.s32 $0xFFFFFE00;
	s10 =	sshrl.u32 s10, $0x6  }
0xa9: {  	_ =	swait.ge [sflag:s19], $0x4000;
	s10 =	smul.u32 $0xC8, s10  }
0xaa: {  	[sflag:s19] =	ssyncset.done $0x0  }
0xab: {  	[sflag:s19] =	ssyncadd.s32 $0xFFFFC000;
	s5 =	ssub.s32 s5, s10  }
0xac: {  	[tilespmem:s15], [sflag:$0x1] =	stream.indirect.gather [hbm4b:s2+s14], $0x20, s3, s14, $0xb8;
	[tilespmem:$0x10800] =	vst v63  }
0xad: {  	s12 =	simm.s32 $0x1800;
	s5 =	sshll.u32 s5, $0x9  }
0xae: {  	[tilespmem:s12], [sflag:$0x1] =	stream.indirect.gather [hbm4b:s2+s14], $0x20, s14, s14, $0xb8;
	[tilespmem:$0x10800] =	vst v63  }
0xaf: {  	s6 =	simm.s32 $0x2800;
	s5 =	sadd.s32 s11, s5;
	s12 =	simm.s32 $0x100  }
0xb0: {  	[tilespmem:s6], [sflag:$0x1] =	stream.indirect.gather [hbm4b:s2+s14], $0x20, s12, s14, $0xb8;
	[tilespmem:$0x10800] =	vst v63  }
0xb1: {  	s5 =	sshrl.u32 s5, $0x3;
	s6 =	simm.s32 $0x180;
	s12 =	simm.s32 $0x3800  }
0xb2: {  	[tilespmem:s12], [sflag:$0x1] =	stream.indirect.gather [hbm4b:s2+s14], $0x20, s6, s14, $0xb8;
	[tilespmem:$0x10800] =	vst v63  }
0xb3: {  	s5 =	sadd.s32 s4, s5  }
0xb4: {  	[tilespmem:s21], [sflag:$0xA] =	stream.linear.gather [hbm4b:s5+s3], $0x200, $0x38;
	[tilespmem:$0x10800] =	vst v63  }
0xb5: {  	_ =	swait.ge [sflag:s25], $0x4000  }
0xb6: {  	[sflag:s25] =	ssyncset.done $0x0  }
0xb7: {  	s10 =	simm.s32 $0x8800;
	[sflag:s25] =	ssyncadd.s32 $0xFFFFC000  }
0xb8: {  	v0 =	vld [tilespmem:s10+$0xF0]  }
0xb9: {  	v1 =	vld [tilespmem:s10+$0x10]  }
0xba: {  	v2 =	vld [tilespmem:s10+$0x20]  }
0xbb: {  	v3 =	vld [tilespmem:s10+$0x30]  }
0xbc: {  	v4 =	vld [tilespmem:s10+$0x40]  }
0xbd: {  	v5 =	vld [tilespmem:s10+$0x50];
	v0 =	vmul.f32 $5.656854150e+00, v0  }
0xbe: {  	v6 =	vld [tilespmem:s10+$0x60];
	v1 =	vmul.f32 $5.656854150e+00, v1  }
0xbf: {  	v7 =	vld [tilespmem:s10+$0x70];
	v2 =	vmul.f32 $5.656854150e+00, v2;
	[tilespmem:s10+$0xF0] =	vst v0  }
0xc0: {  	[tilespmem:s10+$0x10] =	vst v1;
	v0 =	vmul.f32 $5.656854150e+00, v3;
	v3 =	vld [tilespmem:s10+$0x80]  }
0xc1: {  	[tilespmem:s10+$0x20] =	vst v2;
	v1 =	vmul.f32 $5.656854150e+00, v4;
	v4 =	vld [tilespmem:s10+$0x90]  }
0xc2: {  	v8 =	vld [tilespmem:s10+$0xA0];
	v2 =	vmul.f32 $5.656854150e+00, v5;
	[tilespmem:s10+$0x30] =	vst v0  }
0xc3: {  	v5 =	vmul.f32 $5.656854150e+00, v6;
	[tilespmem:s10+$0x40] =	vst v1;
	v0 =	vld [tilespmem:s10+$0xB0]  }
0xc4: {  	v6 =	vmul.f32 $5.656854150e+00, v7;
	[tilespmem:s10+$0x50] =	vst v2;
	v1 =	vld [tilespmem:s10+$0xC0]  }
0xc5: {  	[tilespmem:s10+$0x60] =	vst v5;
	v2 =	vld [tilespmem:s10+$0xD0];
	v7 =	vmul.f32 $5.656854150e+00, v3  }
0xc6: {  	[tilespmem:s10+$0x70] =	vst v6;
	v3 =	vld [tilespmem:s10+$0xE0];
	v5 =	vmul.f32 $5.656854150e+00, v4  }
0xc7: {  	s12 =	simm.s32 $0x0;
	s5 =	simm.s32 $0x8900;
	v6 =	vmul.f32 $5.656854150e+00, v8;
	v4 =	vld [tilespmem:s10+$0x0];
	[tilespmem:s10+$0x80] =	vst v7  }
.LBB2_7:
0xc8: {  	v7 =	vld [tilespmem:s5+$0xF0];
	s12 =	sadd.s32 $0x8, s12;
	[tilespmem:s10+$0x90] =	vst v5;
	v0 =	vmul.f32 $5.656854150e+00, v0  }
0xc9: {  	v5 =	vld [tilespmem:s5+$0x10];
	p0 =	slt.u32 s12, $0x1F8;
	[tilespmem:s10+$0xA0] =	vst v6;
	v1 =	vmul.f32 $5.656854150e+00, v1  }
0xca: {  	v6 =	vld [tilespmem:s5+$0x20];
	[tilespmem:s10+$0xB0] =	vst v0;
	v0 =	vmul.f32 $5.656854150e+00, v2  }
0xcb: {  	v2 =	vld [tilespmem:s5+$0x30];
	[tilespmem:s10+$0xC0] =	vst v1;
	v1 =	vmul.f32 $5.656854150e+00, v3  }
0xcc: {  	v3 =	vld [tilespmem:s5+$0x40];
	v4 =	vmul.f32 $5.656854150e+00, v4;
	[tilespmem:s10+$0xD0] =	vst v0  }
0xcd: {  	v0 =	vld [tilespmem:s5+$0x50];
	v7 =	vmul.f32 $5.656854150e+00, v7;
	[tilespmem:s10+$0xE0] =	vst v1  }
0xce: {  	v1 =	vmul.f32 $5.656854150e+00, v5;
	v5 =	vld [tilespmem:s5+$0x60];
	[tilespmem:s10+$0x0] =	vst v4;
	s10 =	smov.u32 s5  }
0xcf: {  	v4 =	vmul.f32 $5.656854150e+00, v6;
	v6 =	vld [tilespmem:s5+$0x70];
	[tilespmem:s5+$0xF0] =	vst v7  }
0xd0: {  	[tilespmem:s5+$0x10] =	vst v1;
	v1 =	vmul.f32 $5.656854150e+00, v2;
	v2 =	vld [tilespmem:s5+$0x80]  }
0xd1: {  	[tilespmem:s5+$0x20] =	vst v4;
	v3 =	vmul.f32 $5.656854150e+00, v3;
	v4 =	vld [tilespmem:s5+$0x90]  }
0xd2: {  	[tilespmem:s5+$0x30] =	vst v1;
	v1 =	vmul.f32 $5.656854150e+00, v0;
	v7 =	vld [tilespmem:s5+$0xA0]  }
.Ltmp2:
0xd3: {  	[tilespmem:s5+$0x40] =	vst v3;
	v3 =	vmul.f32 $5.656854150e+00, v5;
	v0 =	vld [tilespmem:s5+$0xB0];
	(pc) =	sbr.rel @p0 .LBB2_7-.Ltmp2, $4  }
0xd4: {  	[tilespmem:s5+$0x50] =	vst v1;
	v5 =	vmul.f32 $5.656854150e+00, v6;
	v1 =	vld [tilespmem:s5+$0xC0]  }
0xd5: {  	[tilespmem:s5+$0x60] =	vst v3;
	v6 =	vmul.f32 $5.656854150e+00, v2;
	v2 =	vld [tilespmem:s5+$0xD0]  }
0xd6: {  	[tilespmem:s5+$0x70] =	vst v5;
	v5 =	vmul.f32 $5.656854150e+00, v4;
	v3 =	vld [tilespmem:s5+$0xE0]  }
0xd7: {  	s5 =	sadd.s32 $0x100, s5;
	v4 =	vld [tilespmem:s10+$0x0];
	[tilespmem:s10+$0x80] =	vst v6;
	v6 =	vmul.f32 $5.656854150e+00, v7  }
0xd8: {  	[tilespmem:s10+$0x90] =	vst v5;
	v0 =	vmul.f32 $5.656854150e+00, v0  }
0xd9: {  	[tilespmem:s10+$0xA0] =	vst v6;
	v1 =	vmul.f32 $5.656854150e+00, v1  }
0xda: {  	[tilespmem:s10+$0xB0] =	vst v0;
	v0 =	vmul.f32 $5.656854150e+00, v2  }
0xdb: {  	[tilespmem:s10+$0xC0] =	vst v1;
	v1 =	vmul.f32 $5.656854150e+00, v3  }
0xdc: {  	v2 =	vmul.f32 $5.656854150e+00, v4;
	[tilespmem:s10+$0xD0] =	vst v0  }
0xdd: {  	[tilespmem:s10+$0xE0] =	vst v1  }
0xde: {  	s5 =	sadd.s32 $0x8, s9;
	[tilespmem:s10+$0x0] =	vst v2  }
0xdf: {  	[hbm4b:s5+s16] =	stream.strided.scatter [tilespmem:s31], [sflag:$0x7], $0x4000, s14, s16, $0x38;
	[tilespmem:$0x10800] =	vst v63  }
0xe0: {  	s5 =	sadd.s32 $0x6, s8  }
0xe1: {  	_ =	swait.ge [sflag:s23], $0x200;
	s10 =	smulhi.u32 $0x51EB851F, s5  }
0xe2: {  	[sflag:s23] =	ssyncset.done $0x0  }
0xe3: {  	[sflag:s23] =	ssyncadd.s32 $0xFFFFFE00;
	s10 =	sshrl.u32 s10, $0x6  }
0xe4: {  	_ =	swait.ge [sflag:s26], $0x4000;
	s10 =	smul.u32 $0xC8, s10  }
0xe5: {  	[sflag:s26] =	ssyncset.done $0x0  }
0xe6: {  	[sflag:s26] =	ssyncadd.s32 $0xFFFFC000;
	s5 =	ssub.s32 s5, s10  }
0xe7: {  	[tilespmem:s22], [sflag:$0x2] =	stream.indirect.gather [hbm4b:s2+s14], $0x20, s21, s14, $0xb8;
	[tilespmem:$0x10800] =	vst v63  }
0xe8: {  	s12 =	simm.s32 $0x280;
	s6 =	simm.s32 $0x5800;
	s5 =	sshll.u32 s5, $0x9  }
0xe9: {  	[tilespmem:s6], [sflag:$0x2] =	stream.indirect.gather [hbm4b:s2+s14], $0x20, s12, s14, $0xb8;
	[tilespmem:$0x10800] =	vst v63  }
0xea: {  	s5 =	sadd.s32 s11, s5;
	s6 =	simm.s32 $0x300;
	s12 =	simm.s32 $0x6800  }
0xeb: {  	[tilespmem:s12], [sflag:$0x2] =	stream.indirect.gather [hbm4b:s2+s14], $0x20, s6, s14, $0xb8;
	[tilespmem:$0x10800] =	vst v63  }
0xec: {  	s5 =	sshrl.u32 s5, $0x3;
	s6 =	simm.s32 $0x380;
	s12 =	simm.s32 $0x7800  }
0xed: {  	[tilespmem:s12], [sflag:$0x2] =	stream.indirect.gather [hbm4b:s2+s14], $0x20, s6, s14, $0xb8;
	[tilespmem:$0x10800] =	vst v63  }
0xee: {  	s5 =	sadd.s32 s4, s5  }
0xef: {  	[tilespmem:s30], [sflag:$0xB] =	stream.linear.gather [hbm4b:s5+s3], $0x200, $0x38;
	[tilespmem:$0x10800] =	vst v63  }
0xf0: {  	_ =	swait.ge [sflag:s28], $0x4000  }
0xf1: {  	[sflag:s28] =	ssyncset.done $0x0  }
0xf2: {  	s10 =	simm.s32 $0xC800;
	[sflag:s28] =	ssyncadd.s32 $0xFFFFC000  }
0xf3: {  	v0 =	vld [tilespmem:s10+$0xF0]  }
0xf4: {  	v1 =	vld [tilespmem:s10+$0x10]  }
0xf5: {  	v2 =	vld [tilespmem:s10+$0x20]  }
0xf6: {  	v3 =	vld [tilespmem:s10+$0x30]  }
0xf7: {  	v4 =	vld [tilespmem:s10+$0x40]  }
0xf8: {  	v5 =	vld [tilespmem:s10+$0x50];
	v0 =	vmul.f32 $5.656854150e+00, v0  }
0xf9: {  	v6 =	vld [tilespmem:s10+$0x60];
	v1 =	vmul.f32 $5.656854150e+00, v1  }
0xfa: {  	v7 =	vld [tilespmem:s10+$0x70];
	v2 =	vmul.f32 $5.656854150e+00, v2;
	[tilespmem:s10+$0xF0] =	vst v0  }
0xfb: {  	[tilespmem:s10+$0x10] =	vst v1;
	v0 =	vmul.f32 $5.656854150e+00, v3;
	v3 =	vld [tilespmem:s10+$0x80]  }
0xfc: {  	[tilespmem:s10+$0x20] =	vst v2;
	v1 =	vmul.f32 $5.656854150e+00, v4;
	v4 =	vld [tilespmem:s10+$0x90]  }
0xfd: {  	v8 =	vld [tilespmem:s10+$0xA0];
	v2 =	vmul.f32 $5.656854150e+00, v5;
	[tilespmem:s10+$0x30] =	vst v0  }
0xfe: {  	v5 =	vmul.f32 $5.656854150e+00, v6;
	[tilespmem:s10+$0x40] =	vst v1;
	v0 =	vld [tilespmem:s10+$0xB0]  }
0xff: {  	v6 =	vmul.f32 $5.656854150e+00, v7;
	[tilespmem:s10+$0x50] =	vst v2;
	v1 =	vld [tilespmem:s10+$0xC0]  }
0x100: {  	[tilespmem:s10+$0x60] =	vst v5;
	v2 =	vld [tilespmem:s10+$0xD0];
	v7 =	vmul.f32 $5.656854150e+00, v3  }
0x101: {  	[tilespmem:s10+$0x70] =	vst v6;
	v3 =	vld [tilespmem:s10+$0xE0];
	v5 =	vmul.f32 $5.656854150e+00, v4  }
0x102: {  	s12 =	simm.s32 $0x0;
	s5 =	simm.s32 $0xC900;
	v6 =	vmul.f32 $5.656854150e+00, v8;
	v4 =	vld [tilespmem:s10+$0x0];
	[tilespmem:s10+$0x80] =	vst v7  }
.LBB2_9:
0x103: {  	v7 =	vld [tilespmem:s5+$0xF0];
	s12 =	sadd.s32 $0x8, s12;
	[tilespmem:s10+$0x90] =	vst v5;
	v0 =	vmul.f32 $5.656854150e+00, v0  }
0x104: {  	v5 =	vld [tilespmem:s5+$0x10];
	p0 =	slt.u32 s12, $0x1F8;
	[tilespmem:s10+$0xA0] =	vst v6;
	v1 =	vmul.f32 $5.656854150e+00, v1  }
0x105: {  	v6 =	vld [tilespmem:s5+$0x20];
	[tilespmem:s10+$0xB0] =	vst v0;
	v0 =	vmul.f32 $5.656854150e+00, v2  }
0x106: {  	v2 =	vld [tilespmem:s5+$0x30];
	[tilespmem:s10+$0xC0] =	vst v1;
	v1 =	vmul.f32 $5.656854150e+00, v3  }
0x107: {  	v3 =	vld [tilespmem:s5+$0x40];
	v4 =	vmul.f32 $5.656854150e+00, v4;
	[tilespmem:s10+$0xD0] =	vst v0  }
0x108: {  	v0 =	vld [tilespmem:s5+$0x50];
	v7 =	vmul.f32 $5.656854150e+00, v7;
	[tilespmem:s10+$0xE0] =	vst v1  }
0x109: {  	v1 =	vmul.f32 $5.656854150e+00, v5;
	v5 =	vld [tilespmem:s5+$0x60];
	[tilespmem:s10+$0x0] =	vst v4;
	s10 =	smov.u32 s5  }
0x10a: {  	v4 =	vmul.f32 $5.656854150e+00, v6;
	v6 =	vld [tilespmem:s5+$0x70];
	[tilespmem:s5+$0xF0] =	vst v7  }
0x10b: {  	[tilespmem:s5+$0x10] =	vst v1;
	v1 =	vmul.f32 $5.656854150e+00, v2;
	v2 =	vld [tilespmem:s5+$0x80]  }
0x10c: {  	[tilespmem:s5+$0x20] =	vst v4;
	v3 =	vmul.f32 $5.656854150e+00, v3;
	v4 =	vld [tilespmem:s5+$0x90]  }
0x10d: {  	[tilespmem:s5+$0x30] =	vst v1;
	v1 =	vmul.f32 $5.656854150e+00, v0;
	v7 =	vld [tilespmem:s5+$0xA0]  }
.Ltmp3:
0x10e: {  	[tilespmem:s5+$0x40] =	vst v3;
	v3 =	vmul.f32 $5.656854150e+00, v5;
	v0 =	vld [tilespmem:s5+$0xB0];
	(pc) =	sbr.rel @p0 .LBB2_9-.Ltmp3, $4  }
0x10f: {  	[tilespmem:s5+$0x50] =	vst v1;
	v5 =	vmul.f32 $5.656854150e+00, v6;
	v1 =	vld [tilespmem:s5+$0xC0]  }
0x110: {  	[tilespmem:s5+$0x60] =	vst v3;
	v6 =	vmul.f32 $5.656854150e+00, v2;
	v2 =	vld [tilespmem:s5+$0xD0]  }
0x111: {  	[tilespmem:s5+$0x70] =	vst v5;
	v5 =	vmul.f32 $5.656854150e+00, v4;
	v3 =	vld [tilespmem:s5+$0xE0]  }
0x112: {  	s5 =	sadd.s32 $0x100, s5;
	v4 =	vld [tilespmem:s10+$0x0];
	[tilespmem:s10+$0x80] =	vst v6;
	v6 =	vmul.f32 $5.656854150e+00, v7  }
0x113: {  	[tilespmem:s10+$0x90] =	vst v5;
	v0 =	vmul.f32 $5.656854150e+00, v0  }
0x114: {  	[tilespmem:s10+$0xA0] =	vst v6;
	v1 =	vmul.f32 $5.656854150e+00, v1  }
0x115: {  	[tilespmem:s10+$0xB0] =	vst v0;
	v61 =	vmul.f32 $5.656854150e+00, v2  }
0x116: {  	[tilespmem:s10+$0xC0] =	vst v1;
	v62 =	vmul.f32 $5.656854150e+00, v3  }
0x117: {  	v63 =	vmul.f32 $5.656854150e+00, v4;
	[tilespmem:s10+$0xD0] =	vst v61  }
0x118: {  	[tilespmem:s10+$0xE0] =	vst v62  }
0x119: {  	s5 =	sadd.s32 $0xC, s9;
	[tilespmem:s10+$0x0] =	vst v63  }
0x11a: {  	[hbm4b:s5+s16] =	stream.strided.scatter [tilespmem:s18], [sflag:$0x8], $0x4000, s14, s16, $0x38;
	[tilespmem:$0x10800] =	vst v63  }
0x11b: {  	_ =	swait.ge [sflag:s29], $0x200  }
0x11c: {  	s5 =	sadd.s32 $0x7, s8;
	[sflag:s29] =	ssyncset.done $0x0  }
0x11d: {  	s8 =	smulhi.u32 $0x51EB851F, s5;
	[sflag:s29] =	ssyncadd.s32 $0xFFFFFE00  }
0x11e: {  	_ =	swait.ge [sflag:s0], $0x4000  }
0x11f: {  	s9 =	simm.s32 $0x480;
	s8 =	sshrl.u32 s8, $0x6;
	[sflag:s0] =	ssyncset.done $0x0  }
0x120: {  	s6 =	simm.s32 $0x9800;
	s8 =	smul.u32 $0xC8, s8;
	[sflag:s0] =	ssyncadd.s32 $0xFFFFC000  }
0x121: {  	[tilespmem:s31], [sflag:$0x3] =	stream.indirect.gather [hbm4b:s2+s14], $0x20, s30, s14, $0xb8;
	[tilespmem:$0x10800] =	vst v63  }
0x122: {  	s12 =	simm.s32 $0xA800;
	s1 =	sadd.s32 $0x1, s1;
	s5 =	ssub.s32 s5, s8  }
0x123: {  	[tilespmem:s6], [sflag:$0x3] =	stream.indirect.gather [hbm4b:s2+s14], $0x20, s9, s14, $0xb8;
	[tilespmem:$0x10800] =	vst v63  }
0x124: {  	p0 =	sne.s32 s1, $0x32;
	s10 =	simm.s32 $0x500;
	s5 =	sshll.u32 s5, $0x9  }
0x125: {  	[tilespmem:s12], [sflag:$0x3] =	stream.indirect.gather [hbm4b:s2+s14], $0x20, s10, s14, $0xb8;
	[tilespmem:$0x10800] =	vst v63  }
.Ltmp4:
0x126: {  	s5 =	sadd.s32 s11, s5;
	(pc) =	sbr.rel @p0 .LBB2_2-.Ltmp4, $4  }
0x127: {  	s5 =	sshrl.u32 s5, $0x3;
	s10 =	simm.s32 $0x580;
	s12 =	simm.s32 $0xB800  }
0x128: {  	[tilespmem:s12], [sflag:$0x3] =	stream.indirect.gather [hbm4b:s2+s14], $0x20, s10, s14, $0xb8;
	[tilespmem:$0x10800] =	vst v63  }
0x129: {  	s5 =	sadd.s32 s4, s5  }
0x12a: {  	[tilespmem:s7], [sflag:$0xC] =	stream.linear.gather [hbm4b:s5+s3], $0x200, $0x38;
	[tilespmem:$0x10800] =	vst v63  }
0x12b: {  	_ =	swait.ge [sflag:s13], $0x4000  }
0x12c: {  	[sflag:s13] =	ssyncset.done $0x0  }
0x12d: {  	[sflag:s13] =	ssyncadd.s32 $0xFFFFC000  }
0x12e: {  	_ =	swait.ge [sflag:s20], $0x4000  }
0x12f: {  	[sflag:s20] =	ssyncset.done $0x0  }
0x130: {  	[sflag:s20] =	ssyncadd.s32 $0xFFFFC000  }
0x131: {  	_ =	swait.ge [sflag:s25], $0x4000  }
0x132: {  	[sflag:s25] =	ssyncset.done $0x0  }
0x133: {  	[sflag:s25] =	ssyncadd.s32 $0xFFFFC000  }
0x134: {  	_ =	swait.ge [sflag:s17], $0x200  }
0x135: {  	[sflag:s17] =	ssyncset.done $0x0  }
0x136: {  	s5 =	simm.s32 $0x8;
	[sflag:s17] =	ssyncadd.s32 $0xFFFFFE00  }
0x137: {  	_ =	swait.ge [sflag:s5], $0x4000  }
0x138: {  	s6 =	rddreg [dreg:$0xa]  }
0x139: {  	s1 =	rddreg [dreg:$0x8];
	s6 =	sadd.s32 $0x1, s6  }
0x13a: {  	p0 =	sne.s32 s6, s1  }
.Ltmp5:
0x13b: {  	_ = 	snop;
	(pc) =	sbr.rel @p0 .LBB2_1-.Ltmp5, $3  }
0x13c: {  	_ =	sdelay $0x1  }
0x13d: {  	[sflag:s5] =	ssyncset.done $0x0  }
0x13e: {  	[sflag:s5] =	ssyncadd.s32 $0xFFFFC000  }
0x13f: {  	_ =	sfence.sel $0x180000  }
0x140: {  	[bflag:$0x0] =	sbarrier.arrive $0xFFFF  }
0x141: {  	_ =	strace $0x90000047  }
0x142: {  	s0 =	stileid.u32;
	[bflag:$0x2] =	sbarrier.arrive $0xFFFF  }
0x143: {  	p0 =	sne.s32 s0, $0x0;
	s0 =	rddreg [dreg:$0x2]  }
0x144: {  	s0 =	sadd.s32 @!p0 $0x100000, s0  }
0x145: {  	[sflag:s0] =	ssyncadd.tile.s32 @!p0 $0x1;
	_ =	shalt  }
.Lfunc_end2:
_tile_overlayer_lowered:
.L_overlay_start_2:
0x146: {  	(tag) =	ssettag $0x2  }
0x147: {  	s0 =	rddreg [dreg:$0x0];
	s2 =	stileid.u32  }
0x148: {  	s1 =	rddreg [dreg:$0x1];
	p0 =	sne.s32 s2, $0x0  }
0x149: {  	s3 =	rddreg [dreg:$0x2];
	[bflag:$0x3] =	sbarrier.arrive $0xFFFF;
	s2 =	simm.s32 @!p0 $0x1C0D  }
0x14a: {  	[timem:s3], [sflag:s2] =	dma.local @!p0 [hbm:s0], s1  }
0x14b: {  	s0 =	simm.s32 @!p0 $0xD  }
0x14c: {  	_ =	swait.ge @!p0 [sflag:s0], s1  }
0x14d: {  	s1 =	ssub.s32 @!p0 $0x0, s1;
	[sflag:s0] =	ssyncset.done @!p0 $0x0  }
0x14e: {  	[sflag:s0] =	ssyncadd.s32 @!p0 s1  }
0x14f: {  	[bflag:$0x3] =	sbarrier.arrive $0xFFFF  }
0x150: {  	_ =	shalt  }

</sc_bundles>
